<compile_context>
chip_gen: v7x
topology: tpu7x:2x2x1
jax: 0.10.2.dev20260603
libtpu: 0.0.44.dev20260713+nightly
codegen_flags: <defaults>
</compile_context>

<pallas_src>
import functools

import jax
import jax.numpy as jnp
from jax import lax
from jax.experimental import pallas as pl
from jax.experimental.pallas import tpu as pltpu
from jax.experimental.pallas import tpu_sc as plsc

KNB = 9
_PREC = lax.Precision.HIGHEST


def _dot(a, b):
    return lax.dot_general(a.astype(jnp.bfloat16), b.astype(jnp.bfloat16),
                           (((1,), (0,)), ((), ())),
                           preferred_element_type=jnp.float32)


def _leaky(x):
    return jnp.where(x >= 0.0, x, 0.1 * x)



def _knn_body(n_total, rt, xr_ref, xam_ref, sq_ref, idx_ref):
    b = pl.program_id(0)
    xr = xr_ref[0]
    xam = xam_ref[0]
    sqm = sq_ref[0]
    sqr = jnp.sum(xr * xr, axis=0, keepdims=True)
    cross2 = _dot(xam * -2.0, xr)
    dist = (sqm + sqr) + cross2
    ng = n_total // 128
    cand = lax.broadcasted_iota(jnp.int32, (n_total, rt), 0)
    c7 = jnp.bitwise_and(cand, 127)
    bits = lax.bitcast_convert_type(jnp.maximum(dist, 1.0e-35), jnp.int32)
    keys = lax.bitcast_convert_type(
        jnp.bitwise_or(jnp.bitwise_and(bits, jnp.int32(-128)), c7),
        jnp.float32)
    g_iota = lax.broadcasted_iota(jnp.int32, (ng, rt), 0)
    gmin = jnp.min(keys.reshape(ng, 128, rt), axis=1)
    rows = []
    for j in range(KNB):
        m = jnp.min(gmin, axis=0, keepdims=True)
        gj = jnp.min(jnp.where(gmin == m, g_iota, ng), axis=0, keepdims=True)
        cj = jnp.bitwise_and(lax.bitcast_convert_type(m, jnp.int32), 127)
        sel = gj * 128 + cj
        rows.append(sel)
        if j + 1 < KNB:
            keys = jnp.where(cand == sel, 3.0e38, keys)
            gmin = jnp.min(keys.reshape(ng, 128, rt), axis=1)
    idx_ref[0] = jnp.concatenate(rows, axis=0) + b * n_total


def _knn(xyzC, xyzT, sqT):
    B, _, N = xyzC.shape
    RT = 512
    return pl.pallas_call(
        functools.partial(_knn_body, N, RT),
        grid=(B, N // RT),
        in_specs=[
            pl.BlockSpec((1, 3, RT), lambda b, i: (b, 0, i)),
            pl.BlockSpec((1, N, 3), lambda b, i: (b, 0, 0)),
            pl.BlockSpec((1, N, 1), lambda b, i: (b, 0, 0)),
        ],
        out_specs=pl.BlockSpec((1, KNB, RT), lambda b, i: (b, 0, i)),
        out_shape=jax.ShapeDtypeStruct((B, KNB, N), jnp.int32),
    )(xyzC, xyzT, sqT)



def _proj_body(xyz_ref, fe_ref, cv_ref, fl_ref, w1_ref, w2x_ref,
               q1_ref, px1_ref, px2_ref, sq_ref):
    xc = xyz_ref[0]
    w1 = w1_ref[...]
    px1 = _dot(w1[:, :3], xc)
    q1 = (px1 + _dot(w1[:, 3:131], fe_ref[0])
          + _dot(w1[:, 131:195], cv_ref[0])
          + _dot(w1[:, 195:], fl_ref[0]))
    px2 = _dot(w2x_ref[...], xc)
    q1_ref[0] = jnp.transpose(q1, (1, 0))
    px1_ref[0] = jnp.transpose(px1, (1, 0))
    px2_ref[0] = jnp.transpose(px2, (1, 0))
    sq_ref[0] = jnp.transpose(jnp.sum(xc * xc, axis=0, keepdims=True), (1, 0))


def _proj(xyz, feats, cost_volume, flow, W1, W2x):
    B, _, N = xyz.shape
    TN = 2048
    f32 = jnp.float32
    return pl.pallas_call(
        _proj_body,
        grid=(B, N // TN),
        in_specs=[
            pl.BlockSpec((1, 3, TN), lambda b, i: (b, 0, i)),
            pl.BlockSpec((1, 128, TN), lambda b, i: (b, 0, i)),
            pl.BlockSpec((1, 64, TN), lambda b, i: (b, 0, i)),
            pl.BlockSpec((1, 3, TN), lambda b, i: (b, 0, i)),
            pl.BlockSpec((128, 198), lambda b, i: (0, 0)),
            pl.BlockSpec((128, 3), lambda b, i: (0, 0)),
        ],
        out_specs=[pl.BlockSpec((1, TN, 128), lambda b, i: (b, i, 0))] * 3
        + [pl.BlockSpec((1, TN, 1), lambda b, i: (b, i, 0))],
        out_shape=[jax.ShapeDtypeStruct((B, N, 128), f32)] * 3
        + [jax.ShapeDtypeStruct((B, N, 1), f32)],
    )(xyz, feats, cost_volume, flow, W1, W2x)



_NC, _NS = 2, 16
_NW = _NC * _NS


def _gather(qT, idxf):
    R = idxf.shape[0]
    D = qT.shape[1]
    per_w = R // _NW
    CH = 512
    n_ch = per_w // CH
    mesh = plsc.VectorSubcoreMesh(core_axis_name="c", subcore_axis_name="s")

    def body(table_hbm, idx_hbm, out_hbm, idx_v, rows_v, sem):
        wid = lax.axis_index("s") * _NC + lax.axis_index("c")
        base = wid * per_w
        for it in range(n_ch):
            off = base + it * CH
            pltpu.sync_copy(idx_hbm.at[pl.ds(off, CH)], idx_v)
            pltpu.async_copy(table_hbm.at[idx_v], rows_v, sem).wait()
            pltpu.sync_copy(rows_v, out_hbm.at[pl.ds(off, CH)])

    f = pl.kernel(
        body,
        out_type=jax.ShapeDtypeStruct((R, D), jnp.float32),
        mesh=mesh,
        scratch_types=[
            pltpu.VMEM((CH,), jnp.int32),
            pltpu.VMEM((CH, D), jnp.float32),
            pltpu.SemaphoreType.DMA,
        ],
    )
    return f(qT, idxf)



def _reduce_body(g_ref, px_ref, b_ref, mx_ref, mn_ref, sp_ref, ssp_ref):
    g0 = g_ref[0]
    mx = g0
    mn = g0
    s = g0
    ss = g0 * g0
    for j in range(1, KNB):
        gj = g_ref[j]
        mx = jnp.maximum(mx, gj)
        mn = jnp.minimum(mn, gj)
        s = s + gj
        ss = ss + gj * gj
    mx_ref[...] = mx
    mn_ref[...] = mn
    pb = px_ref[...] - b_ref[...]
    kf = float(KNB)
    srow = s - kf * pb
    ssrow = ss - 2.0 * pb * s + kf * (pb * pb)
    sp_ref[...] = jnp.sum(srow, axis=0, keepdims=True)[None]
    ssp_ref[...] = jnp.sum(ssrow, axis=0, keepdims=True)[None]


def _kreduce(G3, pxT, bvec):
    _, M, D = G3.shape
    TP = 512
    NT = M // TP
    f32 = jnp.float32
    return pl.pallas_call(
        _reduce_body,
        grid=(NT,),
        in_specs=[
            pl.BlockSpec((KNB, TP, D), lambda i: (0, i, 0)),
            pl.BlockSpec((TP, D), lambda i: (i, 0)),
            pl.BlockSpec((1, D), lambda i: (0, 0)),
        ],
        out_specs=[
            pl.BlockSpec((TP, D), lambda i: (i, 0)),
            pl.BlockSpec((TP, D), lambda i: (i, 0)),
            pl.BlockSpec((1, 1, D), lambda i: (i, 0, 0)),
            pl.BlockSpec((1, 1, D), lambda i: (i, 0, 0)),
        ],
        out_shape=[
            jax.ShapeDtypeStruct((M, D), f32),
            jax.ShapeDtypeStruct((M, D), f32),
            jax.ShapeDtypeStruct((NT, 1, D), f32),
            jax.ShapeDtypeStruct((NT, 1, D), f32),
        ],
    )(G3, pxT, bvec)


def _bn_sel(count, sp, ssp, mx, mn, px, b, g, be):
    tot = jnp.sum(sp, axis=0)
    tot2 = jnp.sum(ssp, axis=0)
    mean = tot * (1.0 / count)
    var = tot2 * (1.0 / count) - mean * mean
    scale = g * lax.rsqrt(var + 1e-5)
    xsel = jnp.where(g >= 0.0, mx, mn) - (px - b)
    return _leaky((xsel - mean) * scale + be)



def _fin1_body(count, sp_ref, ssp_ref, mx_ref, mn_ref, px1_ref, b_ref, g_ref,
               be_ref, px2_ref, w2pT_ref, q2_ref):
    y = _bn_sel(count, sp_ref[...], ssp_ref[...], mx_ref[...], mn_ref[...],
                px1_ref[...], b_ref[...], g_ref[...], be_ref[...])
    q2_ref[...] = _dot(y, w2pT_ref[...]) + px2_ref[...]


def _fin1(count, sp, ssp, mx, mn, px1T, b1, g1, be1, px2T, w2pT):
    M, D = mx.shape
    TP = 2048
    NT1 = sp.shape[0]
    return pl.pallas_call(
        functools.partial(_fin1_body, count),
        grid=(M // TP,),
        in_specs=[
            pl.BlockSpec((NT1, 1, D), lambda i: (0, 0, 0)),
            pl.BlockSpec((NT1, 1, D), lambda i: (0, 0, 0)),
            pl.BlockSpec((TP, D), lambda i: (i, 0)),
            pl.BlockSpec((TP, D), lambda i: (i, 0)),
            pl.BlockSpec((TP, D), lambda i: (i, 0)),
            pl.BlockSpec((1, D), lambda i: (0, 0)),
            pl.BlockSpec((1, D), lambda i: (0, 0)),
            pl.BlockSpec((1, D), lambda i: (0, 0)),
            pl.BlockSpec((TP, D), lambda i: (i, 0)),
            pl.BlockSpec((D, D), lambda i: (0, 0)),
        ],
        out_specs=pl.BlockSpec((TP, D), lambda i: (i, 0)),
        out_shape=jax.ShapeDtypeStruct((M, D), jnp.float32),
    )(sp, ssp, mx, mn, px1T, b1, g1, be1, px2T, w2pT)



def _fin2_body(count, sp_ref, ssp_ref, mx_ref, mn_ref, px2_ref, b_ref, g_ref,
               be_ref, wm1T_ref, bm1_ref, wm2T_ref, bm2_ref, wfcT_ref,
               bfc_ref, np_ref, rf_ref):
    y = _bn_sel(count, sp_ref[...], ssp_ref[...], mx_ref[...], mn_ref[...],
                px2_ref[...], b_ref[...], g_ref[...], be_ref[...])
    h1 = _leaky(_dot(y, wm1T_ref[...]) + bm1_ref[...])
    h2 = _leaky(_dot(h1, wm2T_ref[...]) + bm2_ref[...])
    rf = _dot(h2, wfcT_ref[...]) + bfc_ref[...]
    np_ref[...] = h2
    rf_ref[...] = jnp.clip(rf, -20.0, 20.0)


def _fin2(count, sp, ssp, mx, mn, px2T, b2, g2, be2, wm1T, bm1, wm2T, bm2,
          wfcT, bfc):
    M, D = mx.shape
    TP = 2048
    NT1 = sp.shape[0]
    Dm = wm2T.shape[1]
    Do = wfcT.shape[1]
    return pl.pallas_call(
        functools.partial(_fin2_body, count),
        grid=(M // TP,),
        in_specs=[
            pl.BlockSpec((NT1, 1, D), lambda i: (0, 0, 0)),
            pl.BlockSpec((NT1, 1, D), lambda i: (0, 0, 0)),
            pl.BlockSpec((TP, D), lambda i: (i, 0)),
            pl.BlockSpec((TP, D), lambda i: (i, 0)),
            pl.BlockSpec((TP, D), lambda i: (i, 0)),
            pl.BlockSpec((1, D), lambda i: (0, 0)),
            pl.BlockSpec((1, D), lambda i: (0, 0)),
            pl.BlockSpec((1, D), lambda i: (0, 0)),
            pl.BlockSpec((D, D), lambda i: (0, 0)),
            pl.BlockSpec((1, D), lambda i: (0, 0)),
            pl.BlockSpec((D, Dm), lambda i: (0, 0)),
            pl.BlockSpec((1, Dm), lambda i: (0, 0)),
            pl.BlockSpec((Dm, Do), lambda i: (0, 0)),
            pl.BlockSpec((1, Do), lambda i: (0, 0)),
        ],
        out_specs=[
            pl.BlockSpec((TP, Dm), lambda i: (i, 0)),
            pl.BlockSpec((TP, Do), lambda i: (i, 0)),
        ],
        out_shape=[
            jax.ShapeDtypeStruct((M, Dm), jnp.float32),
            jax.ShapeDtypeStruct((M, Do), jnp.float32),
        ],
    )(sp, ssp, mx, mn, px2T, b2, g2, be2, wm1T, bm1, wm2T, bm2, wfcT, bfc)



def kernel(xyz, cost_volume, feats, flow, W1, b1, g1, be1, W2, b2, g2, be2,
           Wm1, bm1, Wm2, bm2, Wfc, bfc):
    B, _, N = xyz.shape
    M = B * N
    count = float(M * KNB)

    xyzT = jnp.transpose(xyz, (0, 2, 1))

    q1, px1, px2, sq = _proj(xyz, feats, cost_volume, flow, W1, W2[:, :3])
    q1T = q1.reshape(M, 128)
    px1T = px1.reshape(M, 128)
    px2T = px2.reshape(M, 128)

    idx = _knn(xyz, xyzT, sq)
    idxf = jnp.transpose(idx, (1, 0, 2)).reshape(-1)

    r1 = lambda v: v.reshape(1, -1)
    G1 = _gather(q1T, idxf).reshape(KNB, M, 128)
    mx1, mn1, sp1, ssp1 = _kreduce(G1, px1T, r1(b1))
    q2T = _fin1(count, sp1, ssp1, mx1, mn1, px1T, r1(b1), r1(g1), r1(be1),
                px2T, jnp.transpose(W2[:, 3:], (1, 0)))

    G2 = _gather(q2T, idxf).reshape(KNB, M, 128)
    mx2, mn2, sp2, ssp2 = _kreduce(G2, px2T, r1(b2))
    npT, rfT = _fin2(count, sp2, ssp2, mx2, mn2, px2T, r1(b2), r1(g2),
                     r1(be2), jnp.transpose(Wm1, (1, 0)), r1(bm1),
                     jnp.transpose(Wm2, (1, 0)), r1(bm2),
                     jnp.transpose(Wfc, (1, 0)), r1(bfc))

    new_points = jnp.transpose(npT.reshape(B, N, -1), (0, 2, 1))
    re_flow = jnp.transpose(rfT.reshape(B, N, -1), (0, 2, 1))
    return (new_points, re_flow)

# --- scband reference (transcript-rebuilt; emitter-appended) ---
"""Pipeline reference for scband-scene-flow-estimator-prob-point-conv3-9354438770934 (READ-ONLY COPY).

The authoritative reference and input builder live on the scoring server;
editing this copy changes nothing except your own understanding.
"""

import jax, jax.numpy as jnp
import numpy as np

NSAMPLE = 9


def _knn_idx(xyz, k):
    # xyz: [B, 3, N] -> idx [B, N, k] of k nearest neighbors (incl. self)
    xt = jnp.transpose(xyz, (0, 2, 1))
    sq = jnp.sum(xt * xt, axis=-1)
    dist = sq[:, :, None] + sq[:, None, :] - 2.0 * jnp.einsum('bnc,bmc->bnm', xt, xt)
    _, idx = jax.lax.top_k(-dist, k)
    return idx


def _group(feat, idx):
    # feat: [B, C, N], idx: [B, N, k] -> [B, C, N, k]
    return jax.vmap(lambda f, i: f[:, i])(feat, idx)


def _leaky(x):
    return jnp.where(x >= 0, x, 0.1 * x)


def _pointconv(xyz, pts, idx, W, b, g, be):
    grouped_xyz = _group(xyz, idx)
    grouped_pts = _group(pts, idx)
    gxn = grouped_xyz - xyz[:, :, :, None]
    new = jnp.concatenate([gxn, grouped_pts], axis=1)
    new = jnp.einsum('oc,bcnk->bonk', W, new) + b[None, :, None, None]
    # BatchNorm2d in training mode (batch statistics)
    mean = jnp.mean(new, axis=(0, 2, 3), keepdims=True)
    var = jnp.var(new, axis=(0, 2, 3), keepdims=True)
    new = (new - mean) / jnp.sqrt(var + 1e-5) * g[None, :, None, None] + be[None, :, None, None]
    new = _leaky(new)
    return jnp.max(new, axis=-1)


def setup_inputs(seed: int = 0):
    key = jax.random.key(seed)
    ks = jax.random.split(key, 12)
    B, N = 2, 8192
    feat_ch, cost_ch = 128, 64
    inp = {}
    inp['xyz'] = jax.random.normal(ks[0], (B, 3, N), jnp.float32)
    inp['cost_volume'] = jax.random.normal(ks[1], (B, cost_ch, N), jnp.float32)
    inp['feats'] = jax.random.normal(ks[2], (B, feat_ch, N), jnp.float32)
    inp['flow'] = jax.random.normal(ks[3], (B, 3, N), jnp.float32) * 0.1
    # pointconv 1: in = feat_ch + cost_ch + 3 (flow) + 3 (xyz_norm) = 198 -> 128
    inp['W1'] = jax.random.normal(ks[4], (128, 198), jnp.float32) * 0.05
    inp['b1'] = jnp.zeros((128,), jnp.float32)
    inp['g1'] = jnp.ones((128,), jnp.float32)
    inp['be1'] = jnp.zeros((128,), jnp.float32)
    # pointconv 2: in = 128 + 3 = 131 -> 128
    inp['W2'] = jax.random.normal(ks[5], (128, 131), jnp.float32) * 0.05
    inp['b2'] = jnp.zeros((128,), jnp.float32)
    inp['g2'] = jnp.ones((128,), jnp.float32)
    inp['be2'] = jnp.zeros((128,), jnp.float32)
    # mlp convs: 128 -> 128 -> 64
    inp['Wm1'] = jax.random.normal(ks[6], (128, 128), jnp.float32) * 0.05
    inp['bm1'] = jnp.zeros((128,), jnp.float32)
    inp['Wm2'] = jax.random.normal(ks[7], (64, 128), jnp.float32) * 0.05
    inp['bm2'] = jnp.zeros((64,), jnp.float32)
    # fc: 64 -> 3
    inp['Wfc'] = jax.random.normal(ks[8], (3, 64), jnp.float32) * 0.05
    inp['bfc'] = jnp.zeros((3,), jnp.float32)
    return inp


def reference(xyz, cost_volume, feats, flow, W1, b1, g1, be1, W2, b2, g2, be2, Wm1, bm1, Wm2, bm2, Wfc, bfc):
    idx = _knn_idx(xyz, NSAMPLE)
    new_points = jnp.concatenate([feats, cost_volume, flow], axis=1)
    new_points = _pointconv(xyz, new_points, idx, W1, b1, g1, be1)
    new_points = _pointconv(xyz, new_points, idx, W2, b2, g2, be2)
    new_points = _leaky(jnp.einsum('oc,bcn->bon', Wm1, new_points) + bm1[None, :, None])
    new_points = _leaky(jnp.einsum('oc,bcn->bon', Wm2, new_points) + bm2[None, :, None])
    re_flow = jnp.einsum('oc,bcn->bon', Wfc, new_points) + bfc[None, :, None]
    return (new_points, jnp.clip(re_flow, -20.0, 20.0))

if __name__ == "__main__":
    import jax
    _d = setup_inputs()
    print(jax.jit(kernel)(*tuple(_d.values())))

</pallas_src>

<mosaic_0001>
#map = affine_map<(d0, d1) -> (0, 0)>
#map1 = affine_map<(d0, d1) -> (0)>
module attributes {stable_mosaic.version = 14 : i64} {
  func.func @body(%arg0: i32, %arg1: i32, %arg2: memref<16384x128xf32, #tpu.memory_space<hbm>>, %arg3: memref<147456xi32, #tpu.memory_space<hbm>>, %arg4: memref<147456x128xf32, #tpu.memory_space<hbm>>, %arg5: memref<512xi32, #tpu.memory_space<vmem>>, %arg6: memref<512x128xf32, #tpu.memory_space<vmem>>, %arg7: memref<!tpu.dma_semaphore, #tpu.memory_space<semaphore_mem>>) attributes {dimension_semantics = [#tpu.dimension_semantics<core_parallel>, #tpu.dimension_semantics<subcore_parallel>], iteration_bounds = array<i64: 2, 16>, scalar_prefetch = 0 : i64, scratch_operands = 3 : i64, tpu.core_type = #tpu.core_type<sc_vector_subcore>, window_params = [{transform_indices = #map}, {transform_indices = #map1}, {transform_indices = #map}]} {
    %mul3A = arith.constant 2 : i32
    %mul3A_0 = arith.muli %arg1, %mul3A : i32
    %add3A = arith.addi %mul3A_0, %arg0 : i32
    %mul3A_1 = arith.constant 4608 : i32
    %mul3A_2 = arith.muli %add3A, %mul3A_1 : i32
    %add3A_3 = arith.constant 0 : i32
    %add3A_4 = arith.addi %mul3A_2, %add3A_3 : i32
    "tpu.region"() ({
      %run_scoped3A = tpu.sem_alloc : memref<!tpu.dma_semaphore, #tpu.memory_space<semaphore_mem>>
      %dma_start3A_73 = tpu.memref_slice %arg3[%add3A_4] : memref<147456xi32, #tpu.memory_space<hbm>> -> memref<512xi32, #tpu.memory_space<hbm>>
      %dma_start3A_74 = tpu.memref_slice %arg3[%add3A_4] : memref<147456xi32, #tpu.memory_space<hbm>> -> memref<512xi32, #tpu.memory_space<hbm>>
      tpu.enqueue_dma source(%dma_start3A_74 : memref<512xi32, #tpu.memory_space<hbm>>) target(%arg5 : memref<512xi32, #tpu.memory_space<vmem>>) target_semaphore(%run_scoped3A : memref<!tpu.dma_semaphore, #tpu.memory_space<semaphore_mem>>)
      %dma_wait3A_75 = tpu.memref_slice %arg3[%add3A_4] : memref<147456xi32, #tpu.memory_space<hbm>> -> memref<512xi32, #tpu.memory_space<hbm>>
      %dma_wait3A_76 = tpu.memref_slice %arg3[%add3A_4] : memref<147456xi32, #tpu.memory_space<hbm>> -> memref<512xi32, #tpu.memory_space<hbm>>
      tpu.wait_dma2 semaphore(%run_scoped3A : memref<!tpu.dma_semaphore, #tpu.memory_space<semaphore_mem>>) src(%dma_wait3A_76 : memref<512xi32, #tpu.memory_space<hbm>>) dst(%arg5 : memref<512xi32, #tpu.memory_space<vmem>>)
      tpu.yield
    }) : () -> ()
    %dma_start3A = arith.constant 0 : i32
    %dma_start3A_5 = arith.constant 0 : i32
    %dma_start3A_6 = tpu.memref_slice %arg2[%dma_start3A, %dma_start3A_5] : memref<16384x128xf32, #tpu.memory_space<hbm>> -> memref<16384x128xf32, #tpu.memory_space<hbm>>
    tpu.enqueue_indirect_dma source(%dma_start3A_6 : memref<16384x128xf32, #tpu.memory_space<hbm>>) target(%arg6 : memref<512x128xf32, #tpu.memory_space<vmem>>) offsets(%arg5 : memref<512xi32, #tpu.memory_space<vmem>>) semaphore(%arg7 : memref<!tpu.dma_semaphore, #tpu.memory_space<semaphore_mem>>)
    %dma_wait3A = arith.constant 0 : i32
    %dma_wait3A_7 = arith.constant 0 : i32
    %dma_wait3A_8 = tpu.memref_slice %arg2[%dma_wait3A, %dma_wait3A_7] : memref<16384x128xf32, #tpu.memory_space<hbm>> -> memref<16384x128xf32, #tpu.memory_space<hbm>>
    tpu.wait_indirect_dma semaphore(%arg7 : memref<!tpu.dma_semaphore, #tpu.memory_space<semaphore_mem>>) src(%dma_wait3A_8 : memref<16384x128xf32, #tpu.memory_space<hbm>>) dst(%arg6 : memref<512x128xf32, #tpu.memory_space<vmem>>)
    "tpu.region"() ({
      %run_scoped3A = tpu.sem_alloc : memref<!tpu.dma_semaphore, #tpu.memory_space<semaphore_mem>>
      %dma_start3A_73 = arith.constant 0 : i32
      %dma_start3A_74 = tpu.memref_slice %arg4[%add3A_4, %dma_start3A_73] : memref<147456x128xf32, #tpu.memory_space<hbm>> -> memref<512x128xf32, #tpu.memory_space<hbm>>
      %dma_start3A_75 = arith.constant 0 : i32
      %dma_start3A_76 = tpu.memref_slice %arg4[%add3A_4, %dma_start3A_75] : memref<147456x128xf32, #tpu.memory_space<hbm>> -> memref<512x128xf32, #tpu.memory_space<hbm>>
      tpu.enqueue_dma source(%arg6 : memref<512x128xf32, #tpu.memory_space<vmem>>) target(%dma_start3A_76 : memref<512x128xf32, #tpu.memory_space<hbm>>) target_semaphore(%run_scoped3A : memref<!tpu.dma_semaphore, #tpu.memory_space<semaphore_mem>>)
      %dma_wait3A_77 = arith.constant 0 : i32
      %dma_wait3A_78 = tpu.memref_slice %arg4[%add3A_4, %dma_wait3A_77] : memref<147456x128xf32, #tpu.memory_space<hbm>> -> memref<512x128xf32, #tpu.memory_space<hbm>>
      %dma_wait3A_79 = arith.constant 0 : i32
      %dma_wait3A_80 = tpu.memref_slice %arg4[%add3A_4, %dma_wait3A_79] : memref<147456x128xf32, #tpu.memory_space<hbm>> -> memref<512x128xf32, #tpu.memory_space<hbm>>
      tpu.wait_dma2 semaphore(%run_scoped3A : memref<!tpu.dma_semaphore, #tpu.memory_space<semaphore_mem>>) src(%arg6 : memref<512x128xf32, #tpu.memory_space<vmem>>) dst(%dma_wait3A_80 : memref<512x128xf32, #tpu.memory_space<hbm>>)
      tpu.yield
    }) : () -> ()
    %add3A_9 = arith.constant 512 : i32
    %add3A_10 = arith.addi %mul3A_2, %add3A_9 : i32
    "tpu.region"() ({
      %run_scoped3A = tpu.sem_alloc : memref<!tpu.dma_semaphore, #tpu.memory_space<semaphore_mem>>
      %dma_start3A_73 = tpu.memref_slice %arg3[%add3A_10] : memref<147456xi32, #tpu.memory_space<hbm>> -> memref<512xi32, #tpu.memory_space<hbm>>
      %dma_start3A_74 = tpu.memref_slice %arg3[%add3A_10] : memref<147456xi32, #tpu.memory_space<hbm>> -> memref<512xi32, #tpu.memory_space<hbm>>
      tpu.enqueue_dma source(%dma_start3A_74 : memref<512xi32, #tpu.memory_space<hbm>>) target(%arg5 : memref<512xi32, #tpu.memory_space<vmem>>) target_semaphore(%run_scoped3A : memref<!tpu.dma_semaphore, #tpu.memory_space<semaphore_mem>>)
      %dma_wait3A_75 = tpu.memref_slice %arg3[%add3A_10] : memref<147456xi32, #tpu.memory_space<hbm>> -> memref<512xi32, #tpu.memory_space<hbm>>
      %dma_wait3A_76 = tpu.memref_slice %arg3[%add3A_10] : memref<147456xi32, #tpu.memory_space<hbm>> -> memref<512xi32, #tpu.memory_space<hbm>>
      tpu.wait_dma2 semaphore(%run_scoped3A : memref<!tpu.dma_semaphore, #tpu.memory_space<semaphore_mem>>) src(%dma_wait3A_76 : memref<512xi32, #tpu.memory_space<hbm>>) dst(%arg5 : memref<512xi32, #tpu.memory_space<vmem>>)
      tpu.yield
    }) : () -> ()
    %dma_start3A_11 = arith.constant 0 : i32
    %dma_start3A_12 = arith.constant 0 : i32
    %dma_start3A_13 = tpu.memref_slice %arg2[%dma_start3A_11, %dma_start3A_12] : memref<16384x128xf32, #tpu.memory_space<hbm>> -> memref<16384x128xf32, #tpu.memory_space<hbm>>
    tpu.enqueue_indirect_dma source(%dma_start3A_13 : memref<16384x128xf32, #tpu.memory_space<hbm>>) target(%arg6 : memref<512x128xf32, #tpu.memory_space<vmem>>) offsets(%arg5 : memref<512xi32, #tpu.memory_space<vmem>>) semaphore(%arg7 : memref<!tpu.dma_semaphore, #tpu.memory_space<semaphore_mem>>)
    %dma_wait3A_14 = arith.constant 0 : i32
    %dma_wait3A_15 = arith.constant 0 : i32
    %dma_wait3A_16 = tpu.memref_slice %arg2[%dma_wait3A_14, %dma_wait3A_15] : memref<16384x128xf32, #tpu.memory_space<hbm>> -> memref<16384x128xf32, #tpu.memory_space<hbm>>
    tpu.wait_indirect_dma semaphore(%arg7 : memref<!tpu.dma_semaphore, #tpu.memory_space<semaphore_mem>>) src(%dma_wait3A_16 : memref<16384x128xf32, #tpu.memory_space<hbm>>) dst(%arg6 : memref<512x128xf32, #tpu.memory_space<vmem>>)
    "tpu.region"() ({
      %run_scoped3A = tpu.sem_alloc : memref<!tpu.dma_semaphore, #tpu.memory_space<semaphore_mem>>
      %dma_start3A_73 = arith.constant 0 : i32
      %dma_start3A_74 = tpu.memref_slice %arg4[%add3A_10, %dma_start3A_73] : memref<147456x128xf32, #tpu.memory_space<hbm>> -> memref<512x128xf32, #tpu.memory_space<hbm>>
      %dma_start3A_75 = arith.constant 0 : i32
      %dma_start3A_76 = tpu.memref_slice %arg4[%add3A_10, %dma_start3A_75] : memref<147456x128xf32, #tpu.memory_space<hbm>> -> memref<512x128xf32, #tpu.memory_space<hbm>>
      tpu.enqueue_dma source(%arg6 : memref<512x128xf32, #tpu.memory_space<vmem>>) target(%dma_start3A_76 : memref<512x128xf32, #tpu.memory_space<hbm>>) target_semaphore(%run_scoped3A : memref<!tpu.dma_semaphore, #tpu.memory_space<semaphore_mem>>)
      %dma_wait3A_77 = arith.constant 0 : i32
      %dma_wait3A_78 = tpu.memref_slice %arg4[%add3A_10, %dma_wait3A_77] : memref<147456x128xf32, #tpu.memory_space<hbm>> -> memref<512x128xf32, #tpu.memory_space<hbm>>
      %dma_wait3A_79 = arith.constant 0 : i32
      %dma_wait3A_80 = tpu.memref_slice %arg4[%add3A_10, %dma_wait3A_79] : memref<147456x128xf32, #tpu.memory_space<hbm>> -> memref<512x128xf32, #tpu.memory_space<hbm>>
      tpu.wait_dma2 semaphore(%run_scoped3A : memref<!tpu.dma_semaphore, #tpu.memory_space<semaphore_mem>>) src(%arg6 : memref<512x128xf32, #tpu.memory_space<vmem>>) dst(%dma_wait3A_80 : memref<512x128xf32, #tpu.memory_space<hbm>>)
      tpu.yield
    }) : () -> ()
    %add3A_17 = arith.constant 1024 : i32
    %add3A_18 = arith.addi %mul3A_2, %add3A_17 : i32
    "tpu.region"() ({
      %run_scoped3A = tpu.sem_alloc : memref<!tpu.dma_semaphore, #tpu.memory_space<semaphore_mem>>
      %dma_start3A_73 = tpu.memref_slice %arg3[%add3A_18] : memref<147456xi32, #tpu.memory_space<hbm>> -> memref<512xi32, #tpu.memory_space<hbm>>
      %dma_start3A_74 = tpu.memref_slice %arg3[%add3A_18] : memref<147456xi32, #tpu.memory_space<hbm>> -> memref<512xi32, #tpu.memory_space<hbm>>
      tpu.enqueue_dma source(%dma_start3A_74 : memref<512xi32, #tpu.memory_space<hbm>>) target(%arg5 : memref<512xi32, #tpu.memory_space<vmem>>) target_semaphore(%run_scoped3A : memref<!tpu.dma_semaphore, #tpu.memory_space<semaphore_mem>>)
      %dma_wait3A_75 = tpu.memref_slice %arg3[%add3A_18] : memref<147456xi32, #tpu.memory_space<hbm>> -> memref<512xi32, #tpu.memory_space<hbm>>
      %dma_wait3A_76 = tpu.memref_slice %arg3[%add3A_18] : memref<147456xi32, #tpu.memory_space<hbm>> -> memref<512xi32, #tpu.memory_space<hbm>>
      tpu.wait_dma2 semaphore(%run_scoped3A : memref<!tpu.dma_semaphore, #tpu.memory_space<semaphore_mem>>) src(%dma_wait3A_76 : memref<512xi32, #tpu.memory_space<hbm>>) dst(%arg5 : memref<512xi32, #tpu.memory_space<vmem>>)
      tpu.yield
    }) : () -> ()
    %dma_start3A_19 = arith.constant 0 : i32
    %dma_start3A_20 = arith.constant 0 : i32
    %dma_start3A_21 = tpu.memref_slice %arg2[%dma_start3A_19, %dma_start3A_20] : memref<16384x128xf32, #tpu.memory_space<hbm>> -> memref<16384x128xf32, #tpu.memory_space<hbm>>
    tpu.enqueue_indirect_dma source(%dma_start3A_21 : memref<16384x128xf32, #tpu.memory_space<hbm>>) target(%arg6 : memref<512x128xf32, #tpu.memory_space<vmem>>) offsets(%arg5 : memref<512xi32, #tpu.memory_space<vmem>>) semaphore(%arg7 : memref<!tpu.dma_semaphore, #tpu.memory_space<semaphore_mem>>)
    %dma_wait3A_22 = arith.constant 0 : i32
    %dma_wait3A_23 = arith.constant 0 : i32
    %dma_wait3A_24 = tpu.memref_slice %arg2[%dma_wait3A_22, %dma_wait3A_23] : memref<16384x128xf32, #tpu.memory_space<hbm>> -> memref<16384x128xf32, #tpu.memory_space<hbm>>
    tpu.wait_indirect_dma semaphore(%arg7 : memref<!tpu.dma_semaphore, #tpu.memory_space<semaphore_mem>>) src(%dma_wait3A_24 : memref<16384x128xf32, #tpu.memory_space<hbm>>) dst(%arg6 : memref<512x128xf32, #tpu.memory_space<vmem>>)
    "tpu.region"() ({
      %run_scoped3A = tpu.sem_alloc : memref<!tpu.dma_semaphore, #tpu.memory_space<semaphore_mem>>
      %dma_start3A_73 = arith.constant 0 : i32
      %dma_start3A_74 = tpu.memref_slice %arg4[%add3A_18, %dma_start3A_73] : memref<147456x128xf32, #tpu.memory_space<hbm>> -> memref<512x128xf32, #tpu.memory_space<hbm>>
      %dma_start3A_75 = arith.constant 0 : i32
      %dma_start3A_76 = tpu.memref_slice %arg4[%add3A_18, %dma_start3A_75] : memref<147456x128xf32, #tpu.memory_space<hbm>> -> memref<512x128xf32, #tpu.memory_space<hbm>>
      tpu.enqueue_dma source(%arg6 : memref<512x128xf32, #tpu.memory_space<vmem>>) target(%dma_start3A_76 : memref<512x128xf32, #tpu.memory_space<hbm>>) target_semaphore(%run_scoped3A : memref<!tpu.dma_semaphore, #tpu.memory_space<semaphore_mem>>)
      %dma_wait3A_77 = arith.constant 0 : i32
      %dma_wait3A_78 = tpu.memref_slice %arg4[%add3A_18, %dma_wait3A_77] : memref<147456x128xf32, #tpu.memory_space<hbm>> -> memref<512x128xf32, #tpu.memory_space<hbm>>
      %dma_wait3A_79 = arith.constant 0 : i32
      %dma_wait3A_80 = tpu.memref_slice %arg4[%add3A_18, %dma_wait3A_79] : memref<147456x128xf32, #tpu.memory_space<hbm>> -> memref<512x128xf32, #tpu.memory_space<hbm>>
      tpu.wait_dma2 semaphore(%run_scoped3A : memref<!tpu.dma_semaphore, #tpu.memory_space<semaphore_mem>>) src(%arg6 : memref<512x128xf32, #tpu.memory_space<vmem>>) dst(%dma_wait3A_80 : memref<512x128xf32, #tpu.memory_space<hbm>>)
      tpu.yield
    }) : () -> ()
    %add3A_25 = arith.constant 1536 : i32
    %add3A_26 = arith.addi %mul3A_2, %add3A_25 : i32
    "tpu.region"() ({
      %run_scoped3A = tpu.sem_alloc : memref<!tpu.dma_semaphore, #tpu.memory_space<semaphore_mem>>
      %dma_start3A_73 = tpu.memref_slice %arg3[%add3A_26] : memref<147456xi32, #tpu.memory_space<hbm>> -> memref<512xi32, #tpu.memory_space<hbm>>
      %dma_start3A_74 = tpu.memref_slice %arg3[%add3A_26] : memref<147456xi32, #tpu.memory_space<hbm>> -> memref<512xi32, #tpu.memory_space<hbm>>
      tpu.enqueue_dma source(%dma_start3A_74 : memref<512xi32, #tpu.memory_space<hbm>>) target(%arg5 : memref<512xi32, #tpu.memory_space<vmem>>) target_semaphore(%run_scoped3A : memref<!tpu.dma_semaphore, #tpu.memory_space<semaphore_mem>>)
      %dma_wait3A_75 = tpu.memref_slice %arg3[%add3A_26] : memref<147456xi32, #tpu.memory_space<hbm>> -> memref<512xi32, #tpu.memory_space<hbm>>
      %dma_wait3A_76 = tpu.memref_slice %arg3[%add3A_26] : memref<147456xi32, #tpu.memory_space<hbm>> -> memref<512xi32, #tpu.memory_space<hbm>>
      tpu.wait_dma2 semaphore(%run_scoped3A : memref<!tpu.dma_semaphore, #tpu.memory_space<semaphore_mem>>) src(%dma_wait3A_76 : memref<512xi32, #tpu.memory_space<hbm>>) dst(%arg5 : memref<512xi32, #tpu.memory_space<vmem>>)
      tpu.yield
    }) : () -> ()
    %dma_start3A_27 = arith.constant 0 : i32
    %dma_start3A_28 = arith.constant 0 : i32
    %dma_start3A_29 = tpu.memref_slice %arg2[%dma_start3A_27, %dma_start3A_28] : memref<16384x128xf32, #tpu.memory_space<hbm>> -> memref<16384x128xf32, #tpu.memory_space<hbm>>
    tpu.enqueue_indirect_dma source(%dma_start3A_29 : memref<16384x128xf32, #tpu.memory_space<hbm>>) target(%arg6 : memref<512x128xf32, #tpu.memory_space<vmem>>) offsets(%arg5 : memref<512xi32, #tpu.memory_space<vmem>>) semaphore(%arg7 : memref<!tpu.dma_semaphore, #tpu.memory_space<semaphore_mem>>)
    %dma_wait3A_30 = arith.constant 0 : i32
    %dma_wait3A_31 = arith.constant 0 : i32
    %dma_wait3A_32 = tpu.memref_slice %arg2[%dma_wait3A_30, %dma_wait3A_31] : memref<16384x128xf32, #tpu.memory_space<hbm>> -> memref<16384x128xf32, #tpu.memory_space<hbm>>
    tpu.wait_indirect_dma semaphore(%arg7 : memref<!tpu.dma_semaphore, #tpu.memory_space<semaphore_mem>>) src(%dma_wait3A_32 : memref<16384x128xf32, #tpu.memory_space<hbm>>) dst(%arg6 : memref<512x128xf32, #tpu.memory_space<vmem>>)
    "tpu.region"() ({
      %run_scoped3A = tpu.sem_alloc : memref<!tpu.dma_semaphore, #tpu.memory_space<semaphore_mem>>
      %dma_start3A_73 = arith.constant 0 : i32
      %dma_start3A_74 = tpu.memref_slice %arg4[%add3A_26, %dma_start3A_73] : memref<147456x128xf32, #tpu.memory_space<hbm>> -> memref<512x128xf32, #tpu.memory_space<hbm>>
      %dma_start3A_75 = arith.constant 0 : i32
      %dma_start3A_76 = tpu.memref_slice %arg4[%add3A_26, %dma_start3A_75] : memref<147456x128xf32, #tpu.memory_space<hbm>> -> memref<512x128xf32, #tpu.memory_space<hbm>>
      tpu.enqueue_dma source(%arg6 : memref<512x128xf32, #tpu.memory_space<vmem>>) target(%dma_start3A_76 : memref<512x128xf32, #tpu.memory_space<hbm>>) target_semaphore(%run_scoped3A : memref<!tpu.dma_semaphore, #tpu.memory_space<semaphore_mem>>)
      %dma_wait3A_77 = arith.constant 0 : i32
      %dma_wait3A_78 = tpu.memref_slice %arg4[%add3A_26, %dma_wait3A_77] : memref<147456x128xf32, #tpu.memory_space<hbm>> -> memref<512x128xf32, #tpu.memory_space<hbm>>
      %dma_wait3A_79 = arith.constant 0 : i32
      %dma_wait3A_80 = tpu.memref_slice %arg4[%add3A_26, %dma_wait3A_79] : memref<147456x128xf32, #tpu.memory_space<hbm>> -> memref<512x128xf32, #tpu.memory_space<hbm>>
      tpu.wait_dma2 semaphore(%run_scoped3A : memref<!tpu.dma_semaphore, #tpu.memory_space<semaphore_mem>>) src(%arg6 : memref<512x128xf32, #tpu.memory_space<vmem>>) dst(%dma_wait3A_80 : memref<512x128xf32, #tpu.memory_space<hbm>>)
      tpu.yield
    }) : () -> ()
    %add3A_33 = arith.constant 2048 : i32
    %add3A_34 = arith.addi %mul3A_2, %add3A_33 : i32
    "tpu.region"() ({
      %run_scoped3A = tpu.sem_alloc : memref<!tpu.dma_semaphore, #tpu.memory_space<semaphore_mem>>
      %dma_start3A_73 = tpu.memref_slice %arg3[%add3A_34] : memref<147456xi32, #tpu.memory_space<hbm>> -> memref<512xi32, #tpu.memory_space<hbm>>
      %dma_start3A_74 = tpu.memref_slice %arg3[%add3A_34] : memref<147456xi32, #tpu.memory_space<hbm>> -> memref<512xi32, #tpu.memory_space<hbm>>
      tpu.enqueue_dma source(%dma_start3A_74 : memref<512xi32, #tpu.memory_space<hbm>>) target(%arg5 : memref<512xi32, #tpu.memory_space<vmem>>) target_semaphore(%run_scoped3A : memref<!tpu.dma_semaphore, #tpu.memory_space<semaphore_mem>>)
      %dma_wait3A_75 = tpu.memref_slice %arg3[%add3A_34] : memref<147456xi32, #tpu.memory_space<hbm>> -> memref<512xi32, #tpu.memory_space<hbm>>
      %dma_wait3A_76 = tpu.memref_slice %arg3[%add3A_34] : memref<147456xi32, #tpu.memory_space<hbm>> -> memref<512xi32, #tpu.memory_space<hbm>>
      tpu.wait_dma2 semaphore(%run_scoped3A : memref<!tpu.dma_semaphore, #tpu.memory_space<semaphore_mem>>) src(%dma_wait3A_76 : memref<512xi32, #tpu.memory_space<hbm>>) dst(%arg5 : memref<512xi32, #tpu.memory_space<vmem>>)
      tpu.yield
    }) : () -> ()
    %dma_start3A_35 = arith.constant 0 : i32
    %dma_start3A_36 = arith.constant 0 : i32
    %dma_start3A_37 = tpu.memref_slice %arg2[%dma_start3A_35, %dma_start3A_36] : memref<16384x128xf32, #tpu.memory_space<hbm>> -> memref<16384x128xf32, #tpu.memory_space<hbm>>
    tpu.enqueue_indirect_dma source(%dma_start3A_37 : memref<16384x128xf32, #tpu.memory_space<hbm>>) target(%arg6 : memref<512x128xf32, #tpu.memory_space<vmem>>) offsets(%arg5 : memref<512xi32, #tpu.memory_space<vmem>>) semaphore(%arg7 : memref<!tpu.dma_semaphore, #tpu.memory_space<semaphore_mem>>)
    %dma_wait3A_38 = arith.constant 0 : i32
    %dma_wait3A_39 = arith.constant 0 : i32
    %dma_wait3A_40 = tpu.memref_slice %arg2[%dma_wait3A_38, %dma_wait3A_39] : memref<16384x128xf32, #tpu.memory_space<hbm>> -> memref<16384x128xf32, #tpu.memory_space<hbm>>
    tpu.wait_indirect_dma semaphore(%arg7 : memref<!tpu.dma_semaphore, #tpu.memory_space<semaphore_mem>>) src(%dma_wait3A_40 : memref<16384x128xf32, #tpu.memory_space<hbm>>) dst(%arg6 : memref<512x128xf32, #tpu.memory_space<vmem>>)
    "tpu.region"() ({
      %run_scoped3A = tpu.sem_alloc : memref<!tpu.dma_semaphore, #tpu.memory_space<semaphore_mem>>
      %dma_start3A_73 = arith.constant 0 : i32
      %dma_start3A_74 = tpu.memref_slice %arg4[%add3A_34, %dma_start3A_73] : memref<147456x128xf32, #tpu.memory_space<hbm>> -> memref<512x128xf32, #tpu.memory_space<hbm>>
      %dma_start3A_75 = arith.constant 0 : i32
      %dma_start3A_76 = tpu.memref_slice %arg4[%add3A_34, %dma_start3A_75] : memref<147456x128xf32, #tpu.memory_space<hbm>> -> memref<512x128xf32, #tpu.memory_space<hbm>>
      tpu.enqueue_dma source(%arg6 : memref<512x128xf32, #tpu.memory_space<vmem>>) target(%dma_start3A_76 : memref<512x128xf32, #tpu.memory_space<hbm>>) target_semaphore(%run_scoped3A : memref<!tpu.dma_semaphore, #tpu.memory_space<semaphore_mem>>)
      %dma_wait3A_77 = arith.constant 0 : i32
      %dma_wait3A_78 = tpu.memref_slice %arg4[%add3A_34, %dma_wait3A_77] : memref<147456x128xf32, #tpu.memory_space<hbm>> -> memref<512x128xf32, #tpu.memory_space<hbm>>
      %dma_wait3A_79 = arith.constant 0 : i32
      %dma_wait3A_80 = tpu.memref_slice %arg4[%add3A_34, %dma_wait3A_79] : memref<147456x128xf32, #tpu.memory_space<hbm>> -> memref<512x128xf32, #tpu.memory_space<hbm>>
      tpu.wait_dma2 semaphore(%run_scoped3A : memref<!tpu.dma_semaphore, #tpu.memory_space<semaphore_mem>>) src(%arg6 : memref<512x128xf32, #tpu.memory_space<vmem>>) dst(%dma_wait3A_80 : memref<512x128xf32, #tpu.memory_space<hbm>>)
      tpu.yield
    }) : () -> ()
    %add3A_41 = arith.constant 2560 : i32
    %add3A_42 = arith.addi %mul3A_2, %add3A_41 : i32
    "tpu.region"() ({
      %run_scoped3A = tpu.sem_alloc : memref<!tpu.dma_semaphore, #tpu.memory_space<semaphore_mem>>
      %dma_start3A_73 = tpu.memref_slice %arg3[%add3A_42] : memref<147456xi32, #tpu.memory_space<hbm>> -> memref<512xi32, #tpu.memory_space<hbm>>
      %dma_start3A_74 = tpu.memref_slice %arg3[%add3A_42] : memref<147456xi32, #tpu.memory_space<hbm>> -> memref<512xi32, #tpu.memory_space<hbm>>
      tpu.enqueue_dma source(%dma_start3A_74 : memref<512xi32, #tpu.memory_space<hbm>>) target(%arg5 : memref<512xi32, #tpu.memory_space<vmem>>) target_semaphore(%run_scoped3A : memref<!tpu.dma_semaphore, #tpu.memory_space<semaphore_mem>>)
      %dma_wait3A_75 = tpu.memref_slice %arg3[%add3A_42] : memref<147456xi32, #tpu.memory_space<hbm>> -> memref<512xi32, #tpu.memory_space<hbm>>
      %dma_wait3A_76 = tpu.memref_slice %arg3[%add3A_42] : memref<147456xi32, #tpu.memory_space<hbm>> -> memref<512xi32, #tpu.memory_space<hbm>>
      tpu.wait_dma2 semaphore(%run_scoped3A : memref<!tpu.dma_semaphore, #tpu.memory_space<semaphore_mem>>) src(%dma_wait3A_76 : memref<512xi32, #tpu.memory_space<hbm>>) dst(%arg5 : memref<512xi32, #tpu.memory_space<vmem>>)
      tpu.yield
    }) : () -> ()
    %dma_start3A_43 = arith.constant 0 : i32
    %dma_start3A_44 = arith.constant 0 : i32
    %dma_start3A_45 = tpu.memref_slice %arg2[%dma_start3A_43, %dma_start3A_44] : memref<16384x128xf32, #tpu.memory_space<hbm>> -> memref<16384x128xf32, #tpu.memory_space<hbm>>
    tpu.enqueue_indirect_dma source(%dma_start3A_45 : memref<16384x128xf32, #tpu.memory_space<hbm>>) target(%arg6 : memref<512x128xf32, #tpu.memory_space<vmem>>) offsets(%arg5 : memref<512xi32, #tpu.memory_space<vmem>>) semaphore(%arg7 : memref<!tpu.dma_semaphore, #tpu.memory_space<semaphore_mem>>)
    %dma_wait3A_46 = arith.constant 0 : i32
    %dma_wait3A_47 = arith.constant 0 : i32
    %dma_wait3A_48 = tpu.memref_slice %arg2[%dma_wait3A_46, %dma_wait3A_47] : memref<16384x128xf32, #tpu.memory_space<hbm>> -> memref<16384x128xf32, #tpu.memory_space<hbm>>
    tpu.wait_indirect_dma semaphore(%arg7 : memref<!tpu.dma_semaphore, #tpu.memory_space<semaphore_mem>>) src(%dma_wait3A_48 : memref<16384x128xf32, #tpu.memory_space<hbm>>) dst(%arg6 : memref<512x128xf32, #tpu.memory_space<vmem>>)
    "tpu.region"() ({
      %run_scoped3A = tpu.sem_alloc : memref<!tpu.dma_semaphore, #tpu.memory_space<semaphore_mem>>
      %dma_start3A_73 = arith.constant 0 : i32
      %dma_start3A_74 = tpu.memref_slice %arg4[%add3A_42, %dma_start3A_73] : memref<147456x128xf32, #tpu.memory_space<hbm>> -> memref<512x128xf32, #tpu.memory_space<hbm>>
      %dma_start3A_75 = arith.constant 0 : i32
      %dma_start3A_76 = tpu.memref_slice %arg4[%add3A_42, %dma_start3A_75] : memref<147456x128xf32, #tpu.memory_space<hbm>> -> memref<512x128xf32, #tpu.memory_space<hbm>>
      tpu.enqueue_dma source(%arg6 : memref<512x128xf32, #tpu.memory_space<vmem>>) target(%dma_start3A_76 : memref<512x128xf32, #tpu.memory_space<hbm>>) target_semaphore(%run_scoped3A : memref<!tpu.dma_semaphore, #tpu.memory_space<semaphore_mem>>)
      %dma_wait3A_77 = arith.constant 0 : i32
      %dma_wait3A_78 = tpu.memref_slice %arg4[%add3A_42, %dma_wait3A_77] : memref<147456x128xf32, #tpu.memory_space<hbm>> -> memref<512x128xf32, #tpu.memory_space<hbm>>
      %dma_wait3A_79 = arith.constant 0 : i32
      %dma_wait3A_80 = tpu.memref_slice %arg4[%add3A_42, %dma_wait3A_79] : memref<147456x128xf32, #tpu.memory_space<hbm>> -> memref<512x128xf32, #tpu.memory_space<hbm>>
      tpu.wait_dma2 semaphore(%run_scoped3A : memref<!tpu.dma_semaphore, #tpu.memory_space<semaphore_mem>>) src(%arg6 : memref<512x128xf32, #tpu.memory_space<vmem>>) dst(%dma_wait3A_80 : memref<512x128xf32, #tpu.memory_space<hbm>>)
      tpu.yield
    }) : () -> ()
    %add3A_49 = arith.constant 3072 : i32
    %add3A_50 = arith.addi %mul3A_2, %add3A_49 : i32
    "tpu.region"() ({
      %run_scoped3A = tpu.sem_alloc : memref<!tpu.dma_semaphore, #tpu.memory_space<semaphore_mem>>
      %dma_start3A_73 = tpu.memref_slice %arg3[%add3A_50] : memref<147456xi32, #tpu.memory_space<hbm>> -> memref<512xi32, #tpu.memory_space<hbm>>
      %dma_start3A_74 = tpu.memref_slice %arg3[%add3A_50] : memref<147456xi32, #tpu.memory_space<hbm>> -> memref<512xi32, #tpu.memory_space<hbm>>
      tpu.enqueue_dma source(%dma_start3A_74 : memref<512xi32, #tpu.memory_space<hbm>>) target(%arg5 : memref<512xi32, #tpu.memory_space<vmem>>) target_semaphore(%run_scoped3A : memref<!tpu.dma_semaphore, #tpu.memory_space<semaphore_mem>>)
      %dma_wait3A_75 = tpu.memref_slice %arg3[%add3A_50] : memref<147456xi32, #tpu.memory_space<hbm>> -> memref<512xi32, #tpu.memory_space<hbm>>
      %dma_wait3A_76 = tpu.memref_slice %arg3[%add3A_50] : memref<147456xi32, #tpu.memory_space<hbm>> -> memref<512xi32, #tpu.memory_space<hbm>>
      tpu.wait_dma2 semaphore(%run_scoped3A : memref<!tpu.dma_semaphore, #tpu.memory_space<semaphore_mem>>) src(%dma_wait3A_76 : memref<512xi32, #tpu.memory_space<hbm>>) dst(%arg5 : memref<512xi32, #tpu.memory_space<vmem>>)
      tpu.yield
    }) : () -> ()
    %dma_start3A_51 = arith.constant 0 : i32
    %dma_start3A_52 = arith.constant 0 : i32
    %dma_start3A_53 = tpu.memref_slice %arg2[%dma_start3A_51, %dma_start3A_52] : memref<16384x128xf32, #tpu.memory_space<hbm>> -> memref<16384x128xf32, #tpu.memory_space<hbm>>
    tpu.enqueue_indirect_dma source(%dma_start3A_53 : memref<16384x128xf32, #tpu.memory_space<hbm>>) target(%arg6 : memref<512x128xf32, #tpu.memory_space<vmem>>) offsets(%arg5 : memref<512xi32, #tpu.memory_space<vmem>>) semaphore(%arg7 : memref<!tpu.dma_semaphore, #tpu.memory_space<semaphore_mem>>)
    %dma_wait3A_54 = arith.constant 0 : i32
    %dma_wait3A_55 = arith.constant 0 : i32
    %dma_wait3A_56 = tpu.memref_slice %arg2[%dma_wait3A_54, %dma_wait3A_55] : memref<16384x128xf32, #tpu.memory_space<hbm>> -> memref<16384x128xf32, #tpu.memory_space<hbm>>
    tpu.wait_indirect_dma semaphore(%arg7 : memref<!tpu.dma_semaphore, #tpu.memory_space<semaphore_mem>>) src(%dma_wait3A_56 : memref<16384x128xf32, #tpu.memory_space<hbm>>) dst(%arg6 : memref<512x128xf32, #tpu.memory_space<vmem>>)
    "tpu.region"() ({
      %run_scoped3A = tpu.sem_alloc : memref<!tpu.dma_semaphore, #tpu.memory_space<semaphore_mem>>
      %dma_start3A_73 = arith.constant 0 : i32
      %dma_start3A_74 = tpu.memref_slice %arg4[%add3A_50, %dma_start3A_73] : memref<147456x128xf32, #tpu.memory_space<hbm>> -> memref<512x128xf32, #tpu.memory_space<hbm>>
      %dma_start3A_75 = arith.constant 0 : i32
      %dma_start3A_76 = tpu.memref_slice %arg4[%add3A_50, %dma_start3A_75] : memref<147456x128xf32, #tpu.memory_space<hbm>> -> memref<512x128xf32, #tpu.memory_space<hbm>>
      tpu.enqueue_dma source(%arg6 : memref<512x128xf32, #tpu.memory_space<vmem>>) target(%dma_start3A_76 : memref<512x128xf32, #tpu.memory_space<hbm>>) target_semaphore(%run_scoped3A : memref<!tpu.dma_semaphore, #tpu.memory_space<semaphore_mem>>)
      %dma_wait3A_77 = arith.constant 0 : i32
      %dma_wait3A_78 = tpu.memref_slice %arg4[%add3A_50, %dma_wait3A_77] : memref<147456x128xf32, #tpu.memory_space<hbm>> -> memref<512x128xf32, #tpu.memory_space<hbm>>
      %dma_wait3A_79 = arith.constant 0 : i32
      %dma_wait3A_80 = tpu.memref_slice %arg4[%add3A_50, %dma_wait3A_79] : memref<147456x128xf32, #tpu.memory_space<hbm>> -> memref<512x128xf32, #tpu.memory_space<hbm>>
      tpu.wait_dma2 semaphore(%run_scoped3A : memref<!tpu.dma_semaphore, #tpu.memory_space<semaphore_mem>>) src(%arg6 : memref<512x128xf32, #tpu.memory_space<vmem>>) dst(%dma_wait3A_80 : memref<512x128xf32, #tpu.memory_space<hbm>>)
      tpu.yield
    }) : () -> ()
    %add3A_57 = arith.constant 3584 : i32
    %add3A_58 = arith.addi %mul3A_2, %add3A_57 : i32
    "tpu.region"() ({
      %run_scoped3A = tpu.sem_alloc : memref<!tpu.dma_semaphore, #tpu.memory_space<semaphore_mem>>
      %dma_start3A_73 = tpu.memref_slice %arg3[%add3A_58] : memref<147456xi32, #tpu.memory_space<hbm>> -> memref<512xi32, #tpu.memory_space<hbm>>
      %dma_start3A_74 = tpu.memref_slice %arg3[%add3A_58] : memref<147456xi32, #tpu.memory_space<hbm>> -> memref<512xi32, #tpu.memory_space<hbm>>
      tpu.enqueue_dma source(%dma_start3A_74 : memref<512xi32, #tpu.memory_space<hbm>>) target(%arg5 : memref<512xi32, #tpu.memory_space<vmem>>) target_semaphore(%run_scoped3A : memref<!tpu.dma_semaphore, #tpu.memory_space<semaphore_mem>>)
      %dma_wait3A_75 = tpu.memref_slice %arg3[%add3A_58] : memref<147456xi32, #tpu.memory_space<hbm>> -> memref<512xi32, #tpu.memory_space<hbm>>
      %dma_wait3A_76 = tpu.memref_slice %arg3[%add3A_58] : memref<147456xi32, #tpu.memory_space<hbm>> -> memref<512xi32, #tpu.memory_space<hbm>>
      tpu.wait_dma2 semaphore(%run_scoped3A : memref<!tpu.dma_semaphore, #tpu.memory_space<semaphore_mem>>) src(%dma_wait3A_76 : memref<512xi32, #tpu.memory_space<hbm>>) dst(%arg5 : memref<512xi32, #tpu.memory_space<vmem>>)
      tpu.yield
    }) : () -> ()
    %dma_start3A_59 = arith.constant 0 : i32
    %dma_start3A_60 = arith.constant 0 : i32
    %dma_start3A_61 = tpu.memref_slice %arg2[%dma_start3A_59, %dma_start3A_60] : memref<16384x128xf32, #tpu.memory_space<hbm>> -> memref<16384x128xf32, #tpu.memory_space<hbm>>
    tpu.enqueue_indirect_dma source(%dma_start3A_61 : memref<16384x128xf32, #tpu.memory_space<hbm>>) target(%arg6 : memref<512x128xf32, #tpu.memory_space<vmem>>) offsets(%arg5 : memref<512xi32, #tpu.memory_space<vmem>>) semaphore(%arg7 : memref<!tpu.dma_semaphore, #tpu.memory_space<semaphore_mem>>)
    %dma_wait3A_62 = arith.constant 0 : i32
    %dma_wait3A_63 = arith.constant 0 : i32
    %dma_wait3A_64 = tpu.memref_slice %arg2[%dma_wait3A_62, %dma_wait3A_63] : memref<16384x128xf32, #tpu.memory_space<hbm>> -> memref<16384x128xf32, #tpu.memory_space<hbm>>
    tpu.wait_indirect_dma semaphore(%arg7 : memref<!tpu.dma_semaphore, #tpu.memory_space<semaphore_mem>>) src(%dma_wait3A_64 : memref<16384x128xf32, #tpu.memory_space<hbm>>) dst(%arg6 : memref<512x128xf32, #tpu.memory_space<vmem>>)
    "tpu.region"() ({
      %run_scoped3A = tpu.sem_alloc : memref<!tpu.dma_semaphore, #tpu.memory_space<semaphore_mem>>
      %dma_start3A_73 = arith.constant 0 : i32
      %dma_start3A_74 = tpu.memref_slice %arg4[%add3A_58, %dma_start3A_73] : memref<147456x128xf32, #tpu.memory_space<hbm>> -> memref<512x128xf32, #tpu.memory_space<hbm>>
      %dma_start3A_75 = arith.constant 0 : i32
      %dma_start3A_76 = tpu.memref_slice %arg4[%add3A_58, %dma_start3A_75] : memref<147456x128xf32, #tpu.memory_space<hbm>> -> memref<512x128xf32, #tpu.memory_space<hbm>>
      tpu.enqueue_dma source(%arg6 : memref<512x128xf32, #tpu.memory_space<vmem>>) target(%dma_start3A_76 : memref<512x128xf32, #tpu.memory_space<hbm>>) target_semaphore(%run_scoped3A : memref<!tpu.dma_semaphore, #tpu.memory_space<semaphore_mem>>)
      %dma_wait3A_77 = arith.constant 0 : i32
      %dma_wait3A_78 = tpu.memref_slice %arg4[%add3A_58, %dma_wait3A_77] : memref<147456x128xf32, #tpu.memory_space<hbm>> -> memref<512x128xf32, #tpu.memory_space<hbm>>
      %dma_wait3A_79 = arith.constant 0 : i32
      %dma_wait3A_80 = tpu.memref_slice %arg4[%add3A_58, %dma_wait3A_79] : memref<147456x128xf32, #tpu.memory_space<hbm>> -> memref<512x128xf32, #tpu.memory_space<hbm>>
      tpu.wait_dma2 semaphore(%run_scoped3A : memref<!tpu.dma_semaphore, #tpu.memory_space<semaphore_mem>>) src(%arg6 : memref<512x128xf32, #tpu.memory_space<vmem>>) dst(%dma_wait3A_80 : memref<512x128xf32, #tpu.memory_space<hbm>>)
      tpu.yield
    }) : () -> ()
    %add3A_65 = arith.constant 4096 : i32
    %add3A_66 = arith.addi %mul3A_2, %add3A_65 : i32
    "tpu.region"() ({
      %run_scoped3A = tpu.sem_alloc : memref<!tpu.dma_semaphore, #tpu.memory_space<semaphore_mem>>
      %dma_start3A_73 = tpu.memref_slice %arg3[%add3A_66] : memref<147456xi32, #tpu.memory_space<hbm>> -> memref<512xi32, #tpu.memory_space<hbm>>
      %dma_start3A_74 = tpu.memref_slice %arg3[%add3A_66] : memref<147456xi32, #tpu.memory_space<hbm>> -> memref<512xi32, #tpu.memory_space<hbm>>
      tpu.enqueue_dma source(%dma_start3A_74 : memref<512xi32, #tpu.memory_space<hbm>>) target(%arg5 : memref<512xi32, #tpu.memory_space<vmem>>) target_semaphore(%run_scoped3A : memref<!tpu.dma_semaphore, #tpu.memory_space<semaphore_mem>>)
      %dma_wait3A_75 = tpu.memref_slice %arg3[%add3A_66] : memref<147456xi32, #tpu.memory_space<hbm>> -> memref<512xi32, #tpu.memory_space<hbm>>
      %dma_wait3A_76 = tpu.memref_slice %arg3[%add3A_66] : memref<147456xi32, #tpu.memory_space<hbm>> -> memref<512xi32, #tpu.memory_space<hbm>>
      tpu.wait_dma2 semaphore(%run_scoped3A : memref<!tpu.dma_semaphore, #tpu.memory_space<semaphore_mem>>) src(%dma_wait3A_76 : memref<512xi32, #tpu.memory_space<hbm>>) dst(%arg5 : memref<512xi32, #tpu.memory_space<vmem>>)
      tpu.yield
    }) : () -> ()
    %dma_start3A_67 = arith.constant 0 : i32
    %dma_start3A_68 = arith.constant 0 : i32
    %dma_start3A_69 = tpu.memref_slice %arg2[%dma_start3A_67, %dma_start3A_68] : memref<16384x128xf32, #tpu.memory_space<hbm>> -> memref<16384x128xf32, #tpu.memory_space<hbm>>
    tpu.enqueue_indirect_dma source(%dma_start3A_69 : memref<16384x128xf32, #tpu.memory_space<hbm>>) target(%arg6 : memref<512x128xf32, #tpu.memory_space<vmem>>) offsets(%arg5 : memref<512xi32, #tpu.memory_space<vmem>>) semaphore(%arg7 : memref<!tpu.dma_semaphore, #tpu.memory_space<semaphore_mem>>)
    %dma_wait3A_70 = arith.constant 0 : i32
    %dma_wait3A_71 = arith.constant 0 : i32
    %dma_wait3A_72 = tpu.memref_slice %arg2[%dma_wait3A_70, %dma_wait3A_71] : memref<16384x128xf32, #tpu.memory_space<hbm>> -> memref<16384x128xf32, #tpu.memory_space<hbm>>
    tpu.wait_indirect_dma semaphore(%arg7 : memref<!tpu.dma_semaphore, #tpu.memory_space<semaphore_mem>>) src(%dma_wait3A_72 : memref<16384x128xf32, #tpu.memory_space<hbm>>) dst(%arg6 : memref<512x128xf32, #tpu.memory_space<vmem>>)
    "tpu.region"() ({
      %run_scoped3A = tpu.sem_alloc : memref<!tpu.dma_semaphore, #tpu.memory_space<semaphore_mem>>
      %dma_start3A_73 = arith.constant 0 : i32
      %dma_start3A_74 = tpu.memref_slice %arg4[%add3A_66, %dma_start3A_73] : memref<147456x128xf32, #tpu.memory_space<hbm>> -> memref<512x128xf32, #tpu.memory_space<hbm>>
      %dma_start3A_75 = arith.constant 0 : i32
      %dma_start3A_76 = tpu.memref_slice %arg4[%add3A_66, %dma_start3A_75] : memref<147456x128xf32, #tpu.memory_space<hbm>> -> memref<512x128xf32, #tpu.memory_space<hbm>>
      tpu.enqueue_dma source(%arg6 : memref<512x128xf32, #tpu.memory_space<vmem>>) target(%dma_start3A_76 : memref<512x128xf32, #tpu.memory_space<hbm>>) target_semaphore(%run_scoped3A : memref<!tpu.dma_semaphore, #tpu.memory_space<semaphore_mem>>)
      %dma_wait3A_77 = arith.constant 0 : i32
      %dma_wait3A_78 = tpu.memref_slice %arg4[%add3A_66, %dma_wait3A_77] : memref<147456x128xf32, #tpu.memory_space<hbm>> -> memref<512x128xf32, #tpu.memory_space<hbm>>
      %dma_wait3A_79 = arith.constant 0 : i32
      %dma_wait3A_80 = tpu.memref_slice %arg4[%add3A_66, %dma_wait3A_79] : memref<147456x128xf32, #tpu.memory_space<hbm>> -> memref<512x128xf32, #tpu.memory_space<hbm>>
      tpu.wait_dma2 semaphore(%run_scoped3A : memref<!tpu.dma_semaphore, #tpu.memory_space<semaphore_mem>>) src(%arg6 : memref<512x128xf32, #tpu.memory_space<vmem>>) dst(%dma_wait3A_80 : memref<512x128xf32, #tpu.memory_space<hbm>>)
      tpu.yield
    }) : () -> ()
    return
  }
}

#map = affine_map<(d0, d1) -> (0, 0)>
#map1 = affine_map<(d0, d1) -> (0)>
module attributes {stable_mosaic.version = 14 : i64} {
  func.func @body(%arg0: i32, %arg1: i32, %arg2: memref<16384x128xf32, #tpu.memory_space<hbm>>, %arg3: memref<147456xi32, #tpu.memory_space<hbm>>, %arg4: memref<147456x128xf32, #tpu.memory_space<hbm>>, %arg5: memref<512xi32, #tpu.memory_space<vmem>>, %arg6: memref<512x128xf32, #tpu.memory_space<vmem>>, %arg7: memref<!tpu.dma_semaphore, #tpu.memory_space<semaphore_mem>>) attributes {dimension_semantics = [#tpu.dimension_semantics<core_parallel>, #tpu.dimension_semantics<subcore_parallel>], iteration_bounds = array<i64: 2, 16>, scalar_prefetch = 0 : i64, scratch_operands = 3 : i64, tpu.core_type = #tpu.core_type<sc_vector_subcore>, window_params = [{transform_indices = #map}, {transform_indices = #map1}, {transform_indices = #map}]} {
    %mul3A = arith.constant 2 : i32
    %mul3A_0 = arith.muli %arg1, %mul3A : i32
    %add3A = arith.addi %mul3A_0, %arg0 : i32
    %mul3A_1 = arith.constant 4608 : i32
    %mul3A_2 = arith.muli %add3A, %mul3A_1 : i32
    %add3A_3 = arith.constant 0 : i32
    %add3A_4 = arith.addi %mul3A_2, %add3A_3 : i32
    "tpu.region"() ({
      %run_scoped3A = tpu.sem_alloc : memref<!tpu.dma_semaphore, #tpu.memory_space<semaphore_mem>>
      %dma_start3A_73 = tpu.memref_slice %arg3[%add3A_4] : memref<147456xi32, #tpu.memory_space<hbm>> -> memref<512xi32, #tpu.memory_space<hbm>>
      %dma_start3A_74 = tpu.memref_slice %arg3[%add3A_4] : memref<147456xi32, #tpu.memory_space<hbm>> -> memref<512xi32, #tpu.memory_space<hbm>>
      tpu.enqueue_dma source(%dma_start3A_74 : memref<512xi32, #tpu.memory_space<hbm>>) target(%arg5 : memref<512xi32, #tpu.memory_space<vmem>>) target_semaphore(%run_scoped3A : memref<!tpu.dma_semaphore, #tpu.memory_space<semaphore_mem>>)
      %dma_wait3A_75 = tpu.memref_slice %arg3[%add3A_4] : memref<147456xi32, #tpu.memory_space<hbm>> -> memref<512xi32, #tpu.memory_space<hbm>>
      %dma_wait3A_76 = tpu.memref_slice %arg3[%add3A_4] : memref<147456xi32, #tpu.memory_space<hbm>> -> memref<512xi32, #tpu.memory_space<hbm>>
      tpu.wait_dma2 semaphore(%run_scoped3A : memref<!tpu.dma_semaphore, #tpu.memory_space<semaphore_mem>>) src(%dma_wait3A_76 : memref<512xi32, #tpu.memory_space<hbm>>) dst(%arg5 : memref<512xi32, #tpu.memory_space<vmem>>)
      tpu.yield
    }) : () -> ()
    %dma_start3A = arith.constant 0 : i32
    %dma_start3A_5 = arith.constant 0 : i32
    %dma_start3A_6 = tpu.memref_slice %arg2[%dma_start3A, %dma_start3A_5] : memref<16384x128xf32, #tpu.memory_space<hbm>> -> memref<16384x128xf32, #tpu.memory_space<hbm>>
    tpu.enqueue_indirect_dma source(%dma_start3A_6 : memref<16384x128xf32, #tpu.memory_space<hbm>>) target(%arg6 : memref<512x128xf32, #tpu.memory_space<vmem>>) offsets(%arg5 : memref<512xi32, #tpu.memory_space<vmem>>) semaphore(%arg7 : memref<!tpu.dma_semaphore, #tpu.memory_space<semaphore_mem>>)
    %dma_wait3A = arith.constant 0 : i32
    %dma_wait3A_7 = arith.constant 0 : i32
    %dma_wait3A_8 = tpu.memref_slice %arg2[%dma_wait3A, %dma_wait3A_7] : memref<16384x128xf32, #tpu.memory_space<hbm>> -> memref<16384x128xf32, #tpu.memory_space<hbm>>
    tpu.wait_indirect_dma semaphore(%arg7 : memref<!tpu.dma_semaphore, #tpu.memory_space<semaphore_mem>>) src(%dma_wait3A_8 : memref<16384x128xf32, #tpu.memory_space<hbm>>) dst(%arg6 : memref<512x128xf32, #tpu.memory_space<vmem>>)
    "tpu.region"() ({
      %run_scoped3A = tpu.sem_alloc : memref<!tpu.dma_semaphore, #tpu.memory_space<semaphore_mem>>
      %dma_start3A_73 = arith.constant 0 : i32
      %dma_start3A_74 = tpu.memref_slice %arg4[%add3A_4, %dma_start3A_73] : memref<147456x128xf32, #tpu.memory_space<hbm>> -> memref<512x128xf32, #tpu.memory_space<hbm>>
      %dma_start3A_75 = arith.constant 0 : i32
      %dma_start3A_76 = tpu.memref_slice %arg4[%add3A_4, %dma_start3A_75] : memref<147456x128xf32, #tpu.memory_space<hbm>> -> memref<512x128xf32, #tpu.memory_space<hbm>>
      tpu.enqueue_dma source(%arg6 : memref<512x128xf32, #tpu.memory_space<vmem>>) target(%dma_start3A_76 : memref<512x128xf32, #tpu.memory_space<hbm>>) target_semaphore(%run_scoped3A : memref<!tpu.dma_semaphore, #tpu.memory_space<semaphore_mem>>)
      %dma_wait3A_77 = arith.constant 0 : i32
      %dma_wait3A_78 = tpu.memref_slice %arg4[%add3A_4, %dma_wait3A_77] : memref<147456x128xf32, #tpu.memory_space<hbm>> -> memref<512x128xf32, #tpu.memory_space<hbm>>
      %dma_wait3A_79 = arith.constant 0 : i32
      %dma_wait3A_80 = tpu.memref_slice %arg4[%add3A_4, %dma_wait3A_79] : memref<147456x128xf32, #tpu.memory_space<hbm>> -> memref<512x128xf32, #tpu.memory_space<hbm>>
      tpu.wait_dma2 semaphore(%run_scoped3A : memref<!tpu.dma_semaphore, #tpu.memory_space<semaphore_mem>>) src(%arg6 : memref<512x128xf32, #tpu.memory_space<vmem>>) dst(%dma_wait3A_80 : memref<512x128xf32, #tpu.memory_space<hbm>>)
      tpu.yield
    }) : () -> ()
    %add3A_9 = arith.constant 512 : i32
    %add3A_10 = arith.addi %mul3A_2, %add3A_9 : i32
    "tpu.region"() ({
      %run_scoped3A = tpu.sem_alloc : memref<!tpu.dma_semaphore, #tpu.memory_space<semaphore_mem>>
      %dma_start3A_73 = tpu.memref_slice %arg3[%add3A_10] : memref<147456xi32, #tpu.memory_space<hbm>> -> memref<512xi32, #tpu.memory_space<hbm>>
      %dma_start3A_74 = tpu.memref_slice %arg3[%add3A_10] : memref<147456xi32, #tpu.memory_space<hbm>> -> memref<512xi32, #tpu.memory_space<hbm>>
      tpu.enqueue_dma source(%dma_start3A_74 : memref<512xi32, #tpu.memory_space<hbm>>) target(%arg5 : memref<512xi32, #tpu.memory_space<vmem>>) target_semaphore(%run_scoped3A : memref<!tpu.dma_semaphore, #tpu.memory_space<semaphore_mem>>)
      %dma_wait3A_75 = tpu.memref_slice %arg3[%add3A_10] : memref<147456xi32, #tpu.memory_space<hbm>> -> memref<512xi32, #tpu.memory_space<hbm>>
      %dma_wait3A_76 = tpu.memref_slice %arg3[%add3A_10] : memref<147456xi32, #tpu.memory_space<hbm>> -> memref<512xi32, #tpu.memory_space<hbm>>
      tpu.wait_dma2 semaphore(%run_scoped3A : memref<!tpu.dma_semaphore, #tpu.memory_space<semaphore_mem>>) src(%dma_wait3A_76 : memref<512xi32, #tpu.memory_space<hbm>>) dst(%arg5 : memref<512xi32, #tpu.memory_space<vmem>>)
      tpu.yield
    }) : () -> ()
    %dma_start3A_11 = arith.constant 0 : i32
    %dma_start3A_12 = arith.constant 0 : i32
    %dma_start3A_13 = tpu.memref_slice %arg2[%dma_start3A_11, %dma_start3A_12] : memref<16384x128xf32, #tpu.memory_space<hbm>> -> memref<16384x128xf32, #tpu.memory_space<hbm>>
    tpu.enqueue_indirect_dma source(%dma_start3A_13 : memref<16384x128xf32, #tpu.memory_space<hbm>>) target(%arg6 : memref<512x128xf32, #tpu.memory_space<vmem>>) offsets(%arg5 : memref<512xi32, #tpu.memory_space<vmem>>) semaphore(%arg7 : memref<!tpu.dma_semaphore, #tpu.memory_space<semaphore_mem>>)
    %dma_wait3A_14 = arith.constant 0 : i32
    %dma_wait3A_15 = arith.constant 0 : i32
    %dma_wait3A_16 = tpu.memref_slice %arg2[%dma_wait3A_14, %dma_wait3A_15] : memref<16384x128xf32, #tpu.memory_space<hbm>> -> memref<16384x128xf32, #tpu.memory_space<hbm>>
    tpu.wait_indirect_dma semaphore(%arg7 : memref<!tpu.dma_semaphore, #tpu.memory_space<semaphore_mem>>) src(%dma_wait3A_16 : memref<16384x128xf32, #tpu.memory_space<hbm>>) dst(%arg6 : memref<512x128xf32, #tpu.memory_space<vmem>>)
    "tpu.region"() ({
      %run_scoped3A = tpu.sem_alloc : memref<!tpu.dma_semaphore, #tpu.memory_space<semaphore_mem>>
      %dma_start3A_73 = arith.constant 0 : i32
      %dma_start3A_74 = tpu.memref_slice %arg4[%add3A_10, %dma_start3A_73] : memref<147456x128xf32, #tpu.memory_space<hbm>> -> memref<512x128xf32, #tpu.memory_space<hbm>>
      %dma_start3A_75 = arith.constant 0 : i32
      %dma_start3A_76 = tpu.memref_slice %arg4[%add3A_10, %dma_start3A_75] : memref<147456x128xf32, #tpu.memory_space<hbm>> -> memref<512x128xf32, #tpu.memory_space<hbm>>
      tpu.enqueue_dma source(%arg6 : memref<512x128xf32, #tpu.memory_space<vmem>>) target(%dma_start3A_76 : memref<512x128xf32, #tpu.memory_space<hbm>>) target_semaphore(%run_scoped3A : memref<!tpu.dma_semaphore, #tpu.memory_space<semaphore_mem>>)
      %dma_wait3A_77 = arith.constant 0 : i32
      %dma_wait3A_78 = tpu.memref_slice %arg4[%add3A_10, %dma_wait3A_77] : memref<147456x128xf32, #tpu.memory_space<hbm>> -> memref<512x128xf32, #tpu.memory_space<hbm>>
      %dma_wait3A_79 = arith.constant 0 : i32
      %dma_wait3A_80 = tpu.memref_slice %arg4[%add3A_10, %dma_wait3A_79] : memref<147456x128xf32, #tpu.memory_space<hbm>> -> memref<512x128xf32, #tpu.memory_space<hbm>>
      tpu.wait_dma2 semaphore(%run_scoped3A : memref<!tpu.dma_semaphore, #tpu.memory_space<semaphore_mem>>) src(%arg6 : memref<512x128xf32, #tpu.memory_space<vmem>>) dst(%dma_wait3A_80 : memref<512x128xf32, #tpu.memory_space<hbm>>)
      tpu.yield
    }) : () -> ()
    %add3A_17 = arith.constant 1024 : i32
    %add3A_18 = arith.addi %mul3A_2, %add3A_17 : i32
    "tpu.region"() ({
      %run_scoped3A = tpu.sem_alloc : memref<!tpu.dma_semaphore, #tpu.memory_space<semaphore_mem>>
      %dma_start3A_73 = tpu.memref_slice %arg3[%add3A_18] : memref<147456xi32, #tpu.memory_space<hbm>> -> memref<512xi32, #tpu.memory_space<hbm>>
      %dma_start3A_74 = tpu.memref_slice %arg3[%add3A_18] : memref<147456xi32, #tpu.memory_space<hbm>> -> memref<512xi32, #tpu.memory_space<hbm>>
      tpu.enqueue_dma source(%dma_start3A_74 : memref<512xi32, #tpu.memory_space<hbm>>) target(%arg5 : memref<512xi32, #tpu.memory_space<vmem>>) target_semaphore(%run_scoped3A : memref<!tpu.dma_semaphore, #tpu.memory_space<semaphore_mem>>)
      %dma_wait3A_75 = tpu.memref_slice %arg3[%add3A_18] : memref<147456xi32, #tpu.memory_space<hbm>> -> memref<512xi32, #tpu.memory_space<hbm>>
      %dma_wait3A_76 = tpu.memref_slice %arg3[%add3A_18] : memref<147456xi32, #tpu.memory_space<hbm>> -> memref<512xi32, #tpu.memory_space<hbm>>
      tpu.wait_dma2 semaphore(%run_scoped3A : memref<!tpu.dma_semaphore, #tpu.memory_space<semaphore_mem>>) src(%dma_wait3A_76 : memref<512xi32, #tpu.memory_space<hbm>>) dst(%arg5 : memref<512xi32, #tpu.memory_space<vmem>>)
      tpu.yield
    }) : () -> ()
    %dma_start3A_19 = arith.constant 0 : i32
    %dma_start3A_20 = arith.constant 0 : i32
    %dma_start3A_21 = tpu.memref_slice %arg2[%dma_start3A_19, %dma_start3A_20] : memref<16384x128xf32, #tpu.memory_space<hbm>> -> memref<16384x128xf32, #tpu.memory_space<hbm>>
    tpu.enqueue_indirect_dma source(%dma_start3A_21 : memref<16384x128xf32, #tpu.memory_space<hbm>>) target(%arg6 : memref<512x128xf32, #tpu.memory_space<vmem>>) offsets(%arg5 : memref<512xi32, #tpu.memory_space<vmem>>) semaphore(%arg7 : memref<!tpu.dma_semaphore, #tpu.memory_space<semaphore_mem>>)
    %dma_wait3A_22 = arith.constant 0 : i32
    %dma_wait3A_23 = arith.constant 0 : i32
    %dma_wait3A_24 = tpu.memref_slice %arg2[%dma_wait3A_22, %dma_wait3A_23] : memref<16384x128xf32, #tpu.memory_space<hbm>> -> memref<16384x128xf32, #tpu.memory_space<hbm>>
    tpu.wait_indirect_dma semaphore(%arg7 : memref<!tpu.dma_semaphore, #tpu.memory_space<semaphore_mem>>) src(%dma_wait3A_24 : memref<16384x128xf32, #tpu.memory_space<hbm>>) dst(%arg6 : memref<512x128xf32, #tpu.memory_space<vmem>>)
    "tpu.region"() ({
      %run_scoped3A = tpu.sem_alloc : memref<!tpu.dma_semaphore, #tpu.memory_space<semaphore_mem>>
      %dma_start3A_73 = arith.constant 0 : i32
      %dma_start3A_74 = tpu.memref_slice %arg4[%add3A_18, %dma_start3A_73] : memref<147456x128xf32, #tpu.memory_space<hbm>> -> memref<512x128xf32, #tpu.memory_space<hbm>>
      %dma_start3A_75 = arith.constant 0 : i32
      %dma_start3A_76 = tpu.memref_slice %arg4[%add3A_18, %dma_start3A_75] : memref<147456x128xf32, #tpu.memory_space<hbm>> -> memref<512x128xf32, #tpu.memory_space<hbm>>
      tpu.enqueue_dma source(%arg6 : memref<512x128xf32, #tpu.memory_space<vmem>>) target(%dma_start3A_76 : memref<512x128xf32, #tpu.memory_space<hbm>>) target_semaphore(%run_scoped3A : memref<!tpu.dma_semaphore, #tpu.memory_space<semaphore_mem>>)
      %dma_wait3A_77 = arith.constant 0 : i32
      %dma_wait3A_78 = tpu.memref_slice %arg4[%add3A_18, %dma_wait3A_77] : memref<147456x128xf32, #tpu.memory_space<hbm>> -> memref<512x128xf32, #tpu.memory_space<hbm>>
      %dma_wait3A_79 = arith.constant 0 : i32
      %dma_wait3A_80 = tpu.memref_slice %arg4[%add3A_18, %dma_wait3A_79] : memref<147456x128xf32, #tpu.memory_space<hbm>> -> memref<512x128xf32, #tpu.memory_space<hbm>>
      tpu.wait_dma2 semaphore(%run_scoped3A : memref<!tpu.dma_semaphore, #tpu.memory_space<semaphore_mem>>) src(%arg6 : memref<512x128xf32, #tpu.memory_space<vmem>>) dst(%dma_wait3A_80 : memref<512x128xf32, #tpu.memory_space<hbm>>)
      tpu.yield
    }) : () -> ()
    %add3A_25 = arith.constant 1536 : i32
    %add3A_26 = arith.addi %mul3A_2, %add3A_25 : i32
    "tpu.region"() ({
      %run_scoped3A = tpu.sem_alloc : memref<!tpu.dma_semaphore, #tpu.memory_space<semaphore_mem>>
      %dma_start3A_73 = tpu.memref_slice %arg3[%add3A_26] : memref<147456xi32, #tpu.memory_space<hbm>> -> memref<512xi32, #tpu.memory_space<hbm>>
      %dma_start3A_74 = tpu.memref_slice %arg3[%add3A_26] : memref<147456xi32, #tpu.memory_space<hbm>> -> memref<512xi32, #tpu.memory_space<hbm>>
      tpu.enqueue_dma source(%dma_start3A_74 : memref<512xi32, #tpu.memory_space<hbm>>) target(%arg5 : memref<512xi32, #tpu.memory_space<vmem>>) target_semaphore(%run_scoped3A : memref<!tpu.dma_semaphore, #tpu.memory_space<semaphore_mem>>)
      %dma_wait3A_75 = tpu.memref_slice %arg3[%add3A_26] : memref<147456xi32, #tpu.memory_space<hbm>> -> memref<512xi32, #tpu.memory_space<hbm>>
      %dma_wait3A_76 = tpu.memref_slice %arg3[%add3A_26] : memref<147456xi32, #tpu.memory_space<hbm>> -> memref<512xi32, #tpu.memory_space<hbm>>
      tpu.wait_dma2 semaphore(%run_scoped3A : memref<!tpu.dma_semaphore, #tpu.memory_space<semaphore_mem>>) src(%dma_wait3A_76 : memref<512xi32, #tpu.memory_space<hbm>>) dst(%arg5 : memref<512xi32, #tpu.memory_space<vmem>>)
      tpu.yield
    }) : () -> ()
    %dma_start3A_27 = arith.constant 0 : i32
    %dma_start3A_28 = arith.constant 0 : i32
    %dma_start3A_29 = tpu.memref_slice %arg2[%dma_start3A_27, %dma_start3A_28] : memref<16384x128xf32, #tpu.memory_space<hbm>> -> memref<16384x128xf32, #tpu.memory_space<hbm>>
    tpu.enqueue_indirect_dma source(%dma_start3A_29 : memref<16384x128xf32, #tpu.memory_space<hbm>>) target(%arg6 : memref<512x128xf32, #tpu.memory_space<vmem>>) offsets(%arg5 : memref<512xi32, #tpu.memory_space<vmem>>) semaphore(%arg7 : memref<!tpu.dma_semaphore, #tpu.memory_space<semaphore_mem>>)
    %dma_wait3A_30 = arith.constant 0 : i32
    %dma_wait3A_31 = arith.constant 0 : i32
    %dma_wait3A_32 = tpu.memref_slice %arg2[%dma_wait3A_30, %dma_wait3A_31] : memref<16384x128xf32, #tpu.memory_space<hbm>> -> memref<16384x128xf32, #tpu.memory_space<hbm>>
    tpu.wait_indirect_dma semaphore(%arg7 : memref<!tpu.dma_semaphore, #tpu.memory_space<semaphore_mem>>) src(%dma_wait3A_32 : memref<16384x128xf32, #tpu.memory_space<hbm>>) dst(%arg6 : memref<512x128xf32, #tpu.memory_space<vmem>>)
    "tpu.region"() ({
      %run_scoped3A = tpu.sem_alloc : memref<!tpu.dma_semaphore, #tpu.memory_space<semaphore_mem>>
      %dma_start3A_73 = arith.constant 0 : i32
      %dma_start3A_74 = tpu.memref_slice %arg4[%add3A_26, %dma_start3A_73] : memref<147456x128xf32, #tpu.memory_space<hbm>> -> memref<512x128xf32, #tpu.memory_space<hbm>>
      %dma_start3A_75 = arith.constant 0 : i32
      %dma_start3A_76 = tpu.memref_slice %arg4[%add3A_26, %dma_start3A_75] : memref<147456x128xf32, #tpu.memory_space<hbm>> -> memref<512x128xf32, #tpu.memory_space<hbm>>
      tpu.enqueue_dma source(%arg6 : memref<512x128xf32, #tpu.memory_space<vmem>>) target(%dma_start3A_76 : memref<512x128xf32, #tpu.memory_space<hbm>>) target_semaphore(%run_scoped3A : memref<!tpu.dma_semaphore, #tpu.memory_space<semaphore_mem>>)
      %dma_wait3A_77 = arith.constant 0 : i32
      %dma_wait3A_78 = tpu.memref_slice %arg4[%add3A_26, %dma_wait3A_77] : memref<147456x128xf32, #tpu.memory_space<hbm>> -> memref<512x128xf32, #tpu.memory_space<hbm>>
      %dma_wait3A_79 = arith.constant 0 : i32
      %dma_wait3A_80 = tpu.memref_slice %arg4[%add3A_26, %dma_wait3A_79] : memref<147456x128xf32, #tpu.memory_space<hbm>> -> memref<512x128xf32, #tpu.memory_space<hbm>>
      tpu.wait_dma2 semaphore(%run_scoped3A : memref<!tpu.dma_semaphore, #tpu.memory_space<semaphore_mem>>) src(%arg6 : memref<512x128xf32, #tpu.memory_space<vmem>>) dst(%dma_wait3A_80 : memref<512x128xf32, #tpu.memory_space<hbm>>)
      tpu.yield
    }) : () -> ()
    %add3A_33 = arith.constant 2048 : i32
    %add3A_34 = arith.addi %mul3A_2, %add3A_33 : i32
    "tpu.region"() ({
      %run_scoped3A = tpu.sem_alloc : memref<!tpu.dma_semaphore, #tpu.memory_space<semaphore_mem>>
      %dma_start3A_73 = tpu.memref_slice %arg3[%add3A_34] : memref<147456xi32, #tpu.memory_space<hbm>> -> memref<512xi32, #tpu.memory_space<hbm>>
      %dma_start3A_74 = tpu.memref_slice %arg3[%add3A_34] : memref<147456xi32, #tpu.memory_space<hbm>> -> memref<512xi32, #tpu.memory_space<hbm>>
      tpu.enqueue_dma source(%dma_start3A_74 : memref<512xi32, #tpu.memory_space<hbm>>) target(%arg5 : memref<512xi32, #tpu.memory_space<vmem>>) target_semaphore(%run_scoped3A : memref<!tpu.dma_semaphore, #tpu.memory_space<semaphore_mem>>)
      %dma_wait3A_75 = tpu.memref_slice %arg3[%add3A_34] : memref<147456xi32, #tpu.memory_space<hbm>> -> memref<512xi32, #tpu.memory_space<hbm>>
      %dma_wait3A_76 = tpu.memref_slice %arg3[%add3A_34] : memref<147456xi32, #tpu.memory_space<hbm>> -> memref<512xi32, #tpu.memory_space<hbm>>
      tpu.wait_dma2 semaphore(%run_scoped3A : memref<!tpu.dma_semaphore, #tpu.memory_space<semaphore_mem>>) src(%dma_wait3A_76 : memref<512xi32, #tpu.memory_space<hbm>>) dst(%arg5 : memref<512xi32, #tpu.memory_space<vmem>>)
      tpu.yield
    }) : () -> ()
    %dma_start3A_35 = arith.constant 0 : i32
    %dma_start3A_36 = arith.constant 0 : i32
    %dma_start3A_37 = tpu.memref_slice %arg2[%dma_start3A_35, %dma_start3A_36] : memref<16384x128xf32, #tpu.memory_space<hbm>> -> memref<16384x128xf32, #tpu.memory_space<hbm>>
    tpu.enqueue_indirect_dma source(%dma_start3A_37 : memref<16384x128xf32, #tpu.memory_space<hbm>>) target(%arg6 : memref<512x128xf32, #tpu.memory_space<vmem>>) offsets(%arg5 : memref<512xi32, #tpu.memory_space<vmem>>) semaphore(%arg7 : memref<!tpu.dma_semaphore, #tpu.memory_space<semaphore_mem>>)
    %dma_wait3A_38 = arith.constant 0 : i32
    %dma_wait3A_39 = arith.constant 0 : i32
    %dma_wait3A_40 = tpu.memref_slice %arg2[%dma_wait3A_38, %dma_wait3A_39] : memref<16384x128xf32, #tpu.memory_space<hbm>> -> memref<16384x128xf32, #tpu.memory_space<hbm>>
    tpu.wait_indirect_dma semaphore(%arg7 : memref<!tpu.dma_semaphore, #tpu.memory_space<semaphore_mem>>) src(%dma_wait3A_40 : memref<16384x128xf32, #tpu.memory_space<hbm>>) dst(%arg6 : memref<512x128xf32, #tpu.memory_space<vmem>>)
    "tpu.region"() ({
      %run_scoped3A = tpu.sem_alloc : memref<!tpu.dma_semaphore, #tpu.memory_space<semaphore_mem>>
      %dma_start3A_73 = arith.constant 0 : i32
      %dma_start3A_74 = tpu.memref_slice %arg4[%add3A_34, %dma_start3A_73] : memref<147456x128xf32, #tpu.memory_space<hbm>> -> memref<512x128xf32, #tpu.memory_space<hbm>>
      %dma_start3A_75 = arith.constant 0 : i32
      %dma_start3A_76 = tpu.memref_slice %arg4[%add3A_34, %dma_start3A_75] : memref<147456x128xf32, #tpu.memory_space<hbm>> -> memref<512x128xf32, #tpu.memory_space<hbm>>
      tpu.enqueue_dma source(%arg6 : memref<512x128xf32, #tpu.memory_space<vmem>>) target(%dma_start3A_76 : memref<512x128xf32, #tpu.memory_space<hbm>>) target_semaphore(%run_scoped3A : memref<!tpu.dma_semaphore, #tpu.memory_space<semaphore_mem>>)
      %dma_wait3A_77 = arith.constant 0 : i32
      %dma_wait3A_78 = tpu.memref_slice %arg4[%add3A_34, %dma_wait3A_77] : memref<147456x128xf32, #tpu.memory_space<hbm>> -> memref<512x128xf32, #tpu.memory_space<hbm>>
      %dma_wait3A_79 = arith.constant 0 : i32
      %dma_wait3A_80 = tpu.memref_slice %arg4[%add3A_34, %dma_wait3A_79] : memref<147456x128xf32, #tpu.memory_space<hbm>> -> memref<512x128xf32, #tpu.memory_space<hbm>>
      tpu.wait_dma2 semaphore(%run_scoped3A : memref<!tpu.dma_semaphore, #tpu.memory_space<semaphore_mem>>) src(%arg6 : memref<512x128xf32, #tpu.memory_space<vmem>>) dst(%dma_wait3A_80 : memref<512x128xf32, #tpu.memory_space<hbm>>)
      tpu.yield
    }) : () -> ()
    %add3A_41 = arith.constant 2560 : i32
    %add3A_42 = arith.addi %mul3A_2, %add3A_41 : i32
    "tpu.region"() ({
      %run_scoped3A = tpu.sem_alloc : memref<!tpu.dma_semaphore, #tpu.memory_space<semaphore_mem>>
      %dma_start3A_73 = tpu.memref_slice %arg3[%add3A_42] : memref<147456xi32, #tpu.memory_space<hbm>> -> memref<512xi32, #tpu.memory_space<hbm>>
      %dma_start3A_74 = tpu.memref_slice %arg3[%add3A_42] : memref<147456xi32, #tpu.memory_space<hbm>> -> memref<512xi32, #tpu.memory_space<hbm>>
      tpu.enqueue_dma source(%dma_start3A_74 : memref<512xi32, #tpu.memory_space<hbm>>) target(%arg5 : memref<512xi32, #tpu.memory_space<vmem>>) target_semaphore(%run_scoped3A : memref<!tpu.dma_semaphore, #tpu.memory_space<semaphore_mem>>)
      %dma_wait3A_75 = tpu.memref_slice %arg3[%add3A_42] : memref<147456xi32, #tpu.memory_space<hbm>> -> memref<512xi32, #tpu.memory_space<hbm>>
      %dma_wait3A_76 = tpu.memref_slice %arg3[%add3A_42] : memref<147456xi32, #tpu.memory_space<hbm>> -> memref<512xi32, #tpu.memory_space<hbm>>
      tpu.wait_dma2 semaphore(%run_scoped3A : memref<!tpu.dma_semaphore, #tpu.memory_space<semaphore_mem>>) src(%dma_wait3A_76 : memref<512xi32, #tpu.memory_space<hbm>>) dst(%arg5 : memref<512xi32, #tpu.memory_space<vmem>>)
      tpu.yield
    }) : () -> ()
    %dma_start3A_43 = arith.constant 0 : i32
    %dma_start3A_44 = arith.constant 0 : i32
    %dma_start3A_45 = tpu.memref_slice %arg2[%dma_start3A_43, %dma_start3A_44] : memref<16384x128xf32, #tpu.memory_space<hbm>> -> memref<16384x128xf32, #tpu.memory_space<hbm>>
    tpu.enqueue_indirect_dma source(%dma_start3A_45 : memref<16384x128xf32, #tpu.memory_space<hbm>>) target(%arg6 : memref<512x128xf32, #tpu.memory_space<vmem>>) offsets(%arg5 : memref<512xi32, #tpu.memory_space<vmem>>) semaphore(%arg7 : memref<!tpu.dma_semaphore, #tpu.memory_space<semaphore_mem>>)
    %dma_wait3A_46 = arith.constant 0 : i32
    %dma_wait3A_47 = arith.constant 0 : i32
    %dma_wait3A_48 = tpu.memref_slice %arg2[%dma_wait3A_46, %dma_wait3A_47] : memref<16384x128xf32, #tpu.memory_space<hbm>> -> memref<16384x128xf32, #tpu.memory_space<hbm>>
    tpu.wait_indirect_dma semaphore(%arg7 : memref<!tpu.dma_semaphore, #tpu.memory_space<semaphore_mem>>) src(%dma_wait3A_48 : memref<16384x128xf32, #tpu.memory_space<hbm>>) dst(%arg6 : memref<512x128xf32, #tpu.memory_space<vmem>>)
    "tpu.region"() ({
      %run_scoped3A = tpu.sem_alloc : memref<!tpu.dma_semaphore, #tpu.memory_space<semaphore_mem>>
      %dma_start3A_73 = arith.constant 0 : i32
      %dma_start3A_74 = tpu.memref_slice %arg4[%add3A_42, %dma_start3A_73] : memref<147456x128xf32, #tpu.memory_space<hbm>> -> memref<512x128xf32, #tpu.memory_space<hbm>>
      %dma_start3A_75 = arith.constant 0 : i32
      %dma_start3A_76 = tpu.memref_slice %arg4[%add3A_42, %dma_start3A_75] : memref<147456x128xf32, #tpu.memory_space<hbm>> -> memref<512x128xf32, #tpu.memory_space<hbm>>
      tpu.enqueue_dma source(%arg6 : memref<512x128xf32, #tpu.memory_space<vmem>>) target(%dma_start3A_76 : memref<512x128xf32, #tpu.memory_space<hbm>>) target_semaphore(%run_scoped3A : memref<!tpu.dma_semaphore, #tpu.memory_space<semaphore_mem>>)
      %dma_wait3A_77 = arith.constant 0 : i32
      %dma_wait3A_78 = tpu.memref_slice %arg4[%add3A_42, %dma_wait3A_77] : memref<147456x128xf32, #tpu.memory_space<hbm>> -> memref<512x128xf32, #tpu.memory_space<hbm>>
      %dma_wait3A_79 = arith.constant 0 : i32
      %dma_wait3A_80 = tpu.memref_slice %arg4[%add3A_42, %dma_wait3A_79] : memref<147456x128xf32, #tpu.memory_space<hbm>> -> memref<512x128xf32, #tpu.memory_space<hbm>>
      tpu.wait_dma2 semaphore(%run_scoped3A : memref<!tpu.dma_semaphore, #tpu.memory_space<semaphore_mem>>) src(%arg6 : memref<512x128xf32, #tpu.memory_space<vmem>>) dst(%dma_wait3A_80 : memref<512x128xf32, #tpu.memory_space<hbm>>)
      tpu.yield
    }) : () -> ()
    %add3A_49 = arith.constant 3072 : i32
    %add3A_50 = arith.addi %mul3A_2, %add3A_49 : i32
    "tpu.region"() ({
      %run_scoped3A = tpu.sem_alloc : memref<!tpu.dma_semaphore, #tpu.memory_space<semaphore_mem>>
      %dma_start3A_73 = tpu.memref_slice %arg3[%add3A_50] : memref<147456xi32, #tpu.memory_space<hbm>> -> memref<512xi32, #tpu.memory_space<hbm>>
      %dma_start3A_74 = tpu.memref_slice %arg3[%add3A_50] : memref<147456xi32, #tpu.memory_space<hbm>> -> memref<512xi32, #tpu.memory_space<hbm>>
      tpu.enqueue_dma source(%dma_start3A_74 : memref<512xi32, #tpu.memory_space<hbm>>) target(%arg5 : memref<512xi32, #tpu.memory_space<vmem>>) target_semaphore(%run_scoped3A : memref<!tpu.dma_semaphore, #tpu.memory_space<semaphore_mem>>)
      %dma_wait3A_75 = tpu.memref_slice %arg3[%add3A_50] : memref<147456xi32, #tpu.memory_space<hbm>> -> memref<512xi32, #tpu.memory_space<hbm>>
      %dma_wait3A_76 = tpu.memref_slice %arg3[%add3A_50] : memref<147456xi32, #tpu.memory_space<hbm>> -> memref<512xi32, #tpu.memory_space<hbm>>
      tpu.wait_dma2 semaphore(%run_scoped3A : memref<!tpu.dma_semaphore, #tpu.memory_space<semaphore_mem>>) src(%dma_wait3A_76 : memref<512xi32, #tpu.memory_space<hbm>>) dst(%arg5 : memref<512xi32, #tpu.memory_space<vmem>>)
      tpu.yield
    }) : () -> ()
    %dma_start3A_51 = arith.constant 0 : i32
    %dma_start3A_52 = arith.constant 0 : i32
    %dma_start3A_53 = tpu.memref_slice %arg2[%dma_start3A_51, %dma_start3A_52] : memref<16384x128xf32, #tpu.memory_space<hbm>> -> memref<16384x128xf32, #tpu.memory_space<hbm>>
    tpu.enqueue_indirect_dma source(%dma_start3A_53 : memref<16384x128xf32, #tpu.memory_space<hbm>>) target(%arg6 : memref<512x128xf32, #tpu.memory_space<vmem>>) offsets(%arg5 : memref<512xi32, #tpu.memory_space<vmem>>) semaphore(%arg7 : memref<!tpu.dma_semaphore, #tpu.memory_space<semaphore_mem>>)
    %dma_wait3A_54 = arith.constant 0 : i32
    %dma_wait3A_55 = arith.constant 0 : i32
    %dma_wait3A_56 = tpu.memref_slice %arg2[%dma_wait3A_54, %dma_wait3A_55] : memref<16384x128xf32, #tpu.memory_space<hbm>> -> memref<16384x128xf32, #tpu.memory_space<hbm>>
    tpu.wait_indirect_dma semaphore(%arg7 : memref<!tpu.dma_semaphore, #tpu.memory_space<semaphore_mem>>) src(%dma_wait3A_56 : memref<16384x128xf32, #tpu.memory_space<hbm>>) dst(%arg6 : memref<512x128xf32, #tpu.memory_space<vmem>>)
    "tpu.region"() ({
      %run_scoped3A = tpu.sem_alloc : memref<!tpu.dma_semaphore, #tpu.memory_space<semaphore_mem>>
      %dma_start3A_73 = arith.constant 0 : i32
      %dma_start3A_74 = tpu.memref_slice %arg4[%add3A_50, %dma_start3A_73] : memref<147456x128xf32, #tpu.memory_space<hbm>> -> memref<512x128xf32, #tpu.memory_space<hbm>>
      %dma_start3A_75 = arith.constant 0 : i32
      %dma_start3A_76 = tpu.memref_slice %arg4[%add3A_50, %dma_start3A_75] : memref<147456x128xf32, #tpu.memory_space<hbm>> -> memref<512x128xf32, #tpu.memory_space<hbm>>
      tpu.enqueue_dma source(%arg6 : memref<512x128xf32, #tpu.memory_space<vmem>>) target(%dma_start3A_76 : memref<512x128xf32, #tpu.memory_space<hbm>>) target_semaphore(%run_scoped3A : memref<!tpu.dma_semaphore, #tpu.memory_space<semaphore_mem>>)
      %dma_wait3A_77 = arith.constant 0 : i32
      %dma_wait3A_78 = tpu.memref_slice %arg4[%add3A_50, %dma_wait3A_77] : memref<147456x128xf32, #tpu.memory_space<hbm>> -> memref<512x128xf32, #tpu.memory_space<hbm>>
      %dma_wait3A_79 = arith.constant 0 : i32
      %dma_wait3A_80 = tpu.memref_slice %arg4[%add3A_50, %dma_wait3A_79] : memref<147456x128xf32, #tpu.memory_space<hbm>> -> memref<512x128xf32, #tpu.memory_space<hbm>>
      tpu.wait_dma2 semaphore(%run_scoped3A : memref<!tpu.dma_semaphore, #tpu.memory_space<semaphore_mem>>) src(%arg6 : memref<512x128xf32, #tpu.memory_space<vmem>>) dst(%dma_wait3A_80 : memref<512x128xf32, #tpu.memory_space<hbm>>)
      tpu.yield
    }) : () -> ()
    %add3A_57 = arith.constant 3584 : i32
    %add3A_58 = arith.addi %mul3A_2, %add3A_57 : i32
    "tpu.region"() ({
      %run_scoped3A = tpu.sem_alloc : memref<!tpu.dma_semaphore, #tpu.memory_space<semaphore_mem>>
      %dma_start3A_73 = tpu.memref_slice %arg3[%add3A_58] : memref<147456xi32, #tpu.memory_space<hbm>> -> memref<512xi32, #tpu.memory_space<hbm>>
      %dma_start3A_74 = tpu.memref_slice %arg3[%add3A_58] : memref<147456xi32, #tpu.memory_space<hbm>> -> memref<512xi32, #tpu.memory_space<hbm>>
      tpu.enqueue_dma source(%dma_start3A_74 : memref<512xi32, #tpu.memory_space<hbm>>) target(%arg5 : memref<512xi32, #tpu.memory_space<vmem>>) target_semaphore(%run_scoped3A : memref<!tpu.dma_semaphore, #tpu.memory_space<semaphore_mem>>)
      %dma_wait3A_75 = tpu.memref_slice %arg3[%add3A_58] : memref<147456xi32, #tpu.memory_space<hbm>> -> memref<512xi32, #tpu.memory_space<hbm>>
      %dma_wait3A_76 = tpu.memref_slice %arg3[%add3A_58] : memref<147456xi32, #tpu.memory_space<hbm>> -> memref<512xi32, #tpu.memory_space<hbm>>
      tpu.wait_dma2 semaphore(%run_scoped3A : memref<!tpu.dma_semaphore, #tpu.memory_space<semaphore_mem>>) src(%dma_wait3A_76 : memref<512xi32, #tpu.memory_space<hbm>>) dst(%arg5 : memref<512xi32, #tpu.memory_space<vmem>>)
      tpu.yield
    }) : () -> ()
    %dma_start3A_59 = arith.constant 0 : i32
    %dma_start3A_60 = arith.constant 0 : i32
    %dma_start3A_61 = tpu.memref_slice %arg2[%dma_start3A_59, %dma_start3A_60] : memref<16384x128xf32, #tpu.memory_space<hbm>> -> memref<16384x128xf32, #tpu.memory_space<hbm>>
    tpu.enqueue_indirect_dma source(%dma_start3A_61 : memref<16384x128xf32, #tpu.memory_space<hbm>>) target(%arg6 : memref<512x128xf32, #tpu.memory_space<vmem>>) offsets(%arg5 : memref<512xi32, #tpu.memory_space<vmem>>) semaphore(%arg7 : memref<!tpu.dma_semaphore, #tpu.memory_space<semaphore_mem>>)
    %dma_wait3A_62 = arith.constant 0 : i32
    %dma_wait3A_63 = arith.constant 0 : i32
    %dma_wait3A_64 = tpu.memref_slice %arg2[%dma_wait3A_62, %dma_wait3A_63] : memref<16384x128xf32, #tpu.memory_space<hbm>> -> memref<16384x128xf32, #tpu.memory_space<hbm>>
    tpu.wait_indirect_dma semaphore(%arg7 : memref<!tpu.dma_semaphore, #tpu.memory_space<semaphore_mem>>) src(%dma_wait3A_64 : memref<16384x128xf32, #tpu.memory_space<hbm>>) dst(%arg6 : memref<512x128xf32, #tpu.memory_space<vmem>>)
    "tpu.region"() ({
      %run_scoped3A = tpu.sem_alloc : memref<!tpu.dma_semaphore, #tpu.memory_space<semaphore_mem>>
      %dma_start3A_73 = arith.constant 0 : i32
      %dma_start3A_74 = tpu.memref_slice %arg4[%add3A_58, %dma_start3A_73] : memref<147456x128xf32, #tpu.memory_space<hbm>> -> memref<512x128xf32, #tpu.memory_space<hbm>>
      %dma_start3A_75 = arith.constant 0 : i32
      %dma_start3A_76 = tpu.memref_slice %arg4[%add3A_58, %dma_start3A_75] : memref<147456x128xf32, #tpu.memory_space<hbm>> -> memref<512x128xf32, #tpu.memory_space<hbm>>
      tpu.enqueue_dma source(%arg6 : memref<512x128xf32, #tpu.memory_space<vmem>>) target(%dma_start3A_76 : memref<512x128xf32, #tpu.memory_space<hbm>>) target_semaphore(%run_scoped3A : memref<!tpu.dma_semaphore, #tpu.memory_space<semaphore_mem>>)
      %dma_wait3A_77 = arith.constant 0 : i32
      %dma_wait3A_78 = tpu.memref_slice %arg4[%add3A_58, %dma_wait3A_77] : memref<147456x128xf32, #tpu.memory_space<hbm>> -> memref<512x128xf32, #tpu.memory_space<hbm>>
      %dma_wait3A_79 = arith.constant 0 : i32
      %dma_wait3A_80 = tpu.memref_slice %arg4[%add3A_58, %dma_wait3A_79] : memref<147456x128xf32, #tpu.memory_space<hbm>> -> memref<512x128xf32, #tpu.memory_space<hbm>>
      tpu.wait_dma2 semaphore(%run_scoped3A : memref<!tpu.dma_semaphore, #tpu.memory_space<semaphore_mem>>) src(%arg6 : memref<512x128xf32, #tpu.memory_space<vmem>>) dst(%dma_wait3A_80 : memref<512x128xf32, #tpu.memory_space<hbm>>)
      tpu.yield
    }) : () -> ()
    %add3A_65 = arith.constant 4096 : i32
    %add3A_66 = arith.addi %mul3A_2, %add3A_65 : i32
    "tpu.region"() ({
      %run_scoped3A = tpu.sem_alloc : memref<!tpu.dma_semaphore, #tpu.memory_space<semaphore_mem>>
      %dma_start3A_73 = tpu.memref_slice %arg3[%add3A_66] : memref<147456xi32, #tpu.memory_space<hbm>> -> memref<512xi32, #tpu.memory_space<hbm>>
      %dma_start3A_74 = tpu.memref_slice %arg3[%add3A_66] : memref<147456xi32, #tpu.memory_space<hbm>> -> memref<512xi32, #tpu.memory_space<hbm>>
      tpu.enqueue_dma source(%dma_start3A_74 : memref<512xi32, #tpu.memory_space<hbm>>) target(%arg5 : memref<512xi32, #tpu.memory_space<vmem>>) target_semaphore(%run_scoped3A : memref<!tpu.dma_semaphore, #tpu.memory_space<semaphore_mem>>)
      %dma_wait3A_75 = tpu.memref_slice %arg3[%add3A_66] : memref<147456xi32, #tpu.memory_space<hbm>> -> memref<512xi32, #tpu.memory_space<hbm>>
      %dma_wait3A_76 = tpu.memref_slice %arg3[%add3A_66] : memref<147456xi32, #tpu.memory_space<hbm>> -> memref<512xi32, #tpu.memory_space<hbm>>
      tpu.wait_dma2 semaphore(%run_scoped3A : memref<!tpu.dma_semaphore, #tpu.memory_space<semaphore_mem>>) src(%dma_wait3A_76 : memref<512xi32, #tpu.memory_space<hbm>>) dst(%arg5 : memref<512xi32, #tpu.memory_space<vmem>>)
      tpu.yield
    }) : () -> ()
    %dma_start3A_67 = arith.constant 0 : i32
    %dma_start3A_68 = arith.constant 0 : i32
    %dma_start3A_69 = tpu.memref_slice %arg2[%dma_start3A_67, %dma_start3A_68] : memref<16384x128xf32, #tpu.memory_space<hbm>> -> memref<16384x128xf32, #tpu.memory_space<hbm>>
    tpu.enqueue_indirect_dma source(%dma_start3A_69 : memref<16384x128xf32, #tpu.memory_space<hbm>>) target(%arg6 : memref<512x128xf32, #tpu.memory_space<vmem>>) offsets(%arg5 : memref<512xi32, #tpu.memory_space<vmem>>) semaphore(%arg7 : memref<!tpu.dma_semaphore, #tpu.memory_space<semaphore_mem>>)
    %dma_wait3A_70 = arith.constant 0 : i32
    %dma_wait3A_71 = arith.constant 0 : i32
    %dma_wait3A_72 = tpu.memref_slice %arg2[%dma_wait3A_70, %dma_wait3A_71] : memref<16384x128xf32, #tpu.memory_space<hbm>> -> memref<16384x128xf32, #tpu.memory_space<hbm>>
    tpu.wait_indirect_dma semaphore(%arg7 : memref<!tpu.dma_semaphore, #tpu.memory_space<semaphore_mem>>) src(%dma_wait3A_72 : memref<16384x128xf32, #tpu.memory_space<hbm>>) dst(%arg6 : memref<512x128xf32, #tpu.memory_space<vmem>>)
    "tpu.region"() ({
      %run_scoped3A = tpu.sem_alloc : memref<!tpu.dma_semaphore, #tpu.memory_space<semaphore_mem>>
      %dma_start3A_73 = arith.constant 0 : i32
      %dma_start3A_74 = tpu.memref_slice %arg4[%add3A_66, %dma_start3A_73] : memref<147456x128xf32, #tpu.memory_space<hbm>> -> memref<512x128xf32, #tpu.memory_space<hbm>>
      %dma_start3A_75 = arith.constant 0 : i32
      %dma_start3A_76 = tpu.memref_slice %arg4[%add3A_66, %dma_start3A_75] : memref<147456x128xf32, #tpu.memory_space<hbm>> -> memref<512x128xf32, #tpu.memory_space<hbm>>
      tpu.enqueue_dma source(%arg6 : memref<512x128xf32, #tpu.memory_space<vmem>>) target(%dma_start3A_76 : memref<512x128xf32, #tpu.memory_space<hbm>>) target_semaphore(%run_scoped3A : memref<!tpu.dma_semaphore, #tpu.memory_space<semaphore_mem>>)
      %dma_wait3A_77 = arith.constant 0 : i32
      %dma_wait3A_78 = tpu.memref_slice %arg4[%add3A_66, %dma_wait3A_77] : memref<147456x128xf32, #tpu.memory_space<hbm>> -> memref<512x128xf32, #tpu.memory_space<hbm>>
      %dma_wait3A_79 = arith.constant 0 : i32
      %dma_wait3A_80 = tpu.memref_slice %arg4[%add3A_66, %dma_wait3A_79] : memref<147456x128xf32, #tpu.memory_space<hbm>> -> memref<512x128xf32, #tpu.memory_space<hbm>>
      tpu.wait_dma2 semaphore(%run_scoped3A : memref<!tpu.dma_semaphore, #tpu.memory_space<semaphore_mem>>) src(%arg6 : memref<512x128xf32, #tpu.memory_space<vmem>>) dst(%dma_wait3A_80 : memref<512x128xf32, #tpu.memory_space<hbm>>)
      tpu.yield
    }) : () -> ()
    return
  }
}

module attributes {stable_mosaic.version = 14 : i64} {
  func.func @_proj_body(%arg0: i32, %arg1: i32, %arg2: memref<1x3x2048xf32, #tpu.memory_space<vmem>>, %arg3: memref<1x128x2048xf32, #tpu.memory_space<vmem>>, %arg4: memref<1x64x2048xf32, #tpu.memory_space<vmem>>, %arg5: memref<1x3x2048xf32, #tpu.memory_space<vmem>>, %arg6: memref<128x198xf32, #tpu.memory_space<vmem>>, %arg7: memref<128x3xf32, #tpu.memory_space<vmem>>, %arg8: memref<1x2048x128xf32, #tpu.memory_space<vmem>>, %arg9: memref<1x2048x128xf32, #tpu.memory_space<vmem>>, %arg10: memref<1x2048x128xf32, #tpu.memory_space<vmem>>, %arg11: memref<1x2048x1xf32, #tpu.memory_space<vmem>>) attributes {dimension_semantics = [#tpu.dimension_semantics<arbitrary>, #tpu.dimension_semantics<arbitrary>], iteration_bounds = array<i64: 2, 4>, scalar_prefetch = 0 : i64, scratch_operands = 0 : i64, tpu.core_type = #tpu.core_type<tc>, window_params = [{transform_indices = @transform_0, window_bounds = array<i64: 1, 3, 2048>}, {transform_indices = @transform_1, window_bounds = array<i64: 1, 128, 2048>}, {transform_indices = @transform_2, window_bounds = array<i64: 1, 64, 2048>}, {transform_indices = @transform_3, window_bounds = array<i64: 1, 3, 2048>}, {pipeline_mode = #tpu.pipeline_mode<synchronous>, transform_indices = @transform_4, window_bounds = array<i64: 128, 198>}, {pipeline_mode = #tpu.pipeline_mode<synchronous>, transform_indices = @transform_5, window_bounds = array<i64: 128, 3>}, {transform_indices = @transform_6, window_bounds = array<i64: 1, 2048, 128>}, {transform_indices = @transform_7, window_bounds = array<i64: 1, 2048, 128>}, {transform_indices = @transform_8, window_bounds = array<i64: 1, 2048, 128>}, {transform_indices = @transform_9, window_bounds = array<i64: 1, 2048, 1>}]} {
    %get3A = arith.constant 0 : index
    %get3A_0 = arith.constant 0 : index
    %get3A_1 = arith.constant 0 : index
    %get3A_2 = vector.load %arg2[%get3A, %get3A_0, %get3A_1] : memref<1x3x2048xf32, #tpu.memory_space<vmem>>, vector<1x3x2048xf32>
    %get3A_3 = vector.shape_cast %get3A_2 : vector<1x3x2048xf32> to vector<3x2048xf32>
    %get3A_4 = arith.constant 0 : index
    %get3A_5 = arith.constant 0 : index
    %get3A_6 = vector.load %arg6[%get3A_4, %get3A_5] : memref<128x198xf32, #tpu.memory_space<vmem>>, vector<128x198xf32>
    %slice3A = vector.extract_strided_slice %get3A_6 {offsets = [0, 0], sizes = [128, 3], strides = [1, 1]} : vector<128x198xf32> to vector<128x3xf32>
    %convert_element_type3A = arith.truncf %slice3A : vector<128x3xf32> to vector<128x3xbf16>
    %convert_element_type3A_7 = arith.truncf %get3A_3 : vector<3x2048xf32> to vector<3x2048xbf16>
    %dot_general3A = arith.constant dense<0.000000e+00> : vector<128x2048xf32>
    %dot_general3A_8 = tpu.matmul %convert_element_type3A, %convert_element_type3A_7, %dot_general3A {dimension_numbers = #tpu.dot_dimension_numbers<[1], [0], [0], [1], [0, 0, 1, 1], [], []>, transpose_lhs_hint = false} : vector<128x3xbf16>, vector<3x2048xbf16>, vector<128x2048xf32> -> vector<128x2048xf32>
    %slice3A_9 = vector.extract_strided_slice %get3A_6 {offsets = [0, 3], sizes = [128, 128], strides = [1, 1]} : vector<128x198xf32> to vector<128x128xf32>
    %get3A_10 = arith.constant 0 : index
    %get3A_11 = arith.constant 0 : index
    %get3A_12 = arith.constant 0 : index
    %get3A_13 = vector.load %arg3[%get3A_10, %get3A_11, %get3A_12] : memref<1x128x2048xf32, #tpu.memory_space<vmem>>, vector<1x128x2048xf32>
    %get3A_14 = vector.shape_cast %get3A_13 : vector<1x128x2048xf32> to vector<128x2048xf32>
    %convert_element_type3A_15 = arith.truncf %slice3A_9 : vector<128x128xf32> to vector<128x128xbf16>
    %convert_element_type3A_16 = arith.truncf %get3A_14 : vector<128x2048xf32> to vector<128x2048xbf16>
    %dot_general3A_17 = arith.constant dense<0.000000e+00> : vector<128x2048xf32>
    %dot_general3A_18 = tpu.matmul %convert_element_type3A_15, %convert_element_type3A_16, %dot_general3A_17 {dimension_numbers = #tpu.dot_dimension_numbers<[1], [0], [0], [1], [0, 0, 1, 1], [], []>, transpose_lhs_hint = false} : vector<128x128xbf16>, vector<128x2048xbf16>, vector<128x2048xf32> -> vector<128x2048xf32>
    %add3A = arith.addf %dot_general3A_8, %dot_general3A_18 : vector<128x2048xf32>
    %slice3A_19 = vector.extract_strided_slice %get3A_6 {offsets = [0, 131], sizes = [128, 64], strides = [1, 1]} : vector<128x198xf32> to vector<128x64xf32>
    %get3A_20 = arith.constant 0 : index
    %get3A_21 = arith.constant 0 : index
    %get3A_22 = arith.constant 0 : index
    %get3A_23 = vector.load %arg4[%get3A_20, %get3A_21, %get3A_22] : memref<1x64x2048xf32, #tpu.memory_space<vmem>>, vector<1x64x2048xf32>
    %get3A_24 = vector.shape_cast %get3A_23 : vector<1x64x2048xf32> to vector<64x2048xf32>
    %convert_element_type3A_25 = arith.truncf %slice3A_19 : vector<128x64xf32> to vector<128x64xbf16>
    %convert_element_type3A_26 = arith.truncf %get3A_24 : vector<64x2048xf32> to vector<64x2048xbf16>
    %dot_general3A_27 = arith.constant dense<0.000000e+00> : vector<128x2048xf32>
    %dot_general3A_28 = tpu.matmul %convert_element_type3A_25, %convert_element_type3A_26, %dot_general3A_27 {dimension_numbers = #tpu.dot_dimension_numbers<[1], [0], [0], [1], [0, 0, 1, 1], [], []>, transpose_lhs_hint = false} : vector<128x64xbf16>, vector<64x2048xbf16>, vector<128x2048xf32> -> vector<128x2048xf32>
    %add3A_29 = arith.addf %add3A, %dot_general3A_28 : vector<128x2048xf32>
    %slice3A_30 = vector.extract_strided_slice %get3A_6 {offsets = [0, 195], sizes = [128, 3], strides = [1, 1]} : vector<128x198xf32> to vector<128x3xf32>
    %get3A_31 = arith.constant 0 : index
    %get3A_32 = arith.constant 0 : index
    %get3A_33 = arith.constant 0 : index
    %get3A_34 = vector.load %arg5[%get3A_31, %get3A_32, %get3A_33] : memref<1x3x2048xf32, #tpu.memory_space<vmem>>, vector<1x3x2048xf32>
    %get3A_35 = vector.shape_cast %get3A_34 : vector<1x3x2048xf32> to vector<3x2048xf32>
    %convert_element_type3A_36 = arith.truncf %slice3A_30 : vector<128x3xf32> to vector<128x3xbf16>
    %convert_element_type3A_37 = arith.truncf %get3A_35 : vector<3x2048xf32> to vector<3x2048xbf16>
    %dot_general3A_38 = arith.constant dense<0.000000e+00> : vector<128x2048xf32>
    %dot_general3A_39 = tpu.matmul %convert_element_type3A_36, %convert_element_type3A_37, %dot_general3A_38 {dimension_numbers = #tpu.dot_dimension_numbers<[1], [0], [0], [1], [0, 0, 1, 1], [], []>, transpose_lhs_hint = false} : vector<128x3xbf16>, vector<3x2048xbf16>, vector<128x2048xf32> -> vector<128x2048xf32>
    %add3A_40 = arith.addf %add3A_29, %dot_general3A_39 : vector<128x2048xf32>
    %get3A_41 = arith.constant 0 : index
    %get3A_42 = arith.constant 0 : index
    %get3A_43 = vector.load %arg7[%get3A_41, %get3A_42] : memref<128x3xf32, #tpu.memory_space<vmem>>, vector<128x3xf32>
    %convert_element_type3A_44 = arith.truncf %get3A_43 : vector<128x3xf32> to vector<128x3xbf16>
    %convert_element_type3A_45 = arith.truncf %get3A_3 : vector<3x2048xf32> to vector<3x2048xbf16>
    %dot_general3A_46 = arith.constant dense<0.000000e+00> : vector<128x2048xf32>
    %dot_general3A_47 = tpu.matmul %convert_element_type3A_44, %convert_element_type3A_45, %dot_general3A_46 {dimension_numbers = #tpu.dot_dimension_numbers<[1], [0], [0], [1], [0, 0, 1, 1], [], []>, transpose_lhs_hint = false} : vector<128x3xbf16>, vector<3x2048xbf16>, vector<128x2048xf32> -> vector<128x2048xf32>
    %transpose3A = tpu.transpose %add3A_40, [1, 0] : vector<128x2048xf32> -> vector<2048x128xf32>
    %swap3A = arith.constant 0 : index
    %swap3A_48 = arith.constant 0 : index
    %swap3A_49 = arith.constant 0 : index
    %swap3A_50 = vector.load %arg8[%swap3A, %swap3A_48, %swap3A_49] : memref<1x2048x128xf32, #tpu.memory_space<vmem>>, vector<1x2048x128xf32>
    %swap3A_51 = vector.shape_cast %swap3A_50 : vector<1x2048x128xf32> to vector<2048x128xf32>
    %swap3A_52 = vector.shape_cast %transpose3A : vector<2048x128xf32> to vector<1x2048x128xf32>
    tpu.vector_store %arg8[%swap3A, %swap3A_48, %swap3A_49], %swap3A_52 {strides = array<i32>} : memref<1x2048x128xf32, #tpu.memory_space<vmem>>, vector<1x2048x128xf32>,
    %transpose3A_53 = tpu.transpose %dot_general3A_8, [1, 0] : vector<128x2048xf32> -> vector<2048x128xf32>
    %swap3A_54 = arith.constant 0 : index
    %swap3A_55 = arith.constant 0 : index
    %swap3A_56 = arith.constant 0 : index
    %swap3A_57 = vector.load %arg9[%swap3A_54, %swap3A_55, %swap3A_56] : memref<1x2048x128xf32, #tpu.memory_space<vmem>>, vector<1x2048x128xf32>
    %swap3A_58 = vector.shape_cast %swap3A_57 : vector<1x2048x128xf32> to vector<2048x128xf32>
    %swap3A_59 = vector.shape_cast %transpose3A_53 : vector<2048x128xf32> to vector<1x2048x128xf32>
    tpu.vector_store %arg9[%swap3A_54, %swap3A_55, %swap3A_56], %swap3A_59 {strides = array<i32>} : memref<1x2048x128xf32, #tpu.memory_space<vmem>>, vector<1x2048x128xf32>,
    %transpose3A_60 = tpu.transpose %dot_general3A_47, [1, 0] : vector<128x2048xf32> -> vector<2048x128xf32>
    %swap3A_61 = arith.constant 0 : index
    %swap3A_62 = arith.constant 0 : index
    %swap3A_63 = arith.constant 0 : index
    %swap3A_64 = vector.load %arg10[%swap3A_61, %swap3A_62, %swap3A_63] : memref<1x2048x128xf32, #tpu.memory_space<vmem>>, vector<1x2048x128xf32>
    %swap3A_65 = vector.shape_cast %swap3A_64 : vector<1x2048x128xf32> to vector<2048x128xf32>
    %swap3A_66 = vector.shape_cast %transpose3A_60 : vector<2048x128xf32> to vector<1x2048x128xf32>
    tpu.vector_store %arg10[%swap3A_61, %swap3A_62, %swap3A_63], %swap3A_66 {strides = array<i32>} : memref<1x2048x128xf32, #tpu.memory_space<vmem>>, vector<1x2048x128xf32>,
    %mul3A = arith.mulf %get3A_3, %get3A_3 : vector<3x2048xf32>
    %reduce_sum3A = arith.constant dense<0.000000e+00> : vector<2048xf32>
    %reduce_sum3A_67 = vector.multi_reduction <add>, %mul3A, %reduce_sum3A [0] : vector<3x2048xf32> to vector<2048xf32>
    %broadcast_in_dim3A = vector.shape_cast %reduce_sum3A_67 : vector<2048xf32> to vector<1x2048xf32>
    %transpose3A_68 = tpu.transpose %broadcast_in_dim3A, [1, 0] : vector<1x2048xf32> -> vector<2048x1xf32>
    %swap3A_69 = arith.constant 0 : index
    %swap3A_70 = arith.constant 0 : index
    %swap3A_71 = arith.constant 0 : index
    %swap3A_72 = vector.load %arg11[%swap3A_69, %swap3A_70, %swap3A_71] : memref<1x2048x1xf32, #tpu.memory_space<vmem>>, vector<1x2048x1xf32>
    %swap3A_73 = vector.shape_cast %swap3A_72 : vector<1x2048x1xf32> to vector<2048x1xf32>
    %swap3A_74 = vector.shape_cast %transpose3A_68 : vector<2048x1xf32> to vector<1x2048x1xf32>
    tpu.vector_store %arg11[%swap3A_69, %swap3A_70, %swap3A_71], %swap3A_74 {strides = array<i32>} : memref<1x2048x1xf32, #tpu.memory_space<vmem>>, vector<1x2048x1xf32>,
    return
  }
  func.func @transform_0(%arg0: i32, %arg1: i32) -> (i32, i32, i32) {
    %c0_i32 = arith.constant 0 : i32
    %c0_i32_0 = arith.constant 0 : i32
    return %arg0, %c0_i32, %arg1 : i32, i32, i32
  }
  func.func @transform_1(%arg0: i32, %arg1: i32) -> (i32, i32, i32) {
    %c0_i32 = arith.constant 0 : i32
    %c0_i32_0 = arith.constant 0 : i32
    return %arg0, %c0_i32, %arg1 : i32, i32, i32
  }
  func.func @transform_2(%arg0: i32, %arg1: i32) -> (i32, i32, i32) {
    %c0_i32 = arith.constant 0 : i32
    %c0_i32_0 = arith.constant 0 : i32
    return %arg0, %c0_i32, %arg1 : i32, i32, i32
  }
  func.func @transform_3(%arg0: i32, %arg1: i32) -> (i32, i32, i32) {
    %c0_i32 = arith.constant 0 : i32
    %c0_i32_0 = arith.constant 0 : i32
    return %arg0, %c0_i32, %arg1 : i32, i32, i32
  }
  func.func @transform_4(%arg0: i32, %arg1: i32) -> (i32, i32) {
    %c0_i32 = arith.constant 0 : i32
    %c0_i32_0 = arith.constant 0 : i32
    %c0_i32_1 = arith.constant 0 : i32
    return %c0_i32, %c0_i32_0 : i32, i32
  }
  func.func @transform_5(%arg0: i32, %arg1: i32) -> (i32, i32) {
    %c0_i32 = arith.constant 0 : i32
    %c0_i32_0 = arith.constant 0 : i32
    %c0_i32_1 = arith.constant 0 : i32
    return %c0_i32, %c0_i32_0 : i32, i32
  }
  func.func @transform_6(%arg0: i32, %arg1: i32) -> (i32, i32, i32) {
    %c0_i32 = arith.constant 0 : i32
    %c0_i32_0 = arith.constant 0 : i32
    return %arg0, %arg1, %c0_i32 : i32, i32, i32
  }
  func.func @transform_7(%arg0: i32, %arg1: i32) -> (i32, i32, i32) {
    %c0_i32 = arith.constant 0 : i32
    %c0_i32_0 = arith.constant 0 : i32
    return %arg0, %arg1, %c0_i32 : i32, i32, i32
  }
  func.func @transform_8(%arg0: i32, %arg1: i32) -> (i32, i32, i32) {
    %c0_i32 = arith.constant 0 : i32
    %c0_i32_0 = arith.constant 0 : i32
    return %arg0, %arg1, %c0_i32 : i32, i32, i32
  }
  func.func @transform_9(%arg0: i32, %arg1: i32) -> (i32, i32, i32) {
    %c0_i32 = arith.constant 0 : i32
    %c0_i32_0 = arith.constant 0 : i32
    return %arg0, %arg1, %c0_i32 : i32, i32, i32
  }
}

module attributes {stable_mosaic.version = 14 : i64} {
  func.func @_knn_body(%arg0: i32, %arg1: i32, %arg2: memref<1x3x512xf32, #tpu.memory_space<vmem>>, %arg3: memref<1x8192x3xf32, #tpu.memory_space<vmem>>, %arg4: memref<1x8192x1xf32, #tpu.memory_space<vmem>>, %arg5: memref<1x9x512xi32, #tpu.memory_space<vmem>>) attributes {dimension_semantics = [#tpu.dimension_semantics<arbitrary>, #tpu.dimension_semantics<arbitrary>], iteration_bounds = array<i64: 2, 16>, scalar_prefetch = 0 : i64, scratch_operands = 0 : i64, tpu.core_type = #tpu.core_type<tc>, window_params = [{transform_indices = @transform_0, window_bounds = array<i64: 1, 3, 512>}, {transform_indices = @transform_1, window_bounds = array<i64: 1, 8192, 3>}, {transform_indices = @transform_2, window_bounds = array<i64: 1, 8192, 1>}, {transform_indices = @transform_3, window_bounds = array<i64: 1, 9, 512>}]} {
    %get3A = arith.constant 0 : index
    %get3A_0 = arith.constant 0 : index
    %get3A_1 = arith.constant 0 : index
    %get3A_2 = vector.load %arg2[%get3A, %get3A_0, %get3A_1] : memref<1x3x512xf32, #tpu.memory_space<vmem>>, vector<1x3x512xf32>
    %get3A_3 = vector.shape_cast %get3A_2 : vector<1x3x512xf32> to vector<3x512xf32>
    %get3A_4 = arith.constant 0 : index
    %get3A_5 = arith.constant 0 : index
    %get3A_6 = arith.constant 0 : index
    %get3A_7 = vector.load %arg3[%get3A_4, %get3A_5, %get3A_6] : memref<1x8192x3xf32, #tpu.memory_space<vmem>>, vector<1x8192x3xf32>
    %get3A_8 = vector.shape_cast %get3A_7 : vector<1x8192x3xf32> to vector<8192x3xf32>
    %get3A_9 = arith.constant 0 : index
    %get3A_10 = arith.constant 0 : index
    %get3A_11 = arith.constant 0 : index
    %get3A_12 = vector.load %arg4[%get3A_9, %get3A_10, %get3A_11] : memref<1x8192x1xf32, #tpu.memory_space<vmem>>, vector<1x8192x1xf32>
    %get3A_13 = vector.shape_cast %get3A_12 : vector<1x8192x1xf32> to vector<8192x1xf32>
    %mul3A = arith.mulf %get3A_3, %get3A_3 : vector<3x512xf32>
    %reduce_sum3A = arith.constant dense<0.000000e+00> : vector<512xf32>
    %reduce_sum3A_14 = vector.multi_reduction <add>, %mul3A, %reduce_sum3A [0] : vector<3x512xf32> to vector<512xf32>
    %broadcast_in_dim3A = vector.shape_cast %reduce_sum3A_14 : vector<512xf32> to vector<1x512xf32>
    %mul3A_15 = arith.constant -2.000000e+00 : f32
    %mul3A_16 = vector.broadcast %mul3A_15 : f32 to vector<8192x3xf32>
    %mul3A_17 = arith.mulf %get3A_8, %mul3A_16 : vector<8192x3xf32>
    %convert_element_type3A = arith.truncf %mul3A_17 : vector<8192x3xf32> to vector<8192x3xbf16>
    %convert_element_type3A_18 = arith.truncf %get3A_3 : vector<3x512xf32> to vector<3x512xbf16>
    %dot_general3A = arith.constant dense<0.000000e+00> : vector<8192x512xf32>
    %dot_general3A_19 = tpu.matmul %convert_element_type3A, %convert_element_type3A_18, %dot_general3A {dimension_numbers = #tpu.dot_dimension_numbers<[1], [0], [0], [1], [0, 0, 1, 1], [], []>, transpose_lhs_hint = false} : vector<8192x3xbf16>, vector<3x512xbf16>, vector<8192x512xf32> -> vector<8192x512xf32>
    %add3A = vector.broadcast %get3A_13 : vector<8192x1xf32> to vector<8192x512xf32>
    %add3A_20 = vector.broadcast %broadcast_in_dim3A : vector<1x512xf32> to vector<8192x512xf32>
    %add3A_21 = arith.addf %add3A, %add3A_20 : vector<8192x512xf32>
    %add3A_22 = arith.addf %add3A_21, %dot_general3A_19 : vector<8192x512xf32>
    %iota3A = tpu.iota {dimensions = array<i32: 0>} : vector<8192x512xi32>
    %and3A = arith.constant 127 : i32
    %and3A_23 = vector.broadcast %and3A : i32 to vector<8192x512xi32>
    %and3A_24 = arith.andi %iota3A, %and3A_23 : vector<8192x512xi32>
    %max3A = arith.constant 1.000000e-35 : f32
    %max3A_25 = vector.broadcast %max3A : f32 to vector<8192x512xf32>
    %max3A_26 = arith.maximumf %add3A_22, %max3A_25 : vector<8192x512xf32>
    %bitcast_convert_type3A = tpu.bitcast %max3A_26 : vector<8192x512xf32> -> vector<8192x512xi32>
    %and3A_27 = arith.constant -128 : i32
    %and3A_28 = vector.broadcast %and3A_27 : i32 to vector<8192x512xi32>
    %and3A_29 = arith.andi %bitcast_convert_type3A, %and3A_28 : vector<8192x512xi32>
    %or3A = arith.ori %and3A_29, %and3A_24 : vector<8192x512xi32>
    %bitcast_convert_type3A_30 = tpu.bitcast %or3A : vector<8192x512xi32> -> vector<8192x512xf32>
    %iota3A_31 = tpu.iota {dimensions = array<i32: 0>} : vector<64x512xi32>
    %reshape3A = vector.shape_cast %bitcast_convert_type3A_30 : vector<8192x512xf32> to vector<64x128x512xf32>
    %reduce_min3A = arith.constant dense<0x7F800000> : vector<64x512xf32>
    %reduce_min3A_32 = vector.multi_reduction <minimumf>, %reshape3A, %reduce_min3A [1] : vector<64x128x512xf32> to vector<64x512xf32>
    %reduce_min3A_33 = arith.constant dense<0x7F800000> : vector<512xf32>
    %reduce_min3A_34 = vector.multi_reduction <minimumf>, %reduce_min3A_32, %reduce_min3A_33 [0] : vector<64x512xf32> to vector<512xf32>
    %broadcast_in_dim3A_35 = vector.shape_cast %reduce_min3A_34 : vector<512xf32> to vector<1x512xf32>
    %eq3A = vector.broadcast %broadcast_in_dim3A_35 : vector<1x512xf32> to vector<64x512xf32>
    %eq3A_36 = arith.cmpf oeq, %reduce_min3A_32, %eq3A : vector<64x512xf32>
    %jit3A = arith.constant 64 : i32
    %broadcast_in_dim3A_37 = vector.broadcast %jit3A : i32 to vector<64x512xi32>
    %select_n3A = arith.select %eq3A_36, %iota3A_31, %broadcast_in_dim3A_37 : vector<64x512xi1>, vector<64x512xi32>
    %reduce_min3A_38 = arith.constant dense<2147483647> : vector<512xi32>
    %reduce_min3A_39 = vector.multi_reduction <minsi>, %select_n3A, %reduce_min3A_38 [0] : vector<64x512xi32> to vector<512xi32>
    %broadcast_in_dim3A_40 = vector.shape_cast %reduce_min3A_39 : vector<512xi32> to vector<1x512xi32>
    %bitcast_convert_type3A_41 = tpu.bitcast %broadcast_in_dim3A_35 : vector<1x512xf32> -> vector<1x512xi32>
    %and3A_42 = arith.constant 127 : i32
    %and3A_43 = vector.broadcast %and3A_42 : i32 to vector<1x512xi32>
    %and3A_44 = arith.andi %bitcast_convert_type3A_41, %and3A_43 : vector<1x512xi32>
    %mul3A_45 = arith.constant 128 : i32
    %mul3A_46 = vector.broadcast %mul3A_45 : i32 to vector<1x512xi32>
    %mul3A_47 = arith.muli %broadcast_in_dim3A_40, %mul3A_46 : vector<1x512xi32>
    %add3A_48 = arith.addi %mul3A_47, %and3A_44 : vector<1x512xi32>
    %eq3A_49 = vector.broadcast %add3A_48 : vector<1x512xi32> to vector<8192x512xi32>
    %eq3A_50 = arith.cmpi eq, %iota3A, %eq3A_49 : vector<8192x512xi32>
    %jit3A_51 = arith.constant 3.000000e+38 : f32
    %broadcast_in_dim3A_52 = vector.broadcast %jit3A_51 : f32 to vector<8192x512xf32>
    %select_n3A_53 = arith.select %eq3A_50, %broadcast_in_dim3A_52, %bitcast_convert_type3A_30 : vector<8192x512xi1>, vector<8192x512xf32>
    %reshape3A_54 = vector.shape_cast %select_n3A_53 : vector<8192x512xf32> to vector<64x128x512xf32>
    %reduce_min3A_55 = arith.constant dense<0x7F800000> : vector<64x512xf32>
    %reduce_min3A_56 = vector.multi_reduction <minimumf>, %reshape3A_54, %reduce_min3A_55 [1] : vector<64x128x512xf32> to vector<64x512xf32>
    %reduce_min3A_57 = arith.constant dense<0x7F800000> : vector<512xf32>
    %reduce_min3A_58 = vector.multi_reduction <minimumf>, %reduce_min3A_56, %reduce_min3A_57 [0] : vector<64x512xf32> to vector<512xf32>
    %broadcast_in_dim3A_59 = vector.shape_cast %reduce_min3A_58 : vector<512xf32> to vector<1x512xf32>
    %eq3A_60 = vector.broadcast %broadcast_in_dim3A_59 : vector<1x512xf32> to vector<64x512xf32>
    %eq3A_61 = arith.cmpf oeq, %reduce_min3A_56, %eq3A_60 : vector<64x512xf32>
    %jit3A_62 = arith.constant 64 : i32
    %broadcast_in_dim3A_63 = vector.broadcast %jit3A_62 : i32 to vector<64x512xi32>
    %select_n3A_64 = arith.select %eq3A_61, %iota3A_31, %broadcast_in_dim3A_63 : vector<64x512xi1>, vector<64x512xi32>
    %reduce_min3A_65 = arith.constant dense<2147483647> : vector<512xi32>
    %reduce_min3A_66 = vector.multi_reduction <minsi>, %select_n3A_64, %reduce_min3A_65 [0] : vector<64x512xi32> to vector<512xi32>
    %broadcast_in_dim3A_67 = vector.shape_cast %reduce_min3A_66 : vector<512xi32> to vector<1x512xi32>
    %bitcast_convert_type3A_68 = tpu.bitcast %broadcast_in_dim3A_59 : vector<1x512xf32> -> vector<1x512xi32>
    %and3A_69 = arith.constant 127 : i32
    %and3A_70 = vector.broadcast %and3A_69 : i32 to vector<1x512xi32>
    %and3A_71 = arith.andi %bitcast_convert_type3A_68, %and3A_70 : vector<1x512xi32>
    %mul3A_72 = arith.constant 128 : i32
    %mul3A_73 = vector.broadcast %mul3A_72 : i32 to vector<1x512xi32>
    %mul3A_74 = arith.muli %broadcast_in_dim3A_67, %mul3A_73 : vector<1x512xi32>
    %add3A_75 = arith.addi %mul3A_74, %and3A_71 : vector<1x512xi32>
    %eq3A_76 = vector.broadcast %add3A_75 : vector<1x512xi32> to vector<8192x512xi32>
    %eq3A_77 = arith.cmpi eq, %iota3A, %eq3A_76 : vector<8192x512xi32>
    %jit3A_78 = arith.constant 3.000000e+38 : f32
    %broadcast_in_dim3A_79 = vector.broadcast %jit3A_78 : f32 to vector<8192x512xf32>
    %select_n3A_80 = arith.select %eq3A_77, %broadcast_in_dim3A_79, %select_n3A_53 : vector<8192x512xi1>, vector<8192x512xf32>
    %reshape3A_81 = vector.shape_cast %select_n3A_80 : vector<8192x512xf32> to vector<64x128x512xf32>
    %reduce_min3A_82 = arith.constant dense<0x7F800000> : vector<64x512xf32>
    %reduce_min3A_83 = vector.multi_reduction <minimumf>, %reshape3A_81, %reduce_min3A_82 [1] : vector<64x128x512xf32> to vector<64x512xf32>
    %reduce_min3A_84 = arith.constant dense<0x7F800000> : vector<512xf32>
    %reduce_min3A_85 = vector.multi_reduction <minimumf>, %reduce_min3A_83, %reduce_min3A_84 [0] : vector<64x512xf32> to vector<512xf32>
    %broadcast_in_dim3A_86 = vector.shape_cast %reduce_min3A_85 : vector<512xf32> to vector<1x512xf32>
    %eq3A_87 = vector.broadcast %broadcast_in_dim3A_86 : vector<1x512xf32> to vector<64x512xf32>
    %eq3A_88 = arith.cmpf oeq, %reduce_min3A_83, %eq3A_87 : vector<64x512xf32>
    %jit3A_89 = arith.constant 64 : i32
    %broadcast_in_dim3A_90 = vector.broadcast %jit3A_89 : i32 to vector<64x512xi32>
    %select_n3A_91 = arith.select %eq3A_88, %iota3A_31, %broadcast_in_dim3A_90 : vector<64x512xi1>, vector<64x512xi32>
    %reduce_min3A_92 = arith.constant dense<2147483647> : vector<512xi32>
    %reduce_min3A_93 = vector.multi_reduction <minsi>, %select_n3A_91, %reduce_min3A_92 [0] : vector<64x512xi32> to vector<512xi32>
    %broadcast_in_dim3A_94 = vector.shape_cast %reduce_min3A_93 : vector<512xi32> to vector<1x512xi32>
    %bitcast_convert_type3A_95 = tpu.bitcast %broadcast_in_dim3A_86 : vector<1x512xf32> -> vector<1x512xi32>
    %and3A_96 = arith.constant 127 : i32
    %and3A_97 = vector.broadcast %and3A_96 : i32 to vector<1x512xi32>
    %and3A_98 = arith.andi %bitcast_convert_type3A_95, %and3A_97 : vector<1x512xi32>
    %mul3A_99 = arith.constant 128 : i32
    %mul3A_100 = vector.broadcast %mul3A_99 : i32 to vector<1x512xi32>
    %mul3A_101 = arith.muli %broadcast_in_dim3A_94, %mul3A_100 : vector<1x512xi32>
    %add3A_102 = arith.addi %mul3A_101, %and3A_98 : vector<1x512xi32>
    %eq3A_103 = vector.broadcast %add3A_102 : vector<1x512xi32> to vector<8192x512xi32>
    %eq3A_104 = arith.cmpi eq, %iota3A, %eq3A_103 : vector<8192x512xi32>
    %jit3A_105 = arith.constant 3.000000e+38 : f32
    %broadcast_in_dim3A_106 = vector.broadcast %jit3A_105 : f32 to vector<8192x512xf32>
    %select_n3A_107 = arith.select %eq3A_104, %broadcast_in_dim3A_106, %select_n3A_80 : vector<8192x512xi1>, vector<8192x512xf32>
    %reshape3A_108 = vector.shape_cast %select_n3A_107 : vector<8192x512xf32> to vector<64x128x512xf32>
    %reduce_min3A_109 = arith.constant dense<0x7F800000> : vector<64x512xf32>
    %reduce_min3A_110 = vector.multi_reduction <minimumf>, %reshape3A_108, %reduce_min3A_109 [1] : vector<64x128x512xf32> to vector<64x512xf32>
    %reduce_min3A_111 = arith.constant dense<0x7F800000> : vector<512xf32>
    %reduce_min3A_112 = vector.multi_reduction <minimumf>, %reduce_min3A_110, %reduce_min3A_111 [0] : vector<64x512xf32> to vector<512xf32>
    %broadcast_in_dim3A_113 = vector.shape_cast %reduce_min3A_112 : vector<512xf32> to vector<1x512xf32>
    %eq3A_114 = vector.broadcast %broadcast_in_dim3A_113 : vector<1x512xf32> to vector<64x512xf32>
    %eq3A_115 = arith.cmpf oeq, %reduce_min3A_110, %eq3A_114 : vector<64x512xf32>
    %jit3A_116 = arith.constant 64 : i32
    %broadcast_in_dim3A_117 = vector.broadcast %jit3A_116 : i32 to vector<64x512xi32>
    %select_n3A_118 = arith.select %eq3A_115, %iota3A_31, %broadcast_in_dim3A_117 : vector<64x512xi1>, vector<64x512xi32>
    %reduce_min3A_119 = arith.constant dense<2147483647> : vector<512xi32>
    %reduce_min3A_120 = vector.multi_reduction <minsi>, %select_n3A_118, %reduce_min3A_119 [0] : vector<64x512xi32> to vector<512xi32>
    %broadcast_in_dim3A_121 = vector.shape_cast %reduce_min3A_120 : vector<512xi32> to vector<1x512xi32>
    %bitcast_convert_type3A_122 = tpu.bitcast %broadcast_in_dim3A_113 : vector<1x512xf32> -> vector<1x512xi32>
    %and3A_123 = arith.constant 127 : i32
    %and3A_124 = vector.broadcast %and3A_123 : i32 to vector<1x512xi32>
    %and3A_125 = arith.andi %bitcast_convert_type3A_122, %and3A_124 : vector<1x512xi32>
    %mul3A_126 = arith.constant 128 : i32
    %mul3A_127 = vector.broadcast %mul3A_126 : i32 to vector<1x512xi32>
    %mul3A_128 = arith.muli %broadcast_in_dim3A_121, %mul3A_127 : vector<1x512xi32>
    %add3A_129 = arith.addi %mul3A_128, %and3A_125 : vector<1x512xi32>
    %eq3A_130 = vector.broadcast %add3A_129 : vector<1x512xi32> to vector<8192x512xi32>
    %eq3A_131 = arith.cmpi eq, %iota3A, %eq3A_130 : vector<8192x512xi32>
    %jit3A_132 = arith.constant 3.000000e+38 : f32
    %broadcast_in_dim3A_133 = vector.broadcast %jit3A_132 : f32 to vector<8192x512xf32>
    %select_n3A_134 = arith.select %eq3A_131, %broadcast_in_dim3A_133, %select_n3A_107 : vector<8192x512xi1>, vector<8192x512xf32>
    %reshape3A_135 = vector.shape_cast %select_n3A_134 : vector<8192x512xf32> to vector<64x128x512xf32>
    %reduce_min3A_136 = arith.constant dense<0x7F800000> : vector<64x512xf32>
    %reduce_min3A_137 = vector.multi_reduction <minimumf>, %reshape3A_135, %reduce_min3A_136 [1] : vector<64x128x512xf32> to vector<64x512xf32>
    %reduce_min3A_138 = arith.constant dense<0x7F800000> : vector<512xf32>
    %reduce_min3A_139 = vector.multi_reduction <minimumf>, %reduce_min3A_137, %reduce_min3A_138 [0] : vector<64x512xf32> to vector<512xf32>
    %broadcast_in_dim3A_140 = vector.shape_cast %reduce_min3A_139 : vector<512xf32> to vector<1x512xf32>
    %eq3A_141 = vector.broadcast %broadcast_in_dim3A_140 : vector<1x512xf32> to vector<64x512xf32>
    %eq3A_142 = arith.cmpf oeq, %reduce_min3A_137, %eq3A_141 : vector<64x512xf32>
    %jit3A_143 = arith.constant 64 : i32
    %broadcast_in_dim3A_144 = vector.broadcast %jit3A_143 : i32 to vector<64x512xi32>
    %select_n3A_145 = arith.select %eq3A_142, %iota3A_31, %broadcast_in_dim3A_144 : vector<64x512xi1>, vector<64x512xi32>
    %reduce_min3A_146 = arith.constant dense<2147483647> : vector<512xi32>
    %reduce_min3A_147 = vector.multi_reduction <minsi>, %select_n3A_145, %reduce_min3A_146 [0] : vector<64x512xi32> to vector<512xi32>
    %broadcast_in_dim3A_148 = vector.shape_cast %reduce_min3A_147 : vector<512xi32> to vector<1x512xi32>
    %bitcast_convert_type3A_149 = tpu.bitcast %broadcast_in_dim3A_140 : vector<1x512xf32> -> vector<1x512xi32>
    %and3A_150 = arith.constant 127 : i32
    %and3A_151 = vector.broadcast %and3A_150 : i32 to vector<1x512xi32>
    %and3A_152 = arith.andi %bitcast_convert_type3A_149, %and3A_151 : vector<1x512xi32>
    %mul3A_153 = arith.constant 128 : i32
    %mul3A_154 = vector.broadcast %mul3A_153 : i32 to vector<1x512xi32>
    %mul3A_155 = arith.muli %broadcast_in_dim3A_148, %mul3A_154 : vector<1x512xi32>
    %add3A_156 = arith.addi %mul3A_155, %and3A_152 : vector<1x512xi32>
    %eq3A_157 = vector.broadcast %add3A_156 : vector<1x512xi32> to vector<8192x512xi32>
    %eq3A_158 = arith.cmpi eq, %iota3A, %eq3A_157 : vector<8192x512xi32>
    %jit3A_159 = arith.constant 3.000000e+38 : f32
    %broadcast_in_dim3A_160 = vector.broadcast %jit3A_159 : f32 to vector<8192x512xf32>
    %select_n3A_161 = arith.select %eq3A_158, %broadcast_in_dim3A_160, %select_n3A_134 : vector<8192x512xi1>, vector<8192x512xf32>
    %reshape3A_162 = vector.shape_cast %select_n3A_161 : vector<8192x512xf32> to vector<64x128x512xf32>
    %reduce_min3A_163 = arith.constant dense<0x7F800000> : vector<64x512xf32>
    %reduce_min3A_164 = vector.multi_reduction <minimumf>, %reshape3A_162, %reduce_min3A_163 [1] : vector<64x128x512xf32> to vector<64x512xf32>
    %reduce_min3A_165 = arith.constant dense<0x7F800000> : vector<512xf32>
    %reduce_min3A_166 = vector.multi_reduction <minimumf>, %reduce_min3A_164, %reduce_min3A_165 [0] : vector<64x512xf32> to vector<512xf32>
    %broadcast_in_dim3A_167 = vector.shape_cast %reduce_min3A_166 : vector<512xf32> to vector<1x512xf32>
    %eq3A_168 = vector.broadcast %broadcast_in_dim3A_167 : vector<1x512xf32> to vector<64x512xf32>
    %eq3A_169 = arith.cmpf oeq, %reduce_min3A_164, %eq3A_168 : vector<64x512xf32>
    %jit3A_170 = arith.constant 64 : i32
    %broadcast_in_dim3A_171 = vector.broadcast %jit3A_170 : i32 to vector<64x512xi32>
    %select_n3A_172 = arith.select %eq3A_169, %iota3A_31, %broadcast_in_dim3A_171 : vector<64x512xi1>, vector<64x512xi32>
    %reduce_min3A_173 = arith.constant dense<2147483647> : vector<512xi32>
    %reduce_min3A_174 = vector.multi_reduction <minsi>, %select_n3A_172, %reduce_min3A_173 [0] : vector<64x512xi32> to vector<512xi32>
    %broadcast_in_dim3A_175 = vector.shape_cast %reduce_min3A_174 : vector<512xi32> to vector<1x512xi32>
    %bitcast_convert_type3A_176 = tpu.bitcast %broadcast_in_dim3A_167 : vector<1x512xf32> -> vector<1x512xi32>
    %and3A_177 = arith.constant 127 : i32
    %and3A_178 = vector.broadcast %and3A_177 : i32 to vector<1x512xi32>
    %and3A_179 = arith.andi %bitcast_convert_type3A_176, %and3A_178 : vector<1x512xi32>
    %mul3A_180 = arith.constant 128 : i32
    %mul3A_181 = vector.broadcast %mul3A_180 : i32 to vector<1x512xi32>
    %mul3A_182 = arith.muli %broadcast_in_dim3A_175, %mul3A_181 : vector<1x512xi32>
    %add3A_183 = arith.addi %mul3A_182, %and3A_179 : vector<1x512xi32>
    %eq3A_184 = vector.broadcast %add3A_183 : vector<1x512xi32> to vector<8192x512xi32>
    %eq3A_185 = arith.cmpi eq, %iota3A, %eq3A_184 : vector<8192x512xi32>
    %jit3A_186 = arith.constant 3.000000e+38 : f32
    %broadcast_in_dim3A_187 = vector.broadcast %jit3A_186 : f32 to vector<8192x512xf32>
    %select_n3A_188 = arith.select %eq3A_185, %broadcast_in_dim3A_187, %select_n3A_161 : vector<8192x512xi1>, vector<8192x512xf32>
    %reshape3A_189 = vector.shape_cast %select_n3A_188 : vector<8192x512xf32> to vector<64x128x512xf32>
    %reduce_min3A_190 = arith.constant dense<0x7F800000> : vector<64x512xf32>
    %reduce_min3A_191 = vector.multi_reduction <minimumf>, %reshape3A_189, %reduce_min3A_190 [1] : vector<64x128x512xf32> to vector<64x512xf32>
    %reduce_min3A_192 = arith.constant dense<0x7F800000> : vector<512xf32>
    %reduce_min3A_193 = vector.multi_reduction <minimumf>, %reduce_min3A_191, %reduce_min3A_192 [0] : vector<64x512xf32> to vector<512xf32>
    %broadcast_in_dim3A_194 = vector.shape_cast %reduce_min3A_193 : vector<512xf32> to vector<1x512xf32>
    %eq3A_195 = vector.broadcast %broadcast_in_dim3A_194 : vector<1x512xf32> to vector<64x512xf32>
    %eq3A_196 = arith.cmpf oeq, %reduce_min3A_191, %eq3A_195 : vector<64x512xf32>
    %jit3A_197 = arith.constant 64 : i32
    %broadcast_in_dim3A_198 = vector.broadcast %jit3A_197 : i32 to vector<64x512xi32>
    %select_n3A_199 = arith.select %eq3A_196, %iota3A_31, %broadcast_in_dim3A_198 : vector<64x512xi1>, vector<64x512xi32>
    %reduce_min3A_200 = arith.constant dense<2147483647> : vector<512xi32>
    %reduce_min3A_201 = vector.multi_reduction <minsi>, %select_n3A_199, %reduce_min3A_200 [0] : vector<64x512xi32> to vector<512xi32>
    %broadcast_in_dim3A_202 = vector.shape_cast %reduce_min3A_201 : vector<512xi32> to vector<1x512xi32>
    %bitcast_convert_type3A_203 = tpu.bitcast %broadcast_in_dim3A_194 : vector<1x512xf32> -> vector<1x512xi32>
    %and3A_204 = arith.constant 127 : i32
    %and3A_205 = vector.broadcast %and3A_204 : i32 to vector<1x512xi32>
    %and3A_206 = arith.andi %bitcast_convert_type3A_203, %and3A_205 : vector<1x512xi32>
    %mul3A_207 = arith.constant 128 : i32
    %mul3A_208 = vector.broadcast %mul3A_207 : i32 to vector<1x512xi32>
    %mul3A_209 = arith.muli %broadcast_in_dim3A_202, %mul3A_208 : vector<1x512xi32>
    %add3A_210 = arith.addi %mul3A_209, %and3A_206 : vector<1x512xi32>
    %eq3A_211 = vector.broadcast %add3A_210 : vector<1x512xi32> to vector<8192x512xi32>
    %eq3A_212 = arith.cmpi eq, %iota3A, %eq3A_211 : vector<8192x512xi32>
    %jit3A_213 = arith.constant 3.000000e+38 : f32
    %broadcast_in_dim3A_214 = vector.broadcast %jit3A_213 : f32 to vector<8192x512xf32>
    %select_n3A_215 = arith.select %eq3A_212, %broadcast_in_dim3A_214, %select_n3A_188 : vector<8192x512xi1>, vector<8192x512xf32>
    %reshape3A_216 = vector.shape_cast %select_n3A_215 : vector<8192x512xf32> to vector<64x128x512xf32>
    %reduce_min3A_217 = arith.constant dense<0x7F800000> : vector<64x512xf32>
    %reduce_min3A_218 = vector.multi_reduction <minimumf>, %reshape3A_216, %reduce_min3A_217 [1] : vector<64x128x512xf32> to vector<64x512xf32>
    %reduce_min3A_219 = arith.constant dense<0x7F800000> : vector<512xf32>
    %reduce_min3A_220 = vector.multi_reduction <minimumf>, %reduce_min3A_218, %reduce_min3A_219 [0] : vector<64x512xf32> to vector<512xf32>
    %broadcast_in_dim3A_221 = vector.shape_cast %reduce_min3A_220 : vector<512xf32> to vector<1x512xf32>
    %eq3A_222 = vector.broadcast %broadcast_in_dim3A_221 : vector<1x512xf32> to vector<64x512xf32>
    %eq3A_223 = arith.cmpf oeq, %reduce_min3A_218, %eq3A_222 : vector<64x512xf32>
    %jit3A_224 = arith.constant 64 : i32
    %broadcast_in_dim3A_225 = vector.broadcast %jit3A_224 : i32 to vector<64x512xi32>
    %select_n3A_226 = arith.select %eq3A_223, %iota3A_31, %broadcast_in_dim3A_225 : vector<64x512xi1>, vector<64x512xi32>
    %reduce_min3A_227 = arith.constant dense<2147483647> : vector<512xi32>
    %reduce_min3A_228 = vector.multi_reduction <minsi>, %select_n3A_226, %reduce_min3A_227 [0] : vector<64x512xi32> to vector<512xi32>
    %broadcast_in_dim3A_229 = vector.shape_cast %reduce_min3A_228 : vector<512xi32> to vector<1x512xi32>
    %bitcast_convert_type3A_230 = tpu.bitcast %broadcast_in_dim3A_221 : vector<1x512xf32> -> vector<1x512xi32>
    %and3A_231 = arith.constant 127 : i32
    %and3A_232 = vector.broadcast %and3A_231 : i32 to vector<1x512xi32>
    %and3A_233 = arith.andi %bitcast_convert_type3A_230, %and3A_232 : vector<1x512xi32>
    %mul3A_234 = arith.constant 128 : i32
    %mul3A_235 = vector.broadcast %mul3A_234 : i32 to vector<1x512xi32>
    %mul3A_236 = arith.muli %broadcast_in_dim3A_229, %mul3A_235 : vector<1x512xi32>
    %add3A_237 = arith.addi %mul3A_236, %and3A_233 : vector<1x512xi32>
    %eq3A_238 = vector.broadcast %add3A_237 : vector<1x512xi32> to vector<8192x512xi32>
    %eq3A_239 = arith.cmpi eq, %iota3A, %eq3A_238 : vector<8192x512xi32>
    %jit3A_240 = arith.constant 3.000000e+38 : f32
    %broadcast_in_dim3A_241 = vector.broadcast %jit3A_240 : f32 to vector<8192x512xf32>
    %select_n3A_242 = arith.select %eq3A_239, %broadcast_in_dim3A_241, %select_n3A_215 : vector<8192x512xi1>, vector<8192x512xf32>
    %reshape3A_243 = vector.shape_cast %select_n3A_242 : vector<8192x512xf32> to vector<64x128x512xf32>
    %reduce_min3A_244 = arith.constant dense<0x7F800000> : vector<64x512xf32>
    %reduce_min3A_245 = vector.multi_reduction <minimumf>, %reshape3A_243, %reduce_min3A_244 [1] : vector<64x128x512xf32> to vector<64x512xf32>
    %reduce_min3A_246 = arith.constant dense<0x7F800000> : vector<512xf32>
    %reduce_min3A_247 = vector.multi_reduction <minimumf>, %reduce_min3A_245, %reduce_min3A_246 [0] : vector<64x512xf32> to vector<512xf32>
    %broadcast_in_dim3A_248 = vector.shape_cast %reduce_min3A_247 : vector<512xf32> to vector<1x512xf32>
    %eq3A_249 = vector.broadcast %broadcast_in_dim3A_248 : vector<1x512xf32> to vector<64x512xf32>
    %eq3A_250 = arith.cmpf oeq, %reduce_min3A_245, %eq3A_249 : vector<64x512xf32>
    %jit3A_251 = arith.constant 64 : i32
    %broadcast_in_dim3A_252 = vector.broadcast %jit3A_251 : i32 to vector<64x512xi32>
    %select_n3A_253 = arith.select %eq3A_250, %iota3A_31, %broadcast_in_dim3A_252 : vector<64x512xi1>, vector<64x512xi32>
    %reduce_min3A_254 = arith.constant dense<2147483647> : vector<512xi32>
    %reduce_min3A_255 = vector.multi_reduction <minsi>, %select_n3A_253, %reduce_min3A_254 [0] : vector<64x512xi32> to vector<512xi32>
    %broadcast_in_dim3A_256 = vector.shape_cast %reduce_min3A_255 : vector<512xi32> to vector<1x512xi32>
    %bitcast_convert_type3A_257 = tpu.bitcast %broadcast_in_dim3A_248 : vector<1x512xf32> -> vector<1x512xi32>
    %and3A_258 = arith.constant 127 : i32
    %and3A_259 = vector.broadcast %and3A_258 : i32 to vector<1x512xi32>
    %and3A_260 = arith.andi %bitcast_convert_type3A_257, %and3A_259 : vector<1x512xi32>
    %mul3A_261 = arith.constant 128 : i32
    %mul3A_262 = vector.broadcast %mul3A_261 : i32 to vector<1x512xi32>
    %mul3A_263 = arith.muli %broadcast_in_dim3A_256, %mul3A_262 : vector<1x512xi32>
    %add3A_264 = arith.addi %mul3A_263, %and3A_260 : vector<1x512xi32>
    %concatenate3A = tpu.concatenate %add3A_48, %add3A_75, %add3A_102, %add3A_129, %add3A_156, %add3A_183, %add3A_210, %add3A_237, %add3A_264 in 0 : vector<1x512xi32>, vector<1x512xi32>, vector<1x512xi32>, vector<1x512xi32>, vector<1x512xi32>, vector<1x512xi32>, vector<1x512xi32>, vector<1x512xi32>, vector<1x512xi32> -> vector<9x512xi32>
    %mul3A_265 = arith.constant 8192 : i32
    %mul3A_266 = arith.muli %arg0, %mul3A_265 : i32
    %add3A_267 = vector.broadcast %mul3A_266 : i32 to vector<9x512xi32>
    %add3A_268 = arith.addi %concatenate3A, %add3A_267 : vector<9x512xi32>
    %swap3A = arith.constant 0 : index
    %swap3A_269 = arith.constant 0 : index
    %swap3A_270 = arith.constant 0 : index
    %swap3A_271 = vector.load %arg5[%swap3A, %swap3A_269, %swap3A_270] : memref<1x9x512xi32, #tpu.memory_space<vmem>>, vector<1x9x512xi32>
    %swap3A_272 = vector.shape_cast %swap3A_271 : vector<1x9x512xi32> to vector<9x512xi32>
    %swap3A_273 = vector.shape_cast %add3A_268 : vector<9x512xi32> to vector<1x9x512xi32>
    tpu.vector_store %arg5[%swap3A, %swap3A_269, %swap3A_270], %swap3A_273 {strides = array<i32>} : memref<1x9x512xi32, #tpu.memory_space<vmem>>, vector<1x9x512xi32>,
    return
  }
  func.func @transform_0(%arg0: i32, %arg1: i32) -> (i32, i32, i32) {
    %c0_i32 = arith.constant 0 : i32
    %c0_i32_0 = arith.constant 0 : i32
    return %arg0, %c0_i32, %arg1 : i32, i32, i32
  }
  func.func @transform_1(%arg0: i32, %arg1: i32) -> (i32, i32, i32) {
    %c0_i32 = arith.constant 0 : i32
    %c0_i32_0 = arith.constant 0 : i32
    %c0_i32_1 = arith.constant 0 : i32
    return %arg0, %c0_i32, %c0_i32_0 : i32, i32, i32
  }
  func.func @transform_2(%arg0: i32, %arg1: i32) -> (i32, i32, i32) {
    %c0_i32 = arith.constant 0 : i32
    %c0_i32_0 = arith.constant 0 : i32
    %c0_i32_1 = arith.constant 0 : i32
    return %arg0, %c0_i32, %c0_i32_0 : i32, i32, i32
  }
  func.func @transform_3(%arg0: i32, %arg1: i32) -> (i32, i32, i32) {
    %c0_i32 = arith.constant 0 : i32
    %c0_i32_0 = arith.constant 0 : i32
    return %arg0, %c0_i32, %arg1 : i32, i32, i32
  }
}

module attributes {stable_mosaic.version = 14 : i64} {
  func.func @_reduce_body(%arg0: i32, %arg1: memref<9x512x128xf32, #tpu.memory_space<vmem>>, %arg2: memref<512x128xf32, #tpu.memory_space<vmem>>, %arg3: memref<1x128xf32, #tpu.memory_space<vmem>>, %arg4: memref<512x128xf32, #tpu.memory_space<vmem>>, %arg5: memref<512x128xf32, #tpu.memory_space<vmem>>, %arg6: memref<1x1x128xf32, #tpu.memory_space<vmem>>, %arg7: memref<1x1x128xf32, #tpu.memory_space<vmem>>) attributes {dimension_semantics = [#tpu.dimension_semantics<arbitrary>], iteration_bounds = array<i64: 32>, scalar_prefetch = 0 : i64, scratch_operands = 0 : i64, tpu.core_type = #tpu.core_type<tc>, window_params = [{transform_indices = @transform_0, window_bounds = array<i64: 9, 512, 128>}, {transform_indices = @transform_1, window_bounds = array<i64: 512, 128>}, {pipeline_mode = #tpu.pipeline_mode<synchronous>, transform_indices = @transform_2, window_bounds = array<i64: 1, 128>}, {transform_indices = @transform_3, window_bounds = array<i64: 512, 128>}, {transform_indices = @transform_4, window_bounds = array<i64: 512, 128>}, {transform_indices = @transform_5, window_bounds = array<i64: 1, 1, 128>}, {transform_indices = @transform_6, window_bounds = array<i64: 1, 1, 128>}]} {
    %get3A = arith.constant 0 : index
    %get3A_0 = arith.constant 0 : index
    %get3A_1 = arith.constant 0 : index
    %get3A_2 = vector.load %arg1[%get3A, %get3A_0, %get3A_1] : memref<9x512x128xf32, #tpu.memory_space<vmem>>, vector<1x512x128xf32>
    %get3A_3 = vector.shape_cast %get3A_2 : vector<1x512x128xf32> to vector<512x128xf32>
    %mul3A = arith.mulf %get3A_3, %get3A_3 : vector<512x128xf32>
    %get3A_4 = arith.constant 1 : index
    %get3A_5 = arith.constant 0 : index
    %get3A_6 = arith.constant 0 : index
    %get3A_7 = vector.load %arg1[%get3A_4, %get3A_5, %get3A_6] : memref<9x512x128xf32, #tpu.memory_space<vmem>>, vector<1x512x128xf32>
    %get3A_8 = vector.shape_cast %get3A_7 : vector<1x512x128xf32> to vector<512x128xf32>
    %max3A = arith.maximumf %get3A_3, %get3A_8 : vector<512x128xf32>
    %min3A = arith.minimumf %get3A_3, %get3A_8 : vector<512x128xf32>
    %add3A = arith.addf %get3A_3, %get3A_8 : vector<512x128xf32>
    %mul3A_9 = arith.mulf %get3A_8, %get3A_8 : vector<512x128xf32>
    %add3A_10 = arith.addf %mul3A, %mul3A_9 : vector<512x128xf32>
    %get3A_11 = arith.constant 2 : index
    %get3A_12 = arith.constant 0 : index
    %get3A_13 = arith.constant 0 : index
    %get3A_14 = vector.load %arg1[%get3A_11, %get3A_12, %get3A_13] : memref<9x512x128xf32, #tpu.memory_space<vmem>>, vector<1x512x128xf32>
    %get3A_15 = vector.shape_cast %get3A_14 : vector<1x512x128xf32> to vector<512x128xf32>
    %max3A_16 = arith.maximumf %max3A, %get3A_15 : vector<512x128xf32>
    %min3A_17 = arith.minimumf %min3A, %get3A_15 : vector<512x128xf32>
    %add3A_18 = arith.addf %add3A, %get3A_15 : vector<512x128xf32>
    %mul3A_19 = arith.mulf %get3A_15, %get3A_15 : vector<512x128xf32>
    %add3A_20 = arith.addf %add3A_10, %mul3A_19 : vector<512x128xf32>
    %get3A_21 = arith.constant 3 : index
    %get3A_22 = arith.constant 0 : index
    %get3A_23 = arith.constant 0 : index
    %get3A_24 = vector.load %arg1[%get3A_21, %get3A_22, %get3A_23] : memref<9x512x128xf32, #tpu.memory_space<vmem>>, vector<1x512x128xf32>
    %get3A_25 = vector.shape_cast %get3A_24 : vector<1x512x128xf32> to vector<512x128xf32>
    %max3A_26 = arith.maximumf %max3A_16, %get3A_25 : vector<512x128xf32>
    %min3A_27 = arith.minimumf %min3A_17, %get3A_25 : vector<512x128xf32>
    %add3A_28 = arith.addf %add3A_18, %get3A_25 : vector<512x128xf32>
    %mul3A_29 = arith.mulf %get3A_25, %get3A_25 : vector<512x128xf32>
    %add3A_30 = arith.addf %add3A_20, %mul3A_29 : vector<512x128xf32>
    %get3A_31 = arith.constant 4 : index
    %get3A_32 = arith.constant 0 : index
    %get3A_33 = arith.constant 0 : index
    %get3A_34 = vector.load %arg1[%get3A_31, %get3A_32, %get3A_33] : memref<9x512x128xf32, #tpu.memory_space<vmem>>, vector<1x512x128xf32>
    %get3A_35 = vector.shape_cast %get3A_34 : vector<1x512x128xf32> to vector<512x128xf32>
    %max3A_36 = arith.maximumf %max3A_26, %get3A_35 : vector<512x128xf32>
    %min3A_37 = arith.minimumf %min3A_27, %get3A_35 : vector<512x128xf32>
    %add3A_38 = arith.addf %add3A_28, %get3A_35 : vector<512x128xf32>
    %mul3A_39 = arith.mulf %get3A_35, %get3A_35 : vector<512x128xf32>
    %add3A_40 = arith.addf %add3A_30, %mul3A_39 : vector<512x128xf32>
    %get3A_41 = arith.constant 5 : index
    %get3A_42 = arith.constant 0 : index
    %get3A_43 = arith.constant 0 : index
    %get3A_44 = vector.load %arg1[%get3A_41, %get3A_42, %get3A_43] : memref<9x512x128xf32, #tpu.memory_space<vmem>>, vector<1x512x128xf32>
    %get3A_45 = vector.shape_cast %get3A_44 : vector<1x512x128xf32> to vector<512x128xf32>
    %max3A_46 = arith.maximumf %max3A_36, %get3A_45 : vector<512x128xf32>
    %min3A_47 = arith.minimumf %min3A_37, %get3A_45 : vector<512x128xf32>
    %add3A_48 = arith.addf %add3A_38, %get3A_45 : vector<512x128xf32>
    %mul3A_49 = arith.mulf %get3A_45, %get3A_45 : vector<512x128xf32>
    %add3A_50 = arith.addf %add3A_40, %mul3A_49 : vector<512x128xf32>
    %get3A_51 = arith.constant 6 : index
    %get3A_52 = arith.constant 0 : index
    %get3A_53 = arith.constant 0 : index
    %get3A_54 = vector.load %arg1[%get3A_51, %get3A_52, %get3A_53] : memref<9x512x128xf32, #tpu.memory_space<vmem>>, vector<1x512x128xf32>
    %get3A_55 = vector.shape_cast %get3A_54 : vector<1x512x128xf32> to vector<512x128xf32>
    %max3A_56 = arith.maximumf %max3A_46, %get3A_55 : vector<512x128xf32>
    %min3A_57 = arith.minimumf %min3A_47, %get3A_55 : vector<512x128xf32>
    %add3A_58 = arith.addf %add3A_48, %get3A_55 : vector<512x128xf32>
    %mul3A_59 = arith.mulf %get3A_55, %get3A_55 : vector<512x128xf32>
    %add3A_60 = arith.addf %add3A_50, %mul3A_59 : vector<512x128xf32>
    %get3A_61 = arith.constant 7 : index
    %get3A_62 = arith.constant 0 : index
    %get3A_63 = arith.constant 0 : index
    %get3A_64 = vector.load %arg1[%get3A_61, %get3A_62, %get3A_63] : memref<9x512x128xf32, #tpu.memory_space<vmem>>, vector<1x512x128xf32>
    %get3A_65 = vector.shape_cast %get3A_64 : vector<1x512x128xf32> to vector<512x128xf32>
    %max3A_66 = arith.maximumf %max3A_56, %get3A_65 : vector<512x128xf32>
    %min3A_67 = arith.minimumf %min3A_57, %get3A_65 : vector<512x128xf32>
    %add3A_68 = arith.addf %add3A_58, %get3A_65 : vector<512x128xf32>
    %mul3A_69 = arith.mulf %get3A_65, %get3A_65 : vector<512x128xf32>
    %add3A_70 = arith.addf %add3A_60, %mul3A_69 : vector<512x128xf32>
    %get3A_71 = arith.constant 8 : index
    %get3A_72 = arith.constant 0 : index
    %get3A_73 = arith.constant 0 : index
    %get3A_74 = vector.load %arg1[%get3A_71, %get3A_72, %get3A_73] : memref<9x512x128xf32, #tpu.memory_space<vmem>>, vector<1x512x128xf32>
    %get3A_75 = vector.shape_cast %get3A_74 : vector<1x512x128xf32> to vector<512x128xf32>
    %max3A_76 = arith.maximumf %max3A_66, %get3A_75 : vector<512x128xf32>
    %min3A_77 = arith.minimumf %min3A_67, %get3A_75 : vector<512x128xf32>
    %add3A_78 = arith.addf %add3A_68, %get3A_75 : vector<512x128xf32>
    %mul3A_79 = arith.mulf %get3A_75, %get3A_75 : vector<512x128xf32>
    %add3A_80 = arith.addf %add3A_70, %mul3A_79 : vector<512x128xf32>
    %swap3A = arith.constant 0 : index
    %swap3A_81 = arith.constant 0 : index
    %swap3A_82 = vector.load %arg4[%swap3A, %swap3A_81] : memref<512x128xf32, #tpu.memory_space<vmem>>, vector<512x128xf32>
    tpu.vector_store %arg4[%swap3A, %swap3A_81], %max3A_76 {strides = array<i32>} : memref<512x128xf32, #tpu.memory_space<vmem>>, vector<512x128xf32>,
    %swap3A_83 = arith.constant 0 : index
    %swap3A_84 = arith.constant 0 : index
    %swap3A_85 = vector.load %arg5[%swap3A_83, %swap3A_84] : memref<512x128xf32, #tpu.memory_space<vmem>>, vector<512x128xf32>
    tpu.vector_store %arg5[%swap3A_83, %swap3A_84], %min3A_77 {strides = array<i32>} : memref<512x128xf32, #tpu.memory_space<vmem>>, vector<512x128xf32>,
    %get3A_86 = arith.constant 0 : index
    %get3A_87 = arith.constant 0 : index
    %get3A_88 = vector.load %arg2[%get3A_86, %get3A_87] : memref<512x128xf32, #tpu.memory_space<vmem>>, vector<512x128xf32>
    %get3A_89 = arith.constant 0 : index
    %get3A_90 = arith.constant 0 : index
    %get3A_91 = vector.load %arg3[%get3A_89, %get3A_90] : memref<1x128xf32, #tpu.memory_space<vmem>>, vector<1x128xf32>
    %sub3A = vector.broadcast %get3A_91 : vector<1x128xf32> to vector<512x128xf32>
    %sub3A_92 = arith.subf %get3A_88, %sub3A : vector<512x128xf32>
    %mul3A_93 = arith.constant 9.000000e+00 : f32
    %mul3A_94 = vector.broadcast %mul3A_93 : f32 to vector<512x128xf32>
    %mul3A_95 = arith.mulf %mul3A_94, %sub3A_92 : vector<512x128xf32>
    %sub3A_96 = arith.subf %add3A_78, %mul3A_95 : vector<512x128xf32>
    %mul3A_97 = arith.constant 2.000000e+00 : f32
    %mul3A_98 = vector.broadcast %mul3A_97 : f32 to vector<512x128xf32>
    %mul3A_99 = arith.mulf %mul3A_98, %sub3A_92 : vector<512x128xf32>
    %mul3A_100 = arith.mulf %mul3A_99, %add3A_78 : vector<512x128xf32>
    %sub3A_101 = arith.subf %add3A_80, %mul3A_100 : vector<512x128xf32>
    %mul3A_102 = arith.mulf %sub3A_92, %sub3A_92 : vector<512x128xf32>
    %mul3A_103 = arith.constant 9.000000e+00 : f32
    %mul3A_104 = vector.broadcast %mul3A_103 : f32 to vector<512x128xf32>
    %mul3A_105 = arith.mulf %mul3A_104, %mul3A_102 : vector<512x128xf32>
    %add3A_106 = arith.addf %sub3A_101, %mul3A_105 : vector<512x128xf32>
    %reduce_sum3A = arith.constant dense<0.000000e+00> : vector<128xf32>
    %reduce_sum3A_107 = vector.multi_reduction <add>, %sub3A_96, %reduce_sum3A [0] : vector<512x128xf32> to vector<128xf32>
    %broadcast_in_dim3A = vector.shape_cast %reduce_sum3A_107 : vector<128xf32> to vector<1x128xf32>
    %broadcast_in_dim3A_108 = vector.shape_cast %broadcast_in_dim3A : vector<1x128xf32> to vector<1x1x128xf32>
    %swap3A_109 = arith.constant 0 : index
    %swap3A_110 = arith.constant 0 : index
    %swap3A_111 = arith.constant 0 : index
    %swap3A_112 = vector.load %arg6[%swap3A_109, %swap3A_110, %swap3A_111] : memref<1x1x128xf32, #tpu.memory_space<vmem>>, vector<1x1x128xf32>
    tpu.vector_store %arg6[%swap3A_109, %swap3A_110, %swap3A_111], %broadcast_in_dim3A_108 {strides = array<i32>} : memref<1x1x128xf32, #tpu.memory_space<vmem>>, vector<1x1x128xf32>,
    %reduce_sum3A_113 = arith.constant dense<0.000000e+00> : vector<128xf32>
    %reduce_sum3A_114 = vector.multi_reduction <add>, %add3A_106, %reduce_sum3A_113 [0] : vector<512x128xf32> to vector<128xf32>
    %broadcast_in_dim3A_115 = vector.shape_cast %reduce_sum3A_114 : vector<128xf32> to vector<1x128xf32>
    %broadcast_in_dim3A_116 = vector.shape_cast %broadcast_in_dim3A_115 : vector<1x128xf32> to vector<1x1x128xf32>
    %swap3A_117 = arith.constant 0 : index
    %swap3A_118 = arith.constant 0 : index
    %swap3A_119 = arith.constant 0 : index
    %swap3A_120 = vector.load %arg7[%swap3A_117, %swap3A_118, %swap3A_119] : memref<1x1x128xf32, #tpu.memory_space<vmem>>, vector<1x1x128xf32>
    tpu.vector_store %arg7[%swap3A_117, %swap3A_118, %swap3A_119], %broadcast_in_dim3A_116 {strides = array<i32>} : memref<1x1x128xf32, #tpu.memory_space<vmem>>, vector<1x1x128xf32>,
    return
  }
  func.func @transform_0(%arg0: i32) -> (i32, i32, i32) {
    %c0_i32 = arith.constant 0 : i32
    %c0_i32_0 = arith.constant 0 : i32
    %c0_i32_1 = arith.constant 0 : i32
    return %c0_i32, %arg0, %c0_i32_0 : i32, i32, i32
  }
  func.func @transform_1(%arg0: i32) -> (i32, i32) {
    %c0_i32 = arith.constant 0 : i32
    %c0_i32_0 = arith.constant 0 : i32
    return %arg0, %c0_i32 : i32, i32
  }
  func.func @transform_2(%arg0: i32) -> (i32, i32) {
    %c0_i32 = arith.constant 0 : i32
    %c0_i32_0 = arith.constant 0 : i32
    %c0_i32_1 = arith.constant 0 : i32
    return %c0_i32, %c0_i32_0 : i32, i32
  }
  func.func @transform_3(%arg0: i32) -> (i32, i32) {
    %c0_i32 = arith.constant 0 : i32
    %c0_i32_0 = arith.constant 0 : i32
    return %arg0, %c0_i32 : i32, i32
  }
  func.func @transform_4(%arg0: i32) -> (i32, i32) {
    %c0_i32 = arith.constant 0 : i32
    %c0_i32_0 = arith.constant 0 : i32
    return %arg0, %c0_i32 : i32, i32
  }
  func.func @transform_5(%arg0: i32) -> (i32, i32, i32) {
    %c0_i32 = arith.constant 0 : i32
    %c0_i32_0 = arith.constant 0 : i32
    %c0_i32_1 = arith.constant 0 : i32
    return %arg0, %c0_i32, %c0_i32_0 : i32, i32, i32
  }
  func.func @transform_6(%arg0: i32) -> (i32, i32, i32) {
    %c0_i32 = arith.constant 0 : i32
    %c0_i32_0 = arith.constant 0 : i32
    %c0_i32_1 = arith.constant 0 : i32
    return %arg0, %c0_i32, %c0_i32_0 : i32, i32, i32
  }
}

module attributes {stable_mosaic.version = 14 : i64} {
  func.func @_fin1_body(%arg0: i32, %arg1: memref<32x1x128xf32, #tpu.memory_space<vmem>>, %arg2: memref<32x1x128xf32, #tpu.memory_space<vmem>>, %arg3: memref<2048x128xf32, #tpu.memory_space<vmem>>, %arg4: memref<2048x128xf32, #tpu.memory_space<vmem>>, %arg5: memref<2048x128xf32, #tpu.memory_space<vmem>>, %arg6: memref<1x128xf32, #tpu.memory_space<vmem>>, %arg7: memref<1x128xf32, #tpu.memory_space<vmem>>, %arg8: memref<1x128xf32, #tpu.memory_space<vmem>>, %arg9: memref<2048x128xf32, #tpu.memory_space<vmem>>, %arg10: memref<128x128xf32, #tpu.memory_space<vmem>>, %arg11: memref<2048x128xf32, #tpu.memory_space<vmem>>) attributes {dimension_semantics = [#tpu.dimension_semantics<arbitrary>], iteration_bounds = array<i64: 8>, scalar_prefetch = 0 : i64, scratch_operands = 0 : i64, tpu.core_type = #tpu.core_type<tc>, window_params = [{pipeline_mode = #tpu.pipeline_mode<synchronous>, transform_indices = @transform_0, window_bounds = array<i64: 32, 1, 128>}, {pipeline_mode = #tpu.pipeline_mode<synchronous>, transform_indices = @transform_1, window_bounds = array<i64: 32, 1, 128>}, {transform_indices = @transform_2, window_bounds = array<i64: 2048, 128>}, {transform_indices = @transform_3, window_bounds = array<i64: 2048, 128>}, {transform_indices = @transform_4, window_bounds = array<i64: 2048, 128>}, {pipeline_mode = #tpu.pipeline_mode<synchronous>, transform_indices = @transform_5, window_bounds = array<i64: 1, 128>}, {pipeline_mode = #tpu.pipeline_mode<synchronous>, transform_indices = @transform_6, window_bounds = array<i64: 1, 128>}, {pipeline_mode = #tpu.pipeline_mode<synchronous>, transform_indices = @transform_7, window_bounds = array<i64: 1, 128>}, {transform_indices = @transform_8, window_bounds = array<i64: 2048, 128>}, {pipeline_mode = #tpu.pipeline_mode<synchronous>, transform_indices = @transform_9, window_bounds = array<i64: 128, 128>}, {transform_indices = @transform_10, window_bounds = array<i64: 2048, 128>}]} {
    %get3A = arith.constant 0 : index
    %get3A_0 = arith.constant 0 : index
    %get3A_1 = arith.constant 0 : index
    %get3A_2 = vector.load %arg1[%get3A, %get3A_0, %get3A_1] : memref<32x1x128xf32, #tpu.memory_space<vmem>>, vector<32x1x128xf32>
    %get3A_3 = arith.constant 0 : index
    %get3A_4 = arith.constant 0 : index
    %get3A_5 = arith.constant 0 : index
    %get3A_6 = vector.load %arg2[%get3A_3, %get3A_4, %get3A_5] : memref<32x1x128xf32, #tpu.memory_space<vmem>>, vector<32x1x128xf32>
    %get3A_7 = arith.constant 0 : index
    %get3A_8 = arith.constant 0 : index
    %get3A_9 = vector.load %arg3[%get3A_7, %get3A_8] : memref<2048x128xf32, #tpu.memory_space<vmem>>, vector<2048x128xf32>
    %get3A_10 = arith.constant 0 : index
    %get3A_11 = arith.constant 0 : index
    %get3A_12 = vector.load %arg4[%get3A_10, %get3A_11] : memref<2048x128xf32, #tpu.memory_space<vmem>>, vector<2048x128xf32>
    %get3A_13 = arith.constant 0 : index
    %get3A_14 = arith.constant 0 : index
    %get3A_15 = vector.load %arg5[%get3A_13, %get3A_14] : memref<2048x128xf32, #tpu.memory_space<vmem>>, vector<2048x128xf32>
    %get3A_16 = arith.constant 0 : index
    %get3A_17 = arith.constant 0 : index
    %get3A_18 = vector.load %arg6[%get3A_16, %get3A_17] : memref<1x128xf32, #tpu.memory_space<vmem>>, vector<1x128xf32>
    %get3A_19 = arith.constant 0 : index
    %get3A_20 = arith.constant 0 : index
    %get3A_21 = vector.load %arg7[%get3A_19, %get3A_20] : memref<1x128xf32, #tpu.memory_space<vmem>>, vector<1x128xf32>
    %get3A_22 = arith.constant 0 : index
    %get3A_23 = arith.constant 0 : index
    %get3A_24 = vector.load %arg8[%get3A_22, %get3A_23] : memref<1x128xf32, #tpu.memory_space<vmem>>, vector<1x128xf32>
    %reduce_sum3A = arith.constant dense<0.000000e+00> : vector<1x128xf32>
    %reduce_sum3A_25 = vector.multi_reduction <add>, %get3A_2, %reduce_sum3A [0] : vector<32x1x128xf32> to vector<1x128xf32>
    %reduce_sum3A_26 = arith.constant dense<0.000000e+00> : vector<1x128xf32>
    %reduce_sum3A_27 = vector.multi_reduction <add>, %get3A_6, %reduce_sum3A_26 [0] : vector<32x1x128xf32> to vector<1x128xf32>
    %mul3A = arith.constant 6.78168407E-6 : f32
    %mul3A_28 = vector.broadcast %mul3A : f32 to vector<1x128xf32>
    %mul3A_29 = arith.mulf %reduce_sum3A_25, %mul3A_28 : vector<1x128xf32>
    %mul3A_30 = arith.constant 6.78168407E-6 : f32
    %mul3A_31 = vector.broadcast %mul3A_30 : f32 to vector<1x128xf32>
    %mul3A_32 = arith.mulf %reduce_sum3A_27, %mul3A_31 : vector<1x128xf32>
    %mul3A_33 = arith.mulf %mul3A_29, %mul3A_29 : vector<1x128xf32>
    %sub3A = arith.subf %mul3A_32, %mul3A_33 : vector<1x128xf32>
    %add3A = arith.constant 9.99999974E-6 : f32
    %add3A_34 = vector.broadcast %add3A : f32 to vector<1x128xf32>
    %add3A_35 = arith.addf %sub3A, %add3A_34 : vector<1x128xf32>
    %rsqrt3A = math.rsqrt %add3A_35 : vector<1x128xf32>
    %mul3A_36 = arith.mulf %get3A_21, %rsqrt3A : vector<1x128xf32>
    %ge3A = arith.constant 0.000000e+00 : f32
    %ge3A_37 = vector.broadcast %ge3A : f32 to vector<1x128xf32>
    %ge3A_38 = arith.cmpf oge, %get3A_21, %ge3A_37 : vector<1x128xf32>
    %broadcast_in_dim3A = vector.shape_cast %ge3A_38 : vector<1x128xi1> to vector<1x128xi1>
    %broadcast_in_dim3A_39 = vector.broadcast %broadcast_in_dim3A : vector<1x128xi1> to vector<2048x128xi1>
    %select_n3A = arith.select %broadcast_in_dim3A_39, %get3A_9, %get3A_12 : vector<2048x128xi1>, vector<2048x128xf32>
    %sub3A_40 = vector.broadcast %get3A_18 : vector<1x128xf32> to vector<2048x128xf32>
    %sub3A_41 = arith.subf %get3A_15, %sub3A_40 : vector<2048x128xf32>
    %sub3A_42 = arith.subf %select_n3A, %sub3A_41 : vector<2048x128xf32>
    %sub3A_43 = vector.broadcast %mul3A_29 : vector<1x128xf32> to vector<2048x128xf32>
    %sub3A_44 = arith.subf %sub3A_42, %sub3A_43 : vector<2048x128xf32>
    %mul3A_45 = vector.broadcast %mul3A_36 : vector<1x128xf32> to vector<2048x128xf32>
    %mul3A_46 = arith.mulf %sub3A_44, %mul3A_45 : vector<2048x128xf32>
    %add3A_47 = vector.broadcast %get3A_24 : vector<1x128xf32> to vector<2048x128xf32>
    %add3A_48 = arith.addf %mul3A_46, %add3A_47 : vector<2048x128xf32>
    %ge3A_49 = arith.constant 0.000000e+00 : f32
    %ge3A_50 = vector.broadcast %ge3A_49 : f32 to vector<2048x128xf32>
    %ge3A_51 = arith.cmpf oge, %add3A_48, %ge3A_50 : vector<2048x128xf32>
    %mul3A_52 = arith.constant 1.000000e-01 : f32
    %mul3A_53 = vector.broadcast %mul3A_52 : f32 to vector<2048x128xf32>
    %mul3A_54 = arith.mulf %mul3A_53, %add3A_48 : vector<2048x128xf32>
    %select_n3A_55 = arith.select %ge3A_51, %add3A_48, %mul3A_54 : vector<2048x128xi1>, vector<2048x128xf32>
    %get3A_56 = arith.constant 0 : index
    %get3A_57 = arith.constant 0 : index
    %get3A_58 = vector.load %arg10[%get3A_56, %get3A_57] : memref<128x128xf32, #tpu.memory_space<vmem>>, vector<128x128xf32>
    %convert_element_type3A = arith.truncf %select_n3A_55 : vector<2048x128xf32> to vector<2048x128xbf16>
    %convert_element_type3A_59 = arith.truncf %get3A_58 : vector<128x128xf32> to vector<128x128xbf16>
    %dot_general3A = arith.constant dense<0.000000e+00> : vector<2048x128xf32>
    %dot_general3A_60 = tpu.matmul %convert_element_type3A, %convert_element_type3A_59, %dot_general3A {dimension_numbers = #tpu.dot_dimension_numbers<[1], [0], [0], [1], [0, 0, 1, 1], [], []>, transpose_lhs_hint = false} : vector<2048x128xbf16>, vector<128x128xbf16>, vector<2048x128xf32> -> vector<2048x128xf32>
    %get3A_61 = arith.constant 0 : index
    %get3A_62 = arith.constant 0 : index
    %get3A_63 = vector.load %arg9[%get3A_61, %get3A_62] : memref<2048x128xf32, #tpu.memory_space<vmem>>, vector<2048x128xf32>
    %add3A_64 = arith.addf %dot_general3A_60, %get3A_63 : vector<2048x128xf32>
    %swap3A = arith.constant 0 : index
    %swap3A_65 = arith.constant 0 : index
    %swap3A_66 = vector.load %arg11[%swap3A, %swap3A_65] : memref<2048x128xf32, #tpu.memory_space<vmem>>, vector<2048x128xf32>
    tpu.vector_store %arg11[%swap3A, %swap3A_65], %add3A_64 {strides = array<i32>} : memref<2048x128xf32, #tpu.memory_space<vmem>>, vector<2048x128xf32>,
    return
  }
  func.func @transform_0(%arg0: i32) -> (i32, i32, i32) {
    %c0_i32 = arith.constant 0 : i32
    %c0_i32_0 = arith.constant 0 : i32
    %c0_i32_1 = arith.constant 0 : i32
    %c0_i32_2 = arith.constant 0 : i32
    return %c0_i32, %c0_i32_0, %c0_i32_1 : i32, i32, i32
  }
  func.func @transform_1(%arg0: i32) -> (i32, i32, i32) {
    %c0_i32 = arith.constant 0 : i32
    %c0_i32_0 = arith.constant 0 : i32
    %c0_i32_1 = arith.constant 0 : i32
    %c0_i32_2 = arith.constant 0 : i32
    return %c0_i32, %c0_i32_0, %c0_i32_1 : i32, i32, i32
  }
  func.func @transform_2(%arg0: i32) -> (i32, i32) {
    %c0_i32 = arith.constant 0 : i32
    %c0_i32_0 = arith.constant 0 : i32
    return %arg0, %c0_i32 : i32, i32
  }
  func.func @transform_3(%arg0: i32) -> (i32, i32) {
    %c0_i32 = arith.constant 0 : i32
    %c0_i32_0 = arith.constant 0 : i32
    return %arg0, %c0_i32 : i32, i32
  }
  func.func @transform_4(%arg0: i32) -> (i32, i32) {
    %c0_i32 = arith.constant 0 : i32
    %c0_i32_0 = arith.constant 0 : i32
    return %arg0, %c0_i32 : i32, i32
  }
  func.func @transform_5(%arg0: i32) -> (i32, i32) {
    %c0_i32 = arith.constant 0 : i32
    %c0_i32_0 = arith.constant 0 : i32
    %c0_i32_1 = arith.constant 0 : i32
    return %c0_i32, %c0_i32_0 : i32, i32
  }
  func.func @transform_6(%arg0: i32) -> (i32, i32) {
    %c0_i32 = arith.constant 0 : i32
    %c0_i32_0 = arith.constant 0 : i32
    %c0_i32_1 = arith.constant 0 : i32
    return %c0_i32, %c0_i32_0 : i32, i32
  }
  func.func @transform_7(%arg0: i32) -> (i32, i32) {
    %c0_i32 = arith.constant 0 : i32
    %c0_i32_0 = arith.constant 0 : i32
    %c0_i32_1 = arith.constant 0 : i32
    return %c0_i32, %c0_i32_0 : i32, i32
  }
  func.func @transform_8(%arg0: i32) -> (i32, i32) {
    %c0_i32 = arith.constant 0 : i32
    %c0_i32_0 = arith.constant 0 : i32
    return %arg0, %c0_i32 : i32, i32
  }
  func.func @transform_9(%arg0: i32) -> (i32, i32) {
    %c0_i32 = arith.constant 0 : i32
    %c0_i32_0 = arith.constant 0 : i32
    %c0_i32_1 = arith.constant 0 : i32
    return %c0_i32, %c0_i32_0 : i32, i32
  }
  func.func @transform_10(%arg0: i32) -> (i32, i32) {
    %c0_i32 = arith.constant 0 : i32
    %c0_i32_0 = arith.constant 0 : i32
    return %arg0, %c0_i32 : i32, i32
  }
}

module attributes {stable_mosaic.version = 14 : i64} {
  func.func @_fin2_body(%arg0: i32, %arg1: memref<32x1x128xf32, #tpu.memory_space<vmem>>, %arg2: memref<32x1x128xf32, #tpu.memory_space<vmem>>, %arg3: memref<2048x128xf32, #tpu.memory_space<vmem>>, %arg4: memref<2048x128xf32, #tpu.memory_space<vmem>>, %arg5: memref<2048x128xf32, #tpu.memory_space<vmem>>, %arg6: memref<1x128xf32, #tpu.memory_space<vmem>>, %arg7: memref<1x128xf32, #tpu.memory_space<vmem>>, %arg8: memref<1x128xf32, #tpu.memory_space<vmem>>, %arg9: memref<128x128xf32, #tpu.memory_space<vmem>>, %arg10: memref<1x128xf32, #tpu.memory_space<vmem>>, %arg11: memref<128x64xf32, #tpu.memory_space<vmem>>, %arg12: memref<1x64xf32, #tpu.memory_space<vmem>>, %arg13: memref<64x3xf32, #tpu.memory_space<vmem>>, %arg14: memref<1x3xf32, #tpu.memory_space<vmem>>, %arg15: memref<2048x64xf32, #tpu.memory_space<vmem>>, %arg16: memref<2048x3xf32, #tpu.memory_space<vmem>>) attributes {dimension_semantics = [#tpu.dimension_semantics<arbitrary>], iteration_bounds = array<i64: 8>, scalar_prefetch = 0 : i64, scratch_operands = 0 : i64, tpu.core_type = #tpu.core_type<tc>, window_params = [{pipeline_mode = #tpu.pipeline_mode<synchronous>, transform_indices = @transform_0, window_bounds = array<i64: 32, 1, 128>}, {pipeline_mode = #tpu.pipeline_mode<synchronous>, transform_indices = @transform_1, window_bounds = array<i64: 32, 1, 128>}, {transform_indices = @transform_2, window_bounds = array<i64: 2048, 128>}, {transform_indices = @transform_3, window_bounds = array<i64: 2048, 128>}, {transform_indices = @transform_4, window_bounds = array<i64: 2048, 128>}, {pipeline_mode = #tpu.pipeline_mode<synchronous>, transform_indices = @transform_5, window_bounds = array<i64: 1, 128>}, {pipeline_mode = #tpu.pipeline_mode<synchronous>, transform_indices = @transform_6, window_bounds = array<i64: 1, 128>}, {pipeline_mode = #tpu.pipeline_mode<synchronous>, transform_indices = @transform_7, window_bounds = array<i64: 1, 128>}, {pipeline_mode = #tpu.pipeline_mode<synchronous>, transform_indices = @transform_8, window_bounds = array<i64: 128, 128>}, {pipeline_mode = #tpu.pipeline_mode<synchronous>, transform_indices = @transform_9, window_bounds = array<i64: 1, 128>}, {pipeline_mode = #tpu.pipeline_mode<synchronous>, transform_indices = @transform_10, window_bounds = array<i64: 128, 64>}, {pipeline_mode = #tpu.pipeline_mode<synchronous>, transform_indices = @transform_11, window_bounds = array<i64: 1, 64>}, {pipeline_mode = #tpu.pipeline_mode<synchronous>, transform_indices = @transform_12, window_bounds = array<i64: 64, 3>}, {pipeline_mode = #tpu.pipeline_mode<synchronous>, transform_indices = @transform_13, window_bounds = array<i64: 1, 3>}, {transform_indices = @transform_14, window_bounds = array<i64: 2048, 64>}, {transform_indices = @transform_15, window_bounds = array<i64: 2048, 3>}]} {
    %get3A = arith.constant 0 : index
    %get3A_0 = arith.constant 0 : index
    %get3A_1 = arith.constant 0 : index
    %get3A_2 = vector.load %arg1[%get3A, %get3A_0, %get3A_1] : memref<32x1x128xf32, #tpu.memory_space<vmem>>, vector<32x1x128xf32>
    %get3A_3 = arith.constant 0 : index
    %get3A_4 = arith.constant 0 : index
    %get3A_5 = arith.constant 0 : index
    %get3A_6 = vector.load %arg2[%get3A_3, %get3A_4, %get3A_5] : memref<32x1x128xf32, #tpu.memory_space<vmem>>, vector<32x1x128xf32>
    %get3A_7 = arith.constant 0 : index
    %get3A_8 = arith.constant 0 : index
    %get3A_9 = vector.load %arg3[%get3A_7, %get3A_8] : memref<2048x128xf32, #tpu.memory_space<vmem>>, vector<2048x128xf32>
    %get3A_10 = arith.constant 0 : index
    %get3A_11 = arith.constant 0 : index
    %get3A_12 = vector.load %arg4[%get3A_10, %get3A_11] : memref<2048x128xf32, #tpu.memory_space<vmem>>, vector<2048x128xf32>
    %get3A_13 = arith.constant 0 : index
    %get3A_14 = arith.constant 0 : index
    %get3A_15 = vector.load %arg5[%get3A_13, %get3A_14] : memref<2048x128xf32, #tpu.memory_space<vmem>>, vector<2048x128xf32>
    %get3A_16 = arith.constant 0 : index
    %get3A_17 = arith.constant 0 : index
    %get3A_18 = vector.load %arg6[%get3A_16, %get3A_17] : memref<1x128xf32, #tpu.memory_space<vmem>>, vector<1x128xf32>
    %get3A_19 = arith.constant 0 : index
    %get3A_20 = arith.constant 0 : index
    %get3A_21 = vector.load %arg7[%get3A_19, %get3A_20] : memref<1x128xf32, #tpu.memory_space<vmem>>, vector<1x128xf32>
    %get3A_22 = arith.constant 0 : index
    %get3A_23 = arith.constant 0 : index
    %get3A_24 = vector.load %arg8[%get3A_22, %get3A_23] : memref<1x128xf32, #tpu.memory_space<vmem>>, vector<1x128xf32>
    %reduce_sum3A = arith.constant dense<0.000000e+00> : vector<1x128xf32>
    %reduce_sum3A_25 = vector.multi_reduction <add>, %get3A_2, %reduce_sum3A [0] : vector<32x1x128xf32> to vector<1x128xf32>
    %reduce_sum3A_26 = arith.constant dense<0.000000e+00> : vector<1x128xf32>
    %reduce_sum3A_27 = vector.multi_reduction <add>, %get3A_6, %reduce_sum3A_26 [0] : vector<32x1x128xf32> to vector<1x128xf32>
    %mul3A = arith.constant 6.78168407E-6 : f32
    %mul3A_28 = vector.broadcast %mul3A : f32 to vector<1x128xf32>
    %mul3A_29 = arith.mulf %reduce_sum3A_25, %mul3A_28 : vector<1x128xf32>
    %mul3A_30 = arith.constant 6.78168407E-6 : f32
    %mul3A_31 = vector.broadcast %mul3A_30 : f32 to vector<1x128xf32>
    %mul3A_32 = arith.mulf %reduce_sum3A_27, %mul3A_31 : vector<1x128xf32>
    %mul3A_33 = arith.mulf %mul3A_29, %mul3A_29 : vector<1x128xf32>
    %sub3A = arith.subf %mul3A_32, %mul3A_33 : vector<1x128xf32>
    %add3A = arith.constant 9.99999974E-6 : f32
    %add3A_34 = vector.broadcast %add3A : f32 to vector<1x128xf32>
    %add3A_35 = arith.addf %sub3A, %add3A_34 : vector<1x128xf32>
    %rsqrt3A = math.rsqrt %add3A_35 : vector<1x128xf32>
    %mul3A_36 = arith.mulf %get3A_21, %rsqrt3A : vector<1x128xf32>
    %ge3A = arith.constant 0.000000e+00 : f32
    %ge3A_37 = vector.broadcast %ge3A : f32 to vector<1x128xf32>
    %ge3A_38 = arith.cmpf oge, %get3A_21, %ge3A_37 : vector<1x128xf32>
    %broadcast_in_dim3A = vector.shape_cast %ge3A_38 : vector<1x128xi1> to vector<1x128xi1>
    %broadcast_in_dim3A_39 = vector.broadcast %broadcast_in_dim3A : vector<1x128xi1> to vector<2048x128xi1>
    %select_n3A = arith.select %broadcast_in_dim3A_39, %get3A_9, %get3A_12 : vector<2048x128xi1>, vector<2048x128xf32>
    %sub3A_40 = vector.broadcast %get3A_18 : vector<1x128xf32> to vector<2048x128xf32>
    %sub3A_41 = arith.subf %get3A_15, %sub3A_40 : vector<2048x128xf32>
    %sub3A_42 = arith.subf %select_n3A, %sub3A_41 : vector<2048x128xf32>
    %sub3A_43 = vector.broadcast %mul3A_29 : vector<1x128xf32> to vector<2048x128xf32>
    %sub3A_44 = arith.subf %sub3A_42, %sub3A_43 : vector<2048x128xf32>
    %mul3A_45 = vector.broadcast %mul3A_36 : vector<1x128xf32> to vector<2048x128xf32>
    %mul3A_46 = arith.mulf %sub3A_44, %mul3A_45 : vector<2048x128xf32>
    %add3A_47 = vector.broadcast %get3A_24 : vector<1x128xf32> to vector<2048x128xf32>
    %add3A_48 = arith.addf %mul3A_46, %add3A_47 : vector<2048x128xf32>
    %ge3A_49 = arith.constant 0.000000e+00 : f32
    %ge3A_50 = vector.broadcast %ge3A_49 : f32 to vector<2048x128xf32>
    %ge3A_51 = arith.cmpf oge, %add3A_48, %ge3A_50 : vector<2048x128xf32>
    %mul3A_52 = arith.constant 1.000000e-01 : f32
    %mul3A_53 = vector.broadcast %mul3A_52 : f32 to vector<2048x128xf32>
    %mul3A_54 = arith.mulf %mul3A_53, %add3A_48 : vector<2048x128xf32>
    %select_n3A_55 = arith.select %ge3A_51, %add3A_48, %mul3A_54 : vector<2048x128xi1>, vector<2048x128xf32>
    %get3A_56 = arith.constant 0 : index
    %get3A_57 = arith.constant 0 : index
    %get3A_58 = vector.load %arg9[%get3A_56, %get3A_57] : memref<128x128xf32, #tpu.memory_space<vmem>>, vector<128x128xf32>
    %convert_element_type3A = arith.truncf %select_n3A_55 : vector<2048x128xf32> to vector<2048x128xbf16>
    %convert_element_type3A_59 = arith.truncf %get3A_58 : vector<128x128xf32> to vector<128x128xbf16>
    %dot_general3A = arith.constant dense<0.000000e+00> : vector<2048x128xf32>
    %dot_general3A_60 = tpu.matmul %convert_element_type3A, %convert_element_type3A_59, %dot_general3A {dimension_numbers = #tpu.dot_dimension_numbers<[1], [0], [0], [1], [0, 0, 1, 1], [], []>, transpose_lhs_hint = false} : vector<2048x128xbf16>, vector<128x128xbf16>, vector<2048x128xf32> -> vector<2048x128xf32>
    %get3A_61 = arith.constant 0 : index
    %get3A_62 = arith.constant 0 : index
    %get3A_63 = vector.load %arg10[%get3A_61, %get3A_62] : memref<1x128xf32, #tpu.memory_space<vmem>>, vector<1x128xf32>
    %add3A_64 = vector.broadcast %get3A_63 : vector<1x128xf32> to vector<2048x128xf32>
    %add3A_65 = arith.addf %dot_general3A_60, %add3A_64 : vector<2048x128xf32>
    %ge3A_66 = arith.constant 0.000000e+00 : f32
    %ge3A_67 = vector.broadcast %ge3A_66 : f32 to vector<2048x128xf32>
    %ge3A_68 = arith.cmpf oge, %add3A_65, %ge3A_67 : vector<2048x128xf32>
    %mul3A_69 = arith.constant 1.000000e-01 : f32
    %mul3A_70 = vector.broadcast %mul3A_69 : f32 to vector<2048x128xf32>
    %mul3A_71 = arith.mulf %mul3A_70, %add3A_65 : vector<2048x128xf32>
    %select_n3A_72 = arith.select %ge3A_68, %add3A_65, %mul3A_71 : vector<2048x128xi1>, vector<2048x128xf32>
    %get3A_73 = arith.constant 0 : index
    %get3A_74 = arith.constant 0 : index
    %get3A_75 = vector.load %arg11[%get3A_73, %get3A_74] : memref<128x64xf32, #tpu.memory_space<vmem>>, vector<128x64xf32>
    %convert_element_type3A_76 = arith.truncf %select_n3A_72 : vector<2048x128xf32> to vector<2048x128xbf16>
    %convert_element_type3A_77 = arith.truncf %get3A_75 : vector<128x64xf32> to vector<128x64xbf16>
    %dot_general3A_78 = arith.constant dense<0.000000e+00> : vector<2048x64xf32>
    %dot_general3A_79 = tpu.matmul %convert_element_type3A_76, %convert_element_type3A_77, %dot_general3A_78 {dimension_numbers = #tpu.dot_dimension_numbers<[1], [0], [0], [1], [0, 0, 1, 1], [], []>, transpose_lhs_hint = false} : vector<2048x128xbf16>, vector<128x64xbf16>, vector<2048x64xf32> -> vector<2048x64xf32>
    %get3A_80 = arith.constant 0 : index
    %get3A_81 = arith.constant 0 : index
    %get3A_82 = vector.load %arg12[%get3A_80, %get3A_81] : memref<1x64xf32, #tpu.memory_space<vmem>>, vector<1x64xf32>
    %add3A_83 = vector.broadcast %get3A_82 : vector<1x64xf32> to vector<2048x64xf32>
    %add3A_84 = arith.addf %dot_general3A_79, %add3A_83 : vector<2048x64xf32>
    %ge3A_85 = arith.constant 0.000000e+00 : f32
    %ge3A_86 = vector.broadcast %ge3A_85 : f32 to vector<2048x64xf32>
    %ge3A_87 = arith.cmpf oge, %add3A_84, %ge3A_86 : vector<2048x64xf32>
    %mul3A_88 = arith.constant 1.000000e-01 : f32
    %mul3A_89 = vector.broadcast %mul3A_88 : f32 to vector<2048x64xf32>
    %mul3A_90 = arith.mulf %mul3A_89, %add3A_84 : vector<2048x64xf32>
    %select_n3A_91 = arith.select %ge3A_87, %add3A_84, %mul3A_90 : vector<2048x64xi1>, vector<2048x64xf32>
    %get3A_92 = arith.constant 0 : index
    %get3A_93 = arith.constant 0 : index
    %get3A_94 = vector.load %arg13[%get3A_92, %get3A_93] : memref<64x3xf32, #tpu.memory_space<vmem>>, vector<64x3xf32>
    %convert_element_type3A_95 = arith.truncf %select_n3A_91 : vector<2048x64xf32> to vector<2048x64xbf16>
    %convert_element_type3A_96 = arith.truncf %get3A_94 : vector<64x3xf32> to vector<64x3xbf16>
    %dot_general3A_97 = arith.constant dense<0.000000e+00> : vector<2048x3xf32>
    %dot_general3A_98 = tpu.matmul %convert_element_type3A_95, %convert_element_type3A_96, %dot_general3A_97 {dimension_numbers = #tpu.dot_dimension_numbers<[1], [0], [0], [1], [0, 0, 1, 1], [], []>, transpose_lhs_hint = false} : vector<2048x64xbf16>, vector<64x3xbf16>, vector<2048x3xf32> -> vector<2048x3xf32>
    %get3A_99 = arith.constant 0 : index
    %get3A_100 = arith.constant 0 : index
    %get3A_101 = vector.load %arg14[%get3A_99, %get3A_100] : memref<1x3xf32, #tpu.memory_space<vmem>>, vector<1x3xf32>
    %add3A_102 = vector.broadcast %get3A_101 : vector<1x3xf32> to vector<2048x3xf32>
    %add3A_103 = arith.addf %dot_general3A_98, %add3A_102 : vector<2048x3xf32>
    %swap3A = arith.constant 0 : index
    %swap3A_104 = arith.constant 0 : index
    %swap3A_105 = vector.load %arg15[%swap3A, %swap3A_104] : memref<2048x64xf32, #tpu.memory_space<vmem>>, vector<2048x64xf32>
    tpu.vector_store %arg15[%swap3A, %swap3A_104], %select_n3A_91 {strides = array<i32>} : memref<2048x64xf32, #tpu.memory_space<vmem>>, vector<2048x64xf32>,
    %jit3A = arith.constant -2.000000e+01 : f32
    %jit3A_106 = arith.constant 2.000000e+01 : f32
    %max3A = vector.broadcast %jit3A : f32 to vector<2048x3xf32>
    %max3A_107 = arith.maximumf %max3A, %add3A_103 : vector<2048x3xf32>
    %min3A = vector.broadcast %jit3A_106 : f32 to vector<2048x3xf32>
    %min3A_108 = arith.minimumf %min3A, %max3A_107 : vector<2048x3xf32>
    %swap3A_109 = arith.constant 0 : index
    %swap3A_110 = arith.constant 0 : index
    %swap3A_111 = vector.load %arg16[%swap3A_109, %swap3A_110] : memref<2048x3xf32, #tpu.memory_space<vmem>>, vector<2048x3xf32>
    tpu.vector_store %arg16[%swap3A_109, %swap3A_110], %min3A_108 {strides = array<i32>} : memref<2048x3xf32, #tpu.memory_space<vmem>>, vector<2048x3xf32>,
    return
  }
  func.func @transform_0(%arg0: i32) -> (i32, i32, i32) {
    %c0_i32 = arith.constant 0 : i32
    %c0_i32_0 = arith.constant 0 : i32
    %c0_i32_1 = arith.constant 0 : i32
    %c0_i32_2 = arith.constant 0 : i32
    return %c0_i32, %c0_i32_0, %c0_i32_1 : i32, i32, i32
  }
  func.func @transform_1(%arg0: i32) -> (i32, i32, i32) {
    %c0_i32 = arith.constant 0 : i32
    %c0_i32_0 = arith.constant 0 : i32
    %c0_i32_1 = arith.constant 0 : i32
    %c0_i32_2 = arith.constant 0 : i32
    return %c0_i32, %c0_i32_0, %c0_i32_1 : i32, i32, i32
  }
  func.func @transform_2(%arg0: i32) -> (i32, i32) {
    %c0_i32 = arith.constant 0 : i32
    %c0_i32_0 = arith.constant 0 : i32
    return %arg0, %c0_i32 : i32, i32
  }
  func.func @transform_3(%arg0: i32) -> (i32, i32) {
    %c0_i32 = arith.constant 0 : i32
    %c0_i32_0 = arith.constant 0 : i32
    return %arg0, %c0_i32 : i32, i32
  }
  func.func @transform_4(%arg0: i32) -> (i32, i32) {
    %c0_i32 = arith.constant 0 : i32
    %c0_i32_0 = arith.constant 0 : i32
    return %arg0, %c0_i32 : i32, i32
  }
  func.func @transform_5(%arg0: i32) -> (i32, i32) {
    %c0_i32 = arith.constant 0 : i32
    %c0_i32_0 = arith.constant 0 : i32
    %c0_i32_1 = arith.constant 0 : i32
    return %c0_i32, %c0_i32_0 : i32, i32
  }
  func.func @transform_6(%arg0: i32) -> (i32, i32) {
    %c0_i32 = arith.constant 0 : i32
    %c0_i32_0 = arith.constant 0 : i32
    %c0_i32_1 = arith.constant 0 : i32
    return %c0_i32, %c0_i32_0 : i32, i32
  }
  func.func @transform_7(%arg0: i32) -> (i32, i32) {
    %c0_i32 = arith.constant 0 : i32
    %c0_i32_0 = arith.constant 0 : i32
    %c0_i32_1 = arith.constant 0 : i32
    return %c0_i32, %c0_i32_0 : i32, i32
  }
  func.func @transform_8(%arg0: i32) -> (i32, i32) {
    %c0_i32 = arith.constant 0 : i32
    %c0_i32_0 = arith.constant 0 : i32
    %c0_i32_1 = arith.constant 0 : i32
    return %c0_i32, %c0_i32_0 : i32, i32
  }
  func.func @transform_9(%arg0: i32) -> (i32, i32) {
    %c0_i32 = arith.constant 0 : i32
    %c0_i32_0 = arith.constant 0 : i32
    %c0_i32_1 = arith.constant 0 : i32
    return %c0_i32, %c0_i32_0 : i32, i32
  }
  func.func @transform_10(%arg0: i32) -> (i32, i32) {
    %c0_i32 = arith.constant 0 : i32
    %c0_i32_0 = arith.constant 0 : i32
    %c0_i32_1 = arith.constant 0 : i32
    return %c0_i32, %c0_i32_0 : i32, i32
  }
  func.func @transform_11(%arg0: i32) -> (i32, i32) {
    %c0_i32 = arith.constant 0 : i32
    %c0_i32_0 = arith.constant 0 : i32
    %c0_i32_1 = arith.constant 0 : i32
    return %c0_i32, %c0_i32_0 : i32, i32
  }
  func.func @transform_12(%arg0: i32) -> (i32, i32) {
    %c0_i32 = arith.constant 0 : i32
    %c0_i32_0 = arith.constant 0 : i32
    %c0_i32_1 = arith.constant 0 : i32
    return %c0_i32, %c0_i32_0 : i32, i32
  }
  func.func @transform_13(%arg0: i32) -> (i32, i32) {
    %c0_i32 = arith.constant 0 : i32
    %c0_i32_0 = arith.constant 0 : i32
    %c0_i32_1 = arith.constant 0 : i32
    return %c0_i32, %c0_i32_0 : i32, i32
  }
  func.func @transform_14(%arg0: i32) -> (i32, i32) {
    %c0_i32 = arith.constant 0 : i32
    %c0_i32_0 = arith.constant 0 : i32
    return %arg0, %c0_i32 : i32, i32
  }
  func.func @transform_15(%arg0: i32) -> (i32, i32) {
    %c0_i32 = arith.constant 0 : i32
    %c0_i32_0 = arith.constant 0 : i32
    return %arg0, %c0_i32 : i32, i32
  }
}

</mosaic_0001>

<sc_bundles>
// kernel: kernel.10.cloned.1.call-start
scs
__scs_entry_jumppad:
0x0: {  	(pc) =	sbr.rel $0x88, $3  }
0x1: {  	(tag) =	ssettag $0x0;
	lr =	simm.s32 $0x1  }
0x2: {  	[smem:$0x3F8F] =	sst lr;
	_ =	strace $0xD0000000  }
0x3: {  	_ = 	snop  }
0x4: {  	_ = 	snop  }
0x5: {  	_ = 	snop  }
0x6: {  	_ = 	snop  }
0x7: {  	_ = 	snop  }
__scs_overlays_trampoline_lowered:
0x8: {  	[smem:$0x3F9E] =	sst s0  }
0x9: {  	[smem:$0x3F9F] =	sst s1  }
0xa: {  	[smem:$0x3FA0] =	sst s2  }
0xb: {  	[smem:$0x3FA1] =	sst s3  }
0xc: {  	[smem:$0x3FA2] =	sst s4  }
0xd: {  	[smem:$0x3FA3] =	sst s5  }
0xe: {  	[smem:$0x3FA4] =	sst s6  }
0xf: {  	[smem:$0x3FA5] =	sst s7  }
0x10: {  	[smem:$0x3FA6] =	sst s8  }
0x11: {  	[smem:$0x3FA7] =	sst s9;
	s0 =	simm.s32 @!p0 $0x0  }
0x12: {  	s1 =	sld [smem:$0x3F8D];
	s0 =	simm.s32 @p0 $0x1  }
0x13: {  	[smem:$0x3FA8] =	sst s0;
	s0 =	simm.s32 @!p1 $0x0  }
0x14: {  	s2 =	sld [smem:$0x3F8C];
	s0 =	simm.s32 @p1 $0x1  }
0x15: {  	[smem:$0x3FA9] =	sst s0;
	s0 =	simm.s32 @!p2 $0x0  }
0x16: {  	s3 =	sld [smem:$0x3FDB];
	s0 =	simm.s32 @p2 $0x1  }
0x17: {  	s4 =	simm.s32 $0x1BF5;
	[smem:$0x3FAB] =	sst s0  }
0x18: {  	s0 =	sld [smem:$0x3F8E];
	_ =	swait.ge [sflag:s4], $0x0  }
0x19: {  	s7 =	sld [smem:$0x3F8F]  }
0x1a: {  	s8 =	sadd.s32 $0xFFFFE003, lr  }
0x1b: {  	s9 =	sadd.s32 $0xFFFFFEF7, lr;
	s5 =	simm.s32 $0xFFFFFFFF;
	p2 =	slt.u32 s8, $0xFFFFF086  }
0x1c: {  	p1 =	slt.u32 s9, $0xF7A;
	s5 =	simm.s32 @!p2 $0x0  }
0x1d: {  	s5 =	simm.s32 @p1 $0x1;
	p0 =	seq.s32 s7, s2  }
0x1e: {  	s7 =	smul.u32 @!p0 $0xF7A, s2;
	p2 =	seq.s32 @!p0 s5, $0x0  }
0x1f: {  	s9 =	smul.u32 $0xF7A, s1;
	s8 =	simm.s32 @!p0 $0x1BF5;
	p2 =	por !p2, p0  }
0x20: {  	[sflag:s8] =	ssyncset.s32 @!p0 $0xFFFFF086;
	s6 =	sadd.s32 @!p0 s3, s7;
	s7 =	simm.s32 @!p0 $0x108  }
0x21: {  	s3 =	sadd.s32 s3, s9;
	s6 =	sadd.s32 @!p0 $0x88, s6;
	s7 =	simm.s32 @p2 $0x1082  }
0x22: {  	[simem:s7], [sflag:s8] =	dma.local @!p0 [hbm:s6], $0xF7A  }
0x23: {  	s9 =	sor.u32 $0xD0000000, s2;
	s6 =	simm.s32 $0x108;
	_ =	swait.ge @!p0 [sflag:s8], $0x0  }
0x24: {  	s3 =	sadd.s32 $0x88, s3;
	s6 =	simm.s32 @!p1 $0x1082;
	[sflag:s4] =	ssyncset.s32 $0xFFFFF086  }
0x25: {  	[simem:s6], [sflag:s4] =	dma.local [hbm:s3], $0xF7A  }
0x26: {  	[smem:$0x3F8F] =	sst s1;
	(tag) =	ssettag s2;
	_ =	strace s9  }
0x27: {  	s1 =	sld [smem:$0x3F9F]  }
0x28: {  	s2 =	sld [smem:$0x3FA0]  }
0x29: {  	s4 =	sld [smem:$0x3FA2]  }
0x2a: {  	p0 =	seq.s32 s5, $0x0;
	s5 =	sld [smem:$0x3FA3]  }
0x2b: {  	s6 =	sld [smem:$0x3FA4]  }
0x2c: {  	s7 =	sld [smem:$0x3FA5]  }
0x2d: {  	s3 =	simm.s32 $0x108;
	s8 =	sld [smem:$0x3FA6]  }
0x2e: {  	s3 =	simm.s32 @!p0 $0x1082;
	s9 =	sld [smem:$0x3FA7]  }
0x2f: {  	lr =	sadd.s32 s0, s3;
	s0 =	sld [smem:$0x3F9E]  }
0x30: {  	s3 =	sld [smem:$0x3FA1]  }
0x31: {  	[smem:$0x3FAA] =	sst s10  }
0x32: {  	s10 =	sld [smem:$0x3FA8];
	_ =	sdelay $0x3  }
0x33: {  	p0 =	seq.s32 s10, $0x1;
	s10 =	sld [smem:$0x3FAA];
	_ =	sdelay $0x3  }
0x34: {  	[smem:$0x3FAA] =	sst s10  }
0x35: {  	s10 =	sld [smem:$0x3FA9];
	_ =	sdelay $0x3  }
0x36: {  	p1 =	seq.s32 s10, $0x1;
	s10 =	sld [smem:$0x3FAA];
	_ =	sdelay $0x3  }
0x37: {  	[smem:$0x3FAA] =	sst s10  }
0x38: {  	s10 =	sld [smem:$0x3FAB]  }
0x39: {  	_ = 	snop;
	(pc) =	sbr.ind lr, $3  }
0x3a: {  	_ = 	snop  }
0x3b: {  	_ = 	snop  }
0x3c: {  	p2 =	seq.s32 s10, $0x1;
	s10 =	sld [smem:$0x3FAA]  }
0x3d: {  	_ =	shalt  }
0x3e: {  	_ =	shalt  }
0x3f: {  	_ =	shalt  }
0x40: {  	_ =	shalt  }
0x41: {  	_ =	shalt  }
0x42: {  	_ =	shalt  }
0x43: {  	_ =	shalt  }
0x44: {  	_ =	shalt  }
0x45: {  	_ =	shalt  }
0x46: {  	_ =	shalt  }
0x47: {  	_ =	shalt  }
0x48: {  	_ =	shalt  }
0x49: {  	_ =	shalt  }
0x4a: {  	_ =	shalt  }
0x4b: {  	_ =	shalt  }
0x4c: {  	_ =	shalt  }
0x4d: {  	_ =	shalt  }
0x4e: {  	_ =	shalt  }
0x4f: {  	_ =	shalt  }
0x50: {  	_ =	shalt  }
0x51: {  	_ =	shalt  }
0x52: {  	_ =	shalt  }
0x53: {  	_ =	shalt  }
0x54: {  	_ =	shalt  }
0x55: {  	_ =	shalt  }
0x56: {  	_ =	shalt  }
0x57: {  	_ =	shalt  }
0x58: {  	_ =	shalt  }
0x59: {  	_ =	shalt  }
0x5a: {  	_ =	shalt  }
0x5b: {  	_ =	shalt  }
0x5c: {  	_ =	shalt  }
0x5d: {  	_ =	shalt  }
0x5e: {  	_ =	shalt  }
0x5f: {  	_ =	shalt  }
0x60: {  	_ =	shalt  }
0x61: {  	_ =	shalt  }
0x62: {  	_ =	shalt  }
0x63: {  	_ =	shalt  }
0x64: {  	_ =	shalt  }
0x65: {  	_ =	shalt  }
0x66: {  	_ =	shalt  }
0x67: {  	_ =	shalt  }
0x68: {  	_ =	shalt  }
0x69: {  	_ =	shalt  }
0x6a: {  	_ =	shalt  }
0x6b: {  	_ =	shalt  }
0x6c: {  	_ =	shalt  }
0x6d: {  	_ =	shalt  }
0x6e: {  	_ =	shalt  }
0x6f: {  	_ =	shalt  }
0x70: {  	_ =	shalt  }
0x71: {  	_ =	shalt  }
0x72: {  	_ =	shalt  }
0x73: {  	_ =	shalt  }
0x74: {  	_ =	shalt  }
0x75: {  	_ =	shalt  }
0x76: {  	_ =	shalt  }
0x77: {  	_ =	shalt  }
0x78: {  	_ =	shalt  }
0x79: {  	_ =	shalt  }
0x7a: {  	_ =	shalt  }
0x7b: {  	_ =	shalt  }
0x7c: {  	_ =	shalt  }
0x7d: {  	_ =	shalt  }
0x7e: {  	_ =	shalt  }
0x7f: {  	_ =	shalt  }
0x80: {  	_ =	shalt  }
0x81: {  	_ =	shalt  }
0x82: {  	_ =	shalt  }
0x83: {  	_ =	shalt  }
0x84: {  	_ =	shalt  }
0x85: {  	_ =	shalt  }
0x86: {  	_ =	shalt  }
0x87: {  	_ =	shalt  }
.Lfunc_end0:
.L_simem_size_0:
called_computation_lowered:
.L_overlay_start_0:
0x88: {  	s2 =	sld [smem:$0x3FD9]  }
0x89: {  	s3 =	sld [smem:$0x3FFE];
	_ =	sdelay $0x1  }
0x8a: {  	s1 =	srdreg.scid  }
0x8b: {  	s0 =	sand.u32 $0x1, s1  }
0x8c: {  	s14 =	sshll.u32 s0, $0xA;
	s2 =	sadd.s32 s3, s2  }
0x8d: {  	s2 =	sadd.s32 s2, s14  }
0x8e: {  	[smem:$0x3FB6] =	sst s2  }
0x8f: {  	_ = 	snop  }
0x90: {  	s2 =	sld [smem:$0x3FD0];
	_ =	sdelay $0x2  }
0x91: {  	s15 =	simm.s32 $0xA;
	s4 =	simm.s32 $0x10  }
0x92: {  	[smem:s4], [sflag:s15] =	dma.local [hbm:s2], $0x1  }
0x93: {  	_ =	swait.eq [sflag:s15], $0x1  }
0x94: {  	[sflag:s15] =	ssyncset.done $0x0  }
0x95: {  	[sflag:s15] =	ssyncadd.s32 $0xFFFFFFFF  }
0x96: {  	s16 =	sld [smem:$0x10];
	(tm) =	ssettm $0x1  }
0x97: {  	s17 =	sld [smem:$0x3FFB];
	_ =	sdelay $0x3  }
0x98: {  	_ =	strace s17  }
0x99: {  	s3 =	sld [smem:$0x3FFC];
	_ =	sdelay $0x3  }
0x9a: {  	_ =	strace s3  }
0x9b: {  	s3 =	sld [smem:$0x3FFD];
	_ =	sdelay $0x3  }
0x9c: {  	_ =	strace s3  }
0x9d: {  	_ =	strace $0x8FFFFFFF  }
0x9e: {  	s18 =	sld [smem:$0x3FDB];
	_ =	sdelay $0x1  }
0x9f: {  	s19 =	simm.s32 $_scs_section_size  }
0xa0: {  	s5 =	simm.s32 $_size__tile_overlayer_lowered;
	s6 =	simm.s32 $_tile_overlayer_lowered  }
0xa1: {  	s22 =	simm.s32 $0x1BFF;
	s21 =	sshll.u32 s6, $0x1;
	s3 =	sadd.s32 s19, s18  }
0xa2: {  	s7 =	simm.s32 $0x0;
	s20 =	sshll.u32 s5, $0x1;
	s5 =	sadd.s32 s21, s3  }
0xa3: {  	[timem:s7], [sflag:s22] =	dma.local [hbm:s5], s20  }
0xa4: {  	_ =	swait.ge [sflag:s22], s20  }
0xa5: {  	s4 =	ssub.s32 $0x0, s20;
	[sflag:s22] =	ssyncset.done $0x0  }
0xa6: {  	[sflag:s22] =	ssyncadd.s32 s4;
	_ =	sdelay $0x1  }
0xa7: {  	s23 =	simm.s32 $0x1B8B  }
0xa8: {  	_ =	swait.ge [sflag:s23], $0x1  }
0xa9: {  	[sflag:s23] =	ssyncset.done $0x0  }
0xaa: {  	s25 =	simm.s32 $0x1B8E;
	s24 =	sld [smem:$0x3FFE];
	[sflag:s23] =	ssyncadd.s32 $0xFFFFFFFF  }
0xab: {  	s26 =	simm.s32 $execute0_lowered;
	[smem:$0x3FD2] =	sst s25  }
0xac: {  	s5 =	sshll.u32 s26, $0x1;
	_ =	strace $0x80000046;
	[dreg:$0x1] =	wrdreg $0xFFFFFFFF  }
0xad: {  	s28 =	simm.s32 $_size_execute0_lowered;
	s3 =	sadd.s32 s3, s5;
	[dreg:$0x0] =	wrdreg $0x0  }
0xae: {  	s5 =	sshll.u32 s28, $0x1;
	[dreg:$0x2] =	wrdreg s3  }
0xaf: {  	[dreg:$0x3] =	wrdreg s5  }
0xb0: {  	[dreg:$0x4] =	wrdreg $0xC0  }
0xb1: {  	_ =	task [dreg:s7], $0x5FFFF  }
0xb2: {  	[dreg:$0x1] =	wrdreg $0xFFFFFFFF  }
0xb3: {  	[dreg:$0x0] =	wrdreg $0x60  }
0xb4: {  	[dreg:$0x2] =	wrdreg s24  }
0xb5: {  	[dreg:$0x3] =	wrdreg s16  }
0xb6: {  	[dreg:$0x4] =	wrdreg $0x9  }
0xb7: {  	_ =	task.clear_ibuf [dreg:s7], $0x5FFFF;
	_ =	strace $0x90000046  }
0xb8: {  	s29 =	simm.s32 $0x9;
	_ =	strace $0x80000048  }
0xb9: {  	_ =	swait.ge [sflag:s29], $0x1  }
0xba: {  	[sflag:s29] =	ssyncadd.s32 $0xFFFFFFFF  }
0xbb: {  	_ =	strace $0x90000048  }
0xbc: {  	_ =	sfence  }
0xbd: {  	s30 =	sld [smem:$0x0];
	_ =	sdelay $0x2  }
0xbe: {  	s31 =	sshll.u32 s1, $0xD;
	s1 =	sshrl.u32 s1, $0x2  }
0xbf: {  	s3 =	sand.u32 $0x4000, s31;
	s1 =	sadd.s32 s1, s30  }
0xc0: {  	s0 =	sor.u32 s3, s0;
	s1 =	sshll.u32 s1, $0x11  }
0xc1: {  	s0 =	sor.u32 s1, s0  }
0xc2: {  	s0 =	sadd.s32 $0x8F2B, s0  }
0xc3: {  	[sflag:s0] =	ssyncadd.remote.s32 $0x1  }
0xc4: {  	_ =	sfence.sel $0xFFFF  }
0xc5: {  	[dreg:$0x0] =	wrdreg $0xFFFFFFFF;
	(pc) =	sbr.abs _section_cstart, $3  }
0xc6: {  	[dreg:$0x1] =	wrdreg $0xFFFFFFFF  }
0xc7: {  	_ =	task.clear_ibuf [dreg:s7], $0x2FFFF;
	_ =	strace $0x9FFFFFFF  }
0xc8: {  	(tm) =	ssettm $0x7FFFFFFF  }
0xc9: {  	_ =	shalt  }
tec
execute0_lowered:
.L_overlay_start_1:
0x0: {  	(tag) =	ssettag $0x1  }
0x1: {  	s1 =	srdreg.scid;
	s0 =	stileid.u32  }
0x2: {  	s24 =	sand.u32 $0x1, s1;
	s26 =	sshll.u32 s0, $0x1  }
0x3: {  	s8 =	rddreg [dreg:$0x0];
	s9 =	sor.u32 s24, s26  }
0x4: {  	s23 =	rddreg [dreg:$0x1];
	s25 =	smul.u32 $0x1200, s9  }
0x5: {  	s2 =	simm.s32 $0x0;
	s1 =	rddreg [dreg:$0x2]  }
0x6: {  	[smem:$0x7FF] =	sst s2;
	s3 =	sshrl.u32 s25, $0x3  }
0x7: {  	_ =	strace $0x80000047;
	s4 =	sadd.s32 s23, s3;
	s3 =	simm.s32 $0x2  }
0x8: {  	[tilespmem:s2], [sflag:$0x2] =	stream.linear.gather [hbm4b:s4+s2], $0x200, $0x38;
	[tilespmem:$0x10200] =	vst v63  }
0x9: {  	_ =	swait.ge [sflag:s3], $0x200  }
0xa: {  	s6 =	simm.s32 $0x200;
	[sflag:s3] =	ssyncset.done $0x0  }
0xb: {  	s7 =	simm.s32 $0x1;
	s5 =	sadd.s32 $0x84200, s8;
	[sflag:s3] =	ssyncadd.s32 $0xFFFFFE00  }
0xc: {  	[tilespmem:s6], [sflag:$0x1] =	stream.indirect.gather [hbm4b:s5+s6], $0x80, s2, s6, $0xb8;
	[tilespmem:$0x10200] =	vst v63  }
0xd: {  	s9 =	smul.u32 $0x12000, s9;
	_ =	swait.ge [sflag:s7], $0x10000  }
0xe: {  	s26 =	sadd.s32 $0x104200, s8;
	[sflag:s7] =	ssyncset.done $0x0  }
0xf: {  	s8 =	sadd.s32 s26, s9;
	[sflag:s7] =	ssyncadd.s32 $0xFFFF0000  }
0x10: {  	[hbm4b:s8+s2] =	stream.linear.scatter [tilespmem:s6], [sflag:$0x2], $0x10000, $0x38;
	[tilespmem:$0x10200] =	vst v63  }
0x11: {  	s10 =	sadd.s32 $0x200, s25;
	_ =	swait.ge [sflag:s3], $0x10000  }
0x12: {  	s28 =	sshrl.u32 s10, $0x3;
	[sflag:s3] =	ssyncset.done $0x0  }
0x13: {  	s9 =	sadd.s32 s23, s28;
	[sflag:s3] =	ssyncadd.s32 $0xFFFF0000  }
0x14: {  	[tilespmem:s2], [sflag:$0x2] =	stream.linear.gather [hbm4b:s9+s2], $0x200, $0x38;
	[tilespmem:$0x10200] =	vst v63  }
0x15: {  	_ =	swait.ge [sflag:s3], $0x200  }
0x16: {  	[sflag:s3] =	ssyncset.done $0x0  }
0x17: {  	[sflag:s3] =	ssyncadd.s32 $0xFFFFFE00  }
0x18: {  	[tilespmem:s6], [sflag:$0x1] =	stream.indirect.gather [hbm4b:s5+s6], $0x80, s2, s6, $0xb8;
	[tilespmem:$0x10200] =	vst v63  }
0x19: {  	_ =	swait.ge [sflag:s7], $0x10000  }
0x1a: {  	s10 =	sshll.u32 s10, $0x4;
	[sflag:s7] =	ssyncset.done $0x0  }
0x1b: {  	s10 =	sadd.s32 s26, s10;
	[sflag:s7] =	ssyncadd.s32 $0xFFFF0000  }
0x1c: {  	[hbm4b:s10+s2] =	stream.linear.scatter [tilespmem:s6], [sflag:$0x2], $0x10000, $0x38;
	[tilespmem:$0x10200] =	vst v63  }
0x1d: {  	s12 =	sadd.s32 $0x400, s25;
	_ =	swait.ge [sflag:s3], $0x10000  }
0x1e: {  	s11 =	sshrl.u32 s12, $0x3;
	[sflag:s3] =	ssyncset.done $0x0  }
0x1f: {  	s11 =	sadd.s32 s23, s11;
	[sflag:s3] =	ssyncadd.s32 $0xFFFF0000  }
0x20: {  	[tilespmem:s2], [sflag:$0x2] =	stream.linear.gather [hbm4b:s11+s2], $0x200, $0x38;
	[tilespmem:$0x10200] =	vst v63  }
0x21: {  	_ =	swait.ge [sflag:s3], $0x200  }
0x22: {  	[sflag:s3] =	ssyncset.done $0x0  }
0x23: {  	[sflag:s3] =	ssyncadd.s32 $0xFFFFFE00  }
0x24: {  	[tilespmem:s6], [sflag:$0x1] =	stream.indirect.gather [hbm4b:s5+s6], $0x80, s2, s6, $0xb8;
	[tilespmem:$0x10200] =	vst v63  }
0x25: {  	_ =	swait.ge [sflag:s7], $0x10000  }
0x26: {  	s12 =	sshll.u32 s12, $0x4;
	[sflag:s7] =	ssyncset.done $0x0  }
0x27: {  	s12 =	sadd.s32 s26, s12;
	[sflag:s7] =	ssyncadd.s32 $0xFFFF0000  }
0x28: {  	[hbm4b:s12+s2] =	stream.linear.scatter [tilespmem:s6], [sflag:$0x2], $0x10000, $0x38;
	[tilespmem:$0x10200] =	vst v63  }
0x29: {  	s14 =	sadd.s32 $0x600, s25;
	_ =	swait.ge [sflag:s3], $0x10000  }
0x2a: {  	s13 =	sshrl.u32 s14, $0x3;
	[sflag:s3] =	ssyncset.done $0x0  }
0x2b: {  	s13 =	sadd.s32 s23, s13;
	[sflag:s3] =	ssyncadd.s32 $0xFFFF0000  }
0x2c: {  	[tilespmem:s2], [sflag:$0x2] =	stream.linear.gather [hbm4b:s13+s2], $0x200, $0x38;
	[tilespmem:$0x10200] =	vst v63  }
0x2d: {  	_ =	swait.ge [sflag:s3], $0x200  }
0x2e: {  	[sflag:s3] =	ssyncset.done $0x0  }
0x2f: {  	[sflag:s3] =	ssyncadd.s32 $0xFFFFFE00  }
0x30: {  	[tilespmem:s6], [sflag:$0x1] =	stream.indirect.gather [hbm4b:s5+s6], $0x80, s2, s6, $0xb8;
	[tilespmem:$0x10200] =	vst v63  }
0x31: {  	_ =	swait.ge [sflag:s7], $0x10000  }
0x32: {  	s14 =	sshll.u32 s14, $0x4;
	[sflag:s7] =	ssyncset.done $0x0  }
0x33: {  	s14 =	sadd.s32 s26, s14;
	[sflag:s7] =	ssyncadd.s32 $0xFFFF0000  }
0x34: {  	[hbm4b:s14+s2] =	stream.linear.scatter [tilespmem:s6], [sflag:$0x2], $0x10000, $0x38;
	[tilespmem:$0x10200] =	vst v63  }
0x35: {  	s16 =	sadd.s32 $0x800, s25;
	_ =	swait.ge [sflag:s3], $0x10000  }
0x36: {  	s15 =	sshrl.u32 s16, $0x3;
	[sflag:s3] =	ssyncset.done $0x0  }
0x37: {  	s15 =	sadd.s32 s23, s15;
	[sflag:s3] =	ssyncadd.s32 $0xFFFF0000  }
0x38: {  	[tilespmem:s2], [sflag:$0x2] =	stream.linear.gather [hbm4b:s15+s2], $0x200, $0x38;
	[tilespmem:$0x10200] =	vst v63  }
0x39: {  	_ =	swait.ge [sflag:s3], $0x200  }
0x3a: {  	[sflag:s3] =	ssyncset.done $0x0  }
0x3b: {  	[sflag:s3] =	ssyncadd.s32 $0xFFFFFE00  }
0x3c: {  	[tilespmem:s6], [sflag:$0x1] =	stream.indirect.gather [hbm4b:s5+s6], $0x80, s2, s6, $0xb8;
	[tilespmem:$0x10200] =	vst v63  }
0x3d: {  	_ =	swait.ge [sflag:s7], $0x10000  }
0x3e: {  	s16 =	sshll.u32 s16, $0x4;
	[sflag:s7] =	ssyncset.done $0x0  }
0x3f: {  	s16 =	sadd.s32 s26, s16;
	[sflag:s7] =	ssyncadd.s32 $0xFFFF0000  }
0x40: {  	[hbm4b:s16+s2] =	stream.linear.scatter [tilespmem:s6], [sflag:$0x2], $0x10000, $0x38;
	[tilespmem:$0x10200] =	vst v63  }
0x41: {  	s18 =	sadd.s32 $0xA00, s25;
	_ =	swait.ge [sflag:s3], $0x10000  }
0x42: {  	s17 =	sshrl.u32 s18, $0x3;
	[sflag:s3] =	ssyncset.done $0x0  }
0x43: {  	s17 =	sadd.s32 s23, s17;
	[sflag:s3] =	ssyncadd.s32 $0xFFFF0000  }
0x44: {  	[tilespmem:s2], [sflag:$0x2] =	stream.linear.gather [hbm4b:s17+s2], $0x200, $0x38;
	[tilespmem:$0x10200] =	vst v63  }
0x45: {  	_ =	swait.ge [sflag:s3], $0x200  }
0x46: {  	[sflag:s3] =	ssyncset.done $0x0  }
0x47: {  	[sflag:s3] =	ssyncadd.s32 $0xFFFFFE00  }
0x48: {  	[tilespmem:s6], [sflag:$0x1] =	stream.indirect.gather [hbm4b:s5+s6], $0x80, s2, s6, $0xb8;
	[tilespmem:$0x10200] =	vst v63  }
0x49: {  	_ =	swait.ge [sflag:s7], $0x10000  }
0x4a: {  	s18 =	sshll.u32 s18, $0x4;
	[sflag:s7] =	ssyncset.done $0x0  }
0x4b: {  	s18 =	sadd.s32 s26, s18;
	[sflag:s7] =	ssyncadd.s32 $0xFFFF0000  }
0x4c: {  	[hbm4b:s18+s2] =	stream.linear.scatter [tilespmem:s6], [sflag:$0x2], $0x10000, $0x38;
	[tilespmem:$0x10200] =	vst v63  }
0x4d: {  	s20 =	sadd.s32 $0xC00, s25;
	_ =	swait.ge [sflag:s3], $0x10000  }
0x4e: {  	s19 =	sshrl.u32 s20, $0x3;
	[sflag:s3] =	ssyncset.done $0x0  }
0x4f: {  	s19 =	sadd.s32 s23, s19;
	[sflag:s3] =	ssyncadd.s32 $0xFFFF0000  }
0x50: {  	[tilespmem:s2], [sflag:$0x2] =	stream.linear.gather [hbm4b:s19+s2], $0x200, $0x38;
	[tilespmem:$0x10200] =	vst v63  }
0x51: {  	_ =	swait.ge [sflag:s3], $0x200  }
0x52: {  	[sflag:s3] =	ssyncset.done $0x0  }
0x53: {  	[sflag:s3] =	ssyncadd.s32 $0xFFFFFE00  }
0x54: {  	[tilespmem:s6], [sflag:$0x1] =	stream.indirect.gather [hbm4b:s5+s6], $0x80, s2, s6, $0xb8;
	[tilespmem:$0x10200] =	vst v63  }
0x55: {  	_ =	swait.ge [sflag:s7], $0x10000  }
0x56: {  	s20 =	sshll.u32 s20, $0x4;
	[sflag:s7] =	ssyncset.done $0x0  }
0x57: {  	s20 =	sadd.s32 s26, s20;
	[sflag:s7] =	ssyncadd.s32 $0xFFFF0000  }
0x58: {  	[hbm4b:s20+s2] =	stream.linear.scatter [tilespmem:s6], [sflag:$0x2], $0x10000, $0x38;
	[tilespmem:$0x10200] =	vst v63  }
0x59: {  	s22 =	sadd.s32 $0xE00, s25;
	_ =	swait.ge [sflag:s3], $0x10000  }
0x5a: {  	s21 =	sshrl.u32 s22, $0x3;
	[sflag:s3] =	ssyncset.done $0x0  }
0x5b: {  	s21 =	sadd.s32 s23, s21;
	[sflag:s3] =	ssyncadd.s32 $0xFFFF0000  }
0x5c: {  	[tilespmem:s2], [sflag:$0x2] =	stream.linear.gather [hbm4b:s21+s2], $0x200, $0x38;
	[tilespmem:$0x10200] =	vst v63  }
0x5d: {  	_ =	swait.ge [sflag:s3], $0x200  }
0x5e: {  	[sflag:s3] =	ssyncset.done $0x0  }
0x5f: {  	[sflag:s3] =	ssyncadd.s32 $0xFFFFFE00  }
0x60: {  	[tilespmem:s6], [sflag:$0x1] =	stream.indirect.gather [hbm4b:s5+s6], $0x80, s2, s6, $0xb8;
	[tilespmem:$0x10200] =	vst v63  }
0x61: {  	_ =	swait.ge [sflag:s7], $0x10000  }
0x62: {  	s22 =	sshll.u32 s22, $0x4;
	[sflag:s7] =	ssyncset.done $0x0  }
0x63: {  	s22 =	sadd.s32 s26, s22;
	[sflag:s7] =	ssyncadd.s32 $0xFFFF0000  }
0x64: {  	[hbm4b:s22+s2] =	stream.linear.scatter [tilespmem:s6], [sflag:$0x2], $0x10000, $0x38;
	[tilespmem:$0x10200] =	vst v63  }
0x65: {  	s25 =	sadd.s32 $0x1000, s25;
	_ =	swait.ge [sflag:s3], $0x10000  }
0x66: {  	s28 =	sshrl.u32 s25, $0x3;
	[sflag:s3] =	ssyncset.done $0x0  }
0x67: {  	s24 =	ssub.s32 $0x2, s24;
	s23 =	sadd.s32 s23, s28;
	[sflag:s3] =	ssyncadd.s32 $0xFFFF0000  }
0x68: {  	[tilespmem:s2], [sflag:$0x2] =	stream.linear.gather [hbm4b:s23+s2], $0x200, $0x38;
	[tilespmem:$0x10200] =	vst v63  }
0x69: {  	s29 =	sshrl.u32 s24, $0x1;
	_ =	swait.ge [sflag:s3], $0x200  }
0x6a: {  	s28 =	ssub.s32 s24, s29;
	[sflag:s3] =	ssyncset.done $0x0  }
0x6b: {  	s31 =	smax.u32 s28, $0x1;
	[sflag:s3] =	ssyncadd.s32 $0xFFFFFE00  }
0x6c: {  	[tilespmem:s6], [sflag:$0x1] =	stream.indirect.gather [hbm4b:s5+s6], $0x80, s2, s6, $0xb8;
	[tilespmem:$0x10200] =	vst v63  }
0x6d: {  	p0 =	sne.s32 s31, $0x1;
	_ =	swait.ge [sflag:s7], $0x10000  }
.Ltmp0:
0x6e: {  	s30 =	sshll.u32 s25, $0x4;
	[sflag:s7] =	ssyncset.done $0x0;
	(pc) =	sbr.rel @!p0 .LBB2_2-.Ltmp0, $4  }
0x6f: {  	s24 =	sadd.s32 s26, s30;
	[sflag:s7] =	ssyncadd.s32 $0xFFFF0000  }
0x70: {  	[hbm4b:s24+s2] =	stream.linear.scatter [tilespmem:s6], [sflag:$0x2], $0x10000, $0x38;
	[tilespmem:$0x10200] =	vst v63  }
0x71: {  	_ =	swait.ge [sflag:s3], $0x10000  }
0x72: {  	s25 =	sadd.s32 $0xFFFFFFFF, s31;
	[sflag:s3] =	ssyncset.done $0x0  }
.LBB2_1:
0x73: {  	p0 =	sne.s32 s25, $0x1;
	s25 =	sadd.s32 $0xFFFFFFFF, s25;
	[sflag:s3] =	ssyncadd.s32 $0xFFFF0000  }
0x74: {  	[tilespmem:s2], [sflag:$0x2] =	stream.linear.gather [hbm4b:s4+s2], $0x200, $0x38;
	[tilespmem:$0x10200] =	vst v63  }
0x75: {  	_ =	swait.ge [sflag:s3], $0x200  }
0x76: {  	[sflag:s3] =	ssyncset.done $0x0  }
0x77: {  	[sflag:s3] =	ssyncadd.s32 $0xFFFFFE00  }
0x78: {  	[tilespmem:s6], [sflag:$0x1] =	stream.indirect.gather [hbm4b:s5+s6], $0x80, s2, s6, $0xb8;
	[tilespmem:$0x10200] =	vst v63  }
0x79: {  	_ =	swait.ge [sflag:s7], $0x10000  }
0x7a: {  	[sflag:s7] =	ssyncset.done $0x0  }
0x7b: {  	[sflag:s7] =	ssyncadd.s32 $0xFFFF0000  }
0x7c: {  	[hbm4b:s8+s2] =	stream.linear.scatter [tilespmem:s6], [sflag:$0x2], $0x10000, $0x38;
	[tilespmem:$0x10200] =	vst v63  }
0x7d: {  	_ =	swait.ge [sflag:s3], $0x10000  }
0x7e: {  	[sflag:s3] =	ssyncset.done $0x0  }
0x7f: {  	[sflag:s3] =	ssyncadd.s32 $0xFFFF0000  }
0x80: {  	[tilespmem:s2], [sflag:$0x2] =	stream.linear.gather [hbm4b:s9+s2], $0x200, $0x38;
	[tilespmem:$0x10200] =	vst v63  }
0x81: {  	_ =	swait.ge [sflag:s3], $0x200  }
0x82: {  	[sflag:s3] =	ssyncset.done $0x0  }
0x83: {  	[sflag:s3] =	ssyncadd.s32 $0xFFFFFE00  }
0x84: {  	[tilespmem:s6], [sflag:$0x1] =	stream.indirect.gather [hbm4b:s5+s6], $0x80, s2, s6, $0xb8;
	[tilespmem:$0x10200] =	vst v63  }
0x85: {  	_ =	swait.ge [sflag:s7], $0x10000  }
0x86: {  	[sflag:s7] =	ssyncset.done $0x0  }
0x87: {  	[sflag:s7] =	ssyncadd.s32 $0xFFFF0000  }
0x88: {  	[hbm4b:s10+s2] =	stream.linear.scatter [tilespmem:s6], [sflag:$0x2], $0x10000, $0x38;
	[tilespmem:$0x10200] =	vst v63  }
0x89: {  	_ =	swait.ge [sflag:s3], $0x10000  }
0x8a: {  	[sflag:s3] =	ssyncset.done $0x0  }
0x8b: {  	[sflag:s3] =	ssyncadd.s32 $0xFFFF0000  }
0x8c: {  	[tilespmem:s2], [sflag:$0x2] =	stream.linear.gather [hbm4b:s11+s2], $0x200, $0x38;
	[tilespmem:$0x10200] =	vst v63  }
0x8d: {  	_ =	swait.ge [sflag:s3], $0x200  }
0x8e: {  	[sflag:s3] =	ssyncset.done $0x0  }
0x8f: {  	[sflag:s3] =	ssyncadd.s32 $0xFFFFFE00  }
0x90: {  	[tilespmem:s6], [sflag:$0x1] =	stream.indirect.gather [hbm4b:s5+s6], $0x80, s2, s6, $0xb8;
	[tilespmem:$0x10200] =	vst v63  }
0x91: {  	_ =	swait.ge [sflag:s7], $0x10000  }
0x92: {  	[sflag:s7] =	ssyncset.done $0x0  }
0x93: {  	[sflag:s7] =	ssyncadd.s32 $0xFFFF0000  }
0x94: {  	[hbm4b:s12+s2] =	stream.linear.scatter [tilespmem:s6], [sflag:$0x2], $0x10000, $0x38;
	[tilespmem:$0x10200] =	vst v63  }
0x95: {  	_ =	swait.ge [sflag:s3], $0x10000  }
0x96: {  	[sflag:s3] =	ssyncset.done $0x0  }
0x97: {  	[sflag:s3] =	ssyncadd.s32 $0xFFFF0000  }
0x98: {  	[tilespmem:s2], [sflag:$0x2] =	stream.linear.gather [hbm4b:s13+s2], $0x200, $0x38;
	[tilespmem:$0x10200] =	vst v63  }
0x99: {  	_ =	swait.ge [sflag:s3], $0x200  }
0x9a: {  	[sflag:s3] =	ssyncset.done $0x0  }
0x9b: {  	[sflag:s3] =	ssyncadd.s32 $0xFFFFFE00  }
0x9c: {  	[tilespmem:s6], [sflag:$0x1] =	stream.indirect.gather [hbm4b:s5+s6], $0x80, s2, s6, $0xb8;
	[tilespmem:$0x10200] =	vst v63  }
0x9d: {  	_ =	swait.ge [sflag:s7], $0x10000  }
0x9e: {  	[sflag:s7] =	ssyncset.done $0x0  }
0x9f: {  	[sflag:s7] =	ssyncadd.s32 $0xFFFF0000  }
0xa0: {  	[hbm4b:s14+s2] =	stream.linear.scatter [tilespmem:s6], [sflag:$0x2], $0x10000, $0x38;
	[tilespmem:$0x10200] =	vst v63  }
0xa1: {  	_ =	swait.ge [sflag:s3], $0x10000  }
0xa2: {  	[sflag:s3] =	ssyncset.done $0x0  }
0xa3: {  	[sflag:s3] =	ssyncadd.s32 $0xFFFF0000  }
0xa4: {  	[tilespmem:s2], [sflag:$0x2] =	stream.linear.gather [hbm4b:s15+s2], $0x200, $0x38;
	[tilespmem:$0x10200] =	vst v63  }
0xa5: {  	_ =	swait.ge [sflag:s3], $0x200  }
0xa6: {  	[sflag:s3] =	ssyncset.done $0x0  }
0xa7: {  	[sflag:s3] =	ssyncadd.s32 $0xFFFFFE00  }
0xa8: {  	[tilespmem:s6], [sflag:$0x1] =	stream.indirect.gather [hbm4b:s5+s6], $0x80, s2, s6, $0xb8;
	[tilespmem:$0x10200] =	vst v63  }
0xa9: {  	_ =	swait.ge [sflag:s7], $0x10000  }
0xaa: {  	[sflag:s7] =	ssyncset.done $0x0  }
0xab: {  	[sflag:s7] =	ssyncadd.s32 $0xFFFF0000  }
0xac: {  	[hbm4b:s16+s2] =	stream.linear.scatter [tilespmem:s6], [sflag:$0x2], $0x10000, $0x38;
	[tilespmem:$0x10200] =	vst v63  }
0xad: {  	_ =	swait.ge [sflag:s3], $0x10000  }
0xae: {  	[sflag:s3] =	ssyncset.done $0x0  }
0xaf: {  	[sflag:s3] =	ssyncadd.s32 $0xFFFF0000  }
0xb0: {  	[tilespmem:s2], [sflag:$0x2] =	stream.linear.gather [hbm4b:s17+s2], $0x200, $0x38;
	[tilespmem:$0x10200] =	vst v63  }
0xb1: {  	_ =	swait.ge [sflag:s3], $0x200  }
0xb2: {  	[sflag:s3] =	ssyncset.done $0x0  }
0xb3: {  	[sflag:s3] =	ssyncadd.s32 $0xFFFFFE00  }
0xb4: {  	[tilespmem:s6], [sflag:$0x1] =	stream.indirect.gather [hbm4b:s5+s6], $0x80, s2, s6, $0xb8;
	[tilespmem:$0x10200] =	vst v63  }
0xb5: {  	_ =	swait.ge [sflag:s7], $0x10000  }
0xb6: {  	[sflag:s7] =	ssyncset.done $0x0  }
0xb7: {  	[sflag:s7] =	ssyncadd.s32 $0xFFFF0000  }
0xb8: {  	[hbm4b:s18+s2] =	stream.linear.scatter [tilespmem:s6], [sflag:$0x2], $0x10000, $0x38;
	[tilespmem:$0x10200] =	vst v63  }
0xb9: {  	_ =	swait.ge [sflag:s3], $0x10000  }
0xba: {  	[sflag:s3] =	ssyncset.done $0x0  }
0xbb: {  	[sflag:s3] =	ssyncadd.s32 $0xFFFF0000  }
0xbc: {  	[tilespmem:s2], [sflag:$0x2] =	stream.linear.gather [hbm4b:s19+s2], $0x200, $0x38;
	[tilespmem:$0x10200] =	vst v63  }
0xbd: {  	_ =	swait.ge [sflag:s3], $0x200  }
0xbe: {  	[sflag:s3] =	ssyncset.done $0x0  }
0xbf: {  	[sflag:s3] =	ssyncadd.s32 $0xFFFFFE00  }
0xc0: {  	[tilespmem:s6], [sflag:$0x1] =	stream.indirect.gather [hbm4b:s5+s6], $0x80, s2, s6, $0xb8;
	[tilespmem:$0x10200] =	vst v63  }
0xc1: {  	_ =	swait.ge [sflag:s7], $0x10000  }
0xc2: {  	[sflag:s7] =	ssyncset.done $0x0  }
0xc3: {  	[sflag:s7] =	ssyncadd.s32 $0xFFFF0000  }
0xc4: {  	[hbm4b:s20+s2] =	stream.linear.scatter [tilespmem:s6], [sflag:$0x2], $0x10000, $0x38;
	[tilespmem:$0x10200] =	vst v63  }
0xc5: {  	_ =	swait.ge [sflag:s3], $0x10000  }
0xc6: {  	[sflag:s3] =	ssyncset.done $0x0  }
0xc7: {  	[sflag:s3] =	ssyncadd.s32 $0xFFFF0000  }
0xc8: {  	[tilespmem:s2], [sflag:$0x2] =	stream.linear.gather [hbm4b:s21+s2], $0x200, $0x38;
	[tilespmem:$0x10200] =	vst v63  }
0xc9: {  	_ =	swait.ge [sflag:s3], $0x200  }
0xca: {  	[sflag:s3] =	ssyncset.done $0x0  }
0xcb: {  	[sflag:s3] =	ssyncadd.s32 $0xFFFFFE00  }
0xcc: {  	[tilespmem:s6], [sflag:$0x1] =	stream.indirect.gather [hbm4b:s5+s6], $0x80, s2, s6, $0xb8;
	[tilespmem:$0x10200] =	vst v63  }
0xcd: {  	_ =	swait.ge [sflag:s7], $0x10000  }
0xce: {  	[sflag:s7] =	ssyncset.done $0x0  }
0xcf: {  	[sflag:s7] =	ssyncadd.s32 $0xFFFF0000  }
0xd0: {  	[hbm4b:s22+s2] =	stream.linear.scatter [tilespmem:s6], [sflag:$0x2], $0x10000, $0x38;
	[tilespmem:$0x10200] =	vst v63  }
0xd1: {  	_ =	swait.ge [sflag:s3], $0x10000  }
0xd2: {  	[sflag:s3] =	ssyncset.done $0x0  }
0xd3: {  	[sflag:s3] =	ssyncadd.s32 $0xFFFF0000  }
0xd4: {  	[tilespmem:s2], [sflag:$0x2] =	stream.linear.gather [hbm4b:s23+s2], $0x200, $0x38;
	[tilespmem:$0x10200] =	vst v63  }
0xd5: {  	_ =	swait.ge [sflag:s3], $0x200  }
0xd6: {  	[sflag:s3] =	ssyncset.done $0x0  }
0xd7: {  	[sflag:s3] =	ssyncadd.s32 $0xFFFFFE00  }
0xd8: {  	[tilespmem:s6], [sflag:$0x1] =	stream.indirect.gather [hbm4b:s5+s6], $0x80, s2, s6, $0xb8;
	[tilespmem:$0x10200] =	vst v63  }
0xd9: {  	_ =	swait.ge [sflag:s7], $0x10000  }
.Ltmp1:
0xda: {  	[sflag:s7] =	ssyncset.done $0x0;
	(pc) =	sbr.rel @p0 .LBB2_1-.Ltmp1, $4  }
0xdb: {  	[sflag:s7] =	ssyncadd.s32 $0xFFFF0000  }
0xdc: {  	[hbm4b:s24+s2] =	stream.linear.scatter [tilespmem:s6], [sflag:$0x2], $0x10000, $0x38;
	[tilespmem:$0x10200] =	vst v63  }
0xdd: {  	_ =	swait.ge [sflag:s3], $0x10000  }
0xde: {  	[sflag:s3] =	ssyncset.done $0x0  }
.LBB2_2:
0xdf: {  	[sflag:s3] =	ssyncadd.s32 $0xFFFF0000  }
0xe0: {  	_ =	sfence.sel $0x180000  }
0xe1: {  	[bflag:$0x0] =	sbarrier.arrive $0xFFFF  }
0xe2: {  	p0 =	sne.s32 s0, $0x0;
	_ =	strace $0x90000047  }
0xe3: {  	s0 =	sadd.s32 @!p0 $0x100000, s1;
	[bflag:$0x2] =	sbarrier.arrive $0xFFFF  }
0xe4: {  	[sflag:s0] =	ssyncadd.tile.s32 @!p0 $0x1;
	_ =	shalt  }
.Lfunc_end2:
_tile_overlayer_lowered:
.L_overlay_start_2:
0xe5: {  	(tag) =	ssettag $0x2  }
0xe6: {  	s0 =	rddreg [dreg:$0x0];
	s2 =	stileid.u32  }
0xe7: {  	s1 =	rddreg [dreg:$0x1];
	p0 =	sne.s32 s2, $0x0  }
0xe8: {  	s3 =	rddreg [dreg:$0x2];
	[bflag:$0x3] =	sbarrier.arrive $0xFFFF;
	s2 =	simm.s32 @!p0 $0x1C02  }
0xe9: {  	[timem:s3], [sflag:s2] =	dma.local @!p0 [hbm:s0], s1  }
0xea: {  	s0 =	simm.s32 @!p0 $0x2  }
0xeb: {  	_ =	swait.ge @!p0 [sflag:s0], s1  }
0xec: {  	s1 =	ssub.s32 @!p0 $0x0, s1;
	[sflag:s0] =	ssyncset.done @!p0 $0x0  }
0xed: {  	[sflag:s0] =	ssyncadd.s32 @!p0 s1  }
0xee: {  	[bflag:$0x3] =	sbarrier.arrive $0xFFFF  }
0xef: {  	_ =	shalt  }

// kernel: kernel.13.cloned.1.call-start
scs
__scs_entry_jumppad:
0x0: {  	(pc) =	sbr.rel $0x88, $3  }
0x1: {  	(tag) =	ssettag $0x0;
	lr =	simm.s32 $0x1  }
0x2: {  	[smem:$0x3F8F] =	sst lr;
	_ =	strace $0xD0000000  }
0x3: {  	_ = 	snop  }
0x4: {  	_ = 	snop  }
0x5: {  	_ = 	snop  }
0x6: {  	_ = 	snop  }
0x7: {  	_ = 	snop  }
__scs_overlays_trampoline_lowered:
0x8: {  	[smem:$0x3F9E] =	sst s0  }
0x9: {  	[smem:$0x3F9F] =	sst s1  }
0xa: {  	[smem:$0x3FA0] =	sst s2  }
0xb: {  	[smem:$0x3FA1] =	sst s3  }
0xc: {  	[smem:$0x3FA2] =	sst s4  }
0xd: {  	[smem:$0x3FA3] =	sst s5  }
0xe: {  	[smem:$0x3FA4] =	sst s6  }
0xf: {  	[smem:$0x3FA5] =	sst s7  }
0x10: {  	[smem:$0x3FA6] =	sst s8  }
0x11: {  	[smem:$0x3FA7] =	sst s9;
	s0 =	simm.s32 @!p0 $0x0  }
0x12: {  	s1 =	sld [smem:$0x3F8D];
	s0 =	simm.s32 @p0 $0x1  }
0x13: {  	[smem:$0x3FA8] =	sst s0;
	s0 =	simm.s32 @!p1 $0x0  }
0x14: {  	s2 =	sld [smem:$0x3F8C];
	s0 =	simm.s32 @p1 $0x1  }
0x15: {  	[smem:$0x3FA9] =	sst s0;
	s0 =	simm.s32 @!p2 $0x0  }
0x16: {  	s3 =	sld [smem:$0x3FDB];
	s0 =	simm.s32 @p2 $0x1  }
0x17: {  	s4 =	simm.s32 $0x1BF5;
	[smem:$0x3FAB] =	sst s0  }
0x18: {  	s0 =	sld [smem:$0x3F8E];
	_ =	swait.ge [sflag:s4], $0x0  }
0x19: {  	s7 =	sld [smem:$0x3F8F]  }
0x1a: {  	s8 =	sadd.s32 $0xFFFFE003, lr  }
0x1b: {  	s9 =	sadd.s32 $0xFFFFFEF7, lr;
	s5 =	simm.s32 $0xFFFFFFFF;
	p2 =	slt.u32 s8, $0xFFFFF086  }
0x1c: {  	p1 =	slt.u32 s9, $0xF7A;
	s5 =	simm.s32 @!p2 $0x0  }
0x1d: {  	s5 =	simm.s32 @p1 $0x1;
	p0 =	seq.s32 s7, s2  }
0x1e: {  	s7 =	smul.u32 @!p0 $0xF7A, s2;
	p2 =	seq.s32 @!p0 s5, $0x0  }
0x1f: {  	s9 =	smul.u32 $0xF7A, s1;
	s8 =	simm.s32 @!p0 $0x1BF5;
	p2 =	por !p2, p0  }
0x20: {  	[sflag:s8] =	ssyncset.s32 @!p0 $0xFFFFF086;
	s6 =	sadd.s32 @!p0 s3, s7;
	s7 =	simm.s32 @!p0 $0x108  }
0x21: {  	s3 =	sadd.s32 s3, s9;
	s6 =	sadd.s32 @!p0 $0x88, s6;
	s7 =	simm.s32 @p2 $0x1082  }
0x22: {  	[simem:s7], [sflag:s8] =	dma.local @!p0 [hbm:s6], $0xF7A  }
0x23: {  	s9 =	sor.u32 $0xD0000000, s2;
	s6 =	simm.s32 $0x108;
	_ =	swait.ge @!p0 [sflag:s8], $0x0  }
0x24: {  	s3 =	sadd.s32 $0x88, s3;
	s6 =	simm.s32 @!p1 $0x1082;
	[sflag:s4] =	ssyncset.s32 $0xFFFFF086  }
0x25: {  	[simem:s6], [sflag:s4] =	dma.local [hbm:s3], $0xF7A  }
0x26: {  	[smem:$0x3F8F] =	sst s1;
	(tag) =	ssettag s2;
	_ =	strace s9  }
0x27: {  	s1 =	sld [smem:$0x3F9F]  }
0x28: {  	s2 =	sld [smem:$0x3FA0]  }
0x29: {  	s4 =	sld [smem:$0x3FA2]  }
0x2a: {  	p0 =	seq.s32 s5, $0x0;
	s5 =	sld [smem:$0x3FA3]  }
0x2b: {  	s6 =	sld [smem:$0x3FA4]  }
0x2c: {  	s7 =	sld [smem:$0x3FA5]  }
0x2d: {  	s3 =	simm.s32 $0x108;
	s8 =	sld [smem:$0x3FA6]  }
0x2e: {  	s3 =	simm.s32 @!p0 $0x1082;
	s9 =	sld [smem:$0x3FA7]  }
0x2f: {  	lr =	sadd.s32 s0, s3;
	s0 =	sld [smem:$0x3F9E]  }
0x30: {  	s3 =	sld [smem:$0x3FA1]  }
0x31: {  	[smem:$0x3FAA] =	sst s10  }
0x32: {  	s10 =	sld [smem:$0x3FA8];
	_ =	sdelay $0x3  }
0x33: {  	p0 =	seq.s32 s10, $0x1;
	s10 =	sld [smem:$0x3FAA];
	_ =	sdelay $0x3  }
0x34: {  	[smem:$0x3FAA] =	sst s10  }
0x35: {  	s10 =	sld [smem:$0x3FA9];
	_ =	sdelay $0x3  }
0x36: {  	p1 =	seq.s32 s10, $0x1;
	s10 =	sld [smem:$0x3FAA];
	_ =	sdelay $0x3  }
0x37: {  	[smem:$0x3FAA] =	sst s10  }
0x38: {  	s10 =	sld [smem:$0x3FAB]  }
0x39: {  	_ = 	snop;
	(pc) =	sbr.ind lr, $3  }
0x3a: {  	_ = 	snop  }
0x3b: {  	_ = 	snop  }
0x3c: {  	p2 =	seq.s32 s10, $0x1;
	s10 =	sld [smem:$0x3FAA]  }
0x3d: {  	_ =	shalt  }
0x3e: {  	_ =	shalt  }
0x3f: {  	_ =	shalt  }
0x40: {  	_ =	shalt  }
0x41: {  	_ =	shalt  }
0x42: {  	_ =	shalt  }
0x43: {  	_ =	shalt  }
0x44: {  	_ =	shalt  }
0x45: {  	_ =	shalt  }
0x46: {  	_ =	shalt  }
0x47: {  	_ =	shalt  }
0x48: {  	_ =	shalt  }
0x49: {  	_ =	shalt  }
0x4a: {  	_ =	shalt  }
0x4b: {  	_ =	shalt  }
0x4c: {  	_ =	shalt  }
0x4d: {  	_ =	shalt  }
0x4e: {  	_ =	shalt  }
0x4f: {  	_ =	shalt  }
0x50: {  	_ =	shalt  }
0x51: {  	_ =	shalt  }
0x52: {  	_ =	shalt  }
0x53: {  	_ =	shalt  }
0x54: {  	_ =	shalt  }
0x55: {  	_ =	shalt  }
0x56: {  	_ =	shalt  }
0x57: {  	_ =	shalt  }
0x58: {  	_ =	shalt  }
0x59: {  	_ =	shalt  }
0x5a: {  	_ =	shalt  }
0x5b: {  	_ =	shalt  }
0x5c: {  	_ =	shalt  }
0x5d: {  	_ =	shalt  }
0x5e: {  	_ =	shalt  }
0x5f: {  	_ =	shalt  }
0x60: {  	_ =	shalt  }
0x61: {  	_ =	shalt  }
0x62: {  	_ =	shalt  }
0x63: {  	_ =	shalt  }
0x64: {  	_ =	shalt  }
0x65: {  	_ =	shalt  }
0x66: {  	_ =	shalt  }
0x67: {  	_ =	shalt  }
0x68: {  	_ =	shalt  }
0x69: {  	_ =	shalt  }
0x6a: {  	_ =	shalt  }
0x6b: {  	_ =	shalt  }
0x6c: {  	_ =	shalt  }
0x6d: {  	_ =	shalt  }
0x6e: {  	_ =	shalt  }
0x6f: {  	_ =	shalt  }
0x70: {  	_ =	shalt  }
0x71: {  	_ =	shalt  }
0x72: {  	_ =	shalt  }
0x73: {  	_ =	shalt  }
0x74: {  	_ =	shalt  }
0x75: {  	_ =	shalt  }
0x76: {  	_ =	shalt  }
0x77: {  	_ =	shalt  }
0x78: {  	_ =	shalt  }
0x79: {  	_ =	shalt  }
0x7a: {  	_ =	shalt  }
0x7b: {  	_ =	shalt  }
0x7c: {  	_ =	shalt  }
0x7d: {  	_ =	shalt  }
0x7e: {  	_ =	shalt  }
0x7f: {  	_ =	shalt  }
0x80: {  	_ =	shalt  }
0x81: {  	_ =	shalt  }
0x82: {  	_ =	shalt  }
0x83: {  	_ =	shalt  }
0x84: {  	_ =	shalt  }
0x85: {  	_ =	shalt  }
0x86: {  	_ =	shalt  }
0x87: {  	_ =	shalt  }
.Lfunc_end0:
.L_simem_size_0:
called_computation.1_lowered:
.L_overlay_start_0:
0x88: {  	s2 =	sld [smem:$0x3FD9]  }
0x89: {  	s3 =	sld [smem:$0x3FFE];
	_ =	sdelay $0x1  }
0x8a: {  	s1 =	srdreg.scid  }
0x8b: {  	s0 =	sand.u32 $0x1, s1  }
0x8c: {  	s14 =	sshll.u32 s0, $0xA;
	s2 =	sadd.s32 s3, s2  }
0x8d: {  	s2 =	sadd.s32 s2, s14  }
0x8e: {  	[smem:$0x3FB6] =	sst s2  }
0x8f: {  	_ = 	snop  }
0x90: {  	s2 =	sld [smem:$0x3FD0];
	_ =	sdelay $0x2  }
0x91: {  	s15 =	simm.s32 $0xA;
	s4 =	simm.s32 $0x10  }
0x92: {  	[smem:s4], [sflag:s15] =	dma.local [hbm:s2], $0x1  }
0x93: {  	_ =	swait.eq [sflag:s15], $0x1  }
0x94: {  	[sflag:s15] =	ssyncset.done $0x0  }
0x95: {  	[sflag:s15] =	ssyncadd.s32 $0xFFFFFFFF  }
0x96: {  	s16 =	sld [smem:$0x10];
	(tm) =	ssettm $0x1  }
0x97: {  	s17 =	sld [smem:$0x3FFB];
	_ =	sdelay $0x3  }
0x98: {  	_ =	strace s17  }
0x99: {  	s3 =	sld [smem:$0x3FFC];
	_ =	sdelay $0x3  }
0x9a: {  	_ =	strace s3  }
0x9b: {  	s3 =	sld [smem:$0x3FFD];
	_ =	sdelay $0x3  }
0x9c: {  	_ =	strace s3  }
0x9d: {  	_ =	strace $0x8FFFFFFF  }
0x9e: {  	s18 =	sld [smem:$0x3FDB];
	_ =	sdelay $0x1  }
0x9f: {  	s19 =	simm.s32 $_scs_section_size  }
0xa0: {  	s5 =	simm.s32 $_size__tile_overlayer_lowered;
	s6 =	simm.s32 $_tile_overlayer_lowered  }
0xa1: {  	s22 =	simm.s32 $0x1BFF;
	s21 =	sshll.u32 s6, $0x1;
	s3 =	sadd.s32 s19, s18  }
0xa2: {  	s7 =	simm.s32 $0x0;
	s20 =	sshll.u32 s5, $0x1;
	s5 =	sadd.s32 s21, s3  }
0xa3: {  	[timem:s7], [sflag:s22] =	dma.local [hbm:s5], s20  }
0xa4: {  	_ =	swait.ge [sflag:s22], s20  }
0xa5: {  	s4 =	ssub.s32 $0x0, s20;
	[sflag:s22] =	ssyncset.done $0x0  }
0xa6: {  	[sflag:s22] =	ssyncadd.s32 s4;
	_ =	sdelay $0x1  }
0xa7: {  	s23 =	simm.s32 $0x1B8B  }
0xa8: {  	_ =	swait.ge [sflag:s23], $0x1  }
0xa9: {  	[sflag:s23] =	ssyncset.done $0x0  }
0xaa: {  	s25 =	simm.s32 $0x1B8E;
	s24 =	sld [smem:$0x3FFE];
	[sflag:s23] =	ssyncadd.s32 $0xFFFFFFFF  }
0xab: {  	s26 =	simm.s32 $execute0_lowered;
	[smem:$0x3FD2] =	sst s25  }
0xac: {  	s5 =	sshll.u32 s26, $0x1;
	_ =	strace $0x80000049;
	[dreg:$0x1] =	wrdreg $0xFFFFFFFF  }
0xad: {  	s28 =	simm.s32 $_size_execute0_lowered;
	s3 =	sadd.s32 s3, s5;
	[dreg:$0x0] =	wrdreg $0x0  }
0xae: {  	s5 =	sshll.u32 s28, $0x1;
	[dreg:$0x2] =	wrdreg s3  }
0xaf: {  	[dreg:$0x3] =	wrdreg s5  }
0xb0: {  	[dreg:$0x4] =	wrdreg $0xC0  }
0xb1: {  	_ =	task [dreg:s7], $0x5FFFF  }
0xb2: {  	[dreg:$0x1] =	wrdreg $0xFFFFFFFF  }
0xb3: {  	[dreg:$0x0] =	wrdreg $0x60  }
0xb4: {  	[dreg:$0x2] =	wrdreg s24  }
0xb5: {  	[dreg:$0x3] =	wrdreg s16  }
0xb6: {  	[dreg:$0x4] =	wrdreg $0x9  }
0xb7: {  	_ =	task.clear_ibuf [dreg:s7], $0x5FFFF;
	_ =	strace $0x90000049  }
0xb8: {  	s29 =	simm.s32 $0x9;
	_ =	strace $0x8000004B  }
0xb9: {  	_ =	swait.ge [sflag:s29], $0x1  }
0xba: {  	[sflag:s29] =	ssyncadd.s32 $0xFFFFFFFF  }
0xbb: {  	_ =	strace $0x9000004B  }
0xbc: {  	_ =	sfence  }
0xbd: {  	s30 =	sld [smem:$0x0];
	_ =	sdelay $0x2  }
0xbe: {  	s31 =	sshll.u32 s1, $0xD;
	s1 =	sshrl.u32 s1, $0x2  }
0xbf: {  	s3 =	sand.u32 $0x4000, s31;
	s1 =	sadd.s32 s1, s30  }
0xc0: {  	s0 =	sor.u32 s3, s0;
	s1 =	sshll.u32 s1, $0x11  }
0xc1: {  	s0 =	sor.u32 s1, s0  }
0xc2: {  	s0 =	sadd.s32 $0x8F2B, s0  }
0xc3: {  	[sflag:s0] =	ssyncadd.remote.s32 $0x1  }
0xc4: {  	_ =	sfence.sel $0xFFFF  }
0xc5: {  	[dreg:$0x0] =	wrdreg $0xFFFFFFFF;
	(pc) =	sbr.abs _section_cstart, $3  }
0xc6: {  	[dreg:$0x1] =	wrdreg $0xFFFFFFFF  }
0xc7: {  	_ =	task.clear_ibuf [dreg:s7], $0x2FFFF;
	_ =	strace $0x9FFFFFFF  }
0xc8: {  	(tm) =	ssettm $0x7FFFFFFF  }
0xc9: {  	_ =	shalt  }
tec
execute0_lowered:
.L_overlay_start_1:
0x0: {  	(tag) =	ssettag $0x1  }
0x1: {  	s1 =	srdreg.scid;
	s0 =	stileid.u32  }
0x2: {  	s24 =	sand.u32 $0x1, s1;
	s26 =	sshll.u32 s0, $0x1  }
0x3: {  	s8 =	rddreg [dreg:$0x0];
	s9 =	sor.u32 s24, s26  }
0x4: {  	s23 =	rddreg [dreg:$0x1];
	s25 =	smul.u32 $0x1200, s9  }
0x5: {  	s2 =	simm.s32 $0x0;
	s1 =	rddreg [dreg:$0x2]  }
0x6: {  	[smem:$0x7FF] =	sst s2;
	s3 =	sshrl.u32 s25, $0x3  }
0x7: {  	_ =	strace $0x8000004A;
	s4 =	sadd.s32 s23, s3;
	s3 =	simm.s32 $0x2  }
0x8: {  	[tilespmem:s2], [sflag:$0x2] =	stream.linear.gather [hbm4b:s4+s2], $0x200, $0x38;
	[tilespmem:$0x10200] =	vst v63  }
0x9: {  	_ =	swait.ge [sflag:s3], $0x200  }
0xa: {  	s6 =	simm.s32 $0x200;
	[sflag:s3] =	ssyncset.done $0x0  }
0xb: {  	s7 =	simm.s32 $0x1;
	s5 =	sadd.s32 $0x4200, s8;
	[sflag:s3] =	ssyncadd.s32 $0xFFFFFE00  }
0xc: {  	[tilespmem:s6], [sflag:$0x1] =	stream.indirect.gather [hbm4b:s5+s6], $0x80, s2, s6, $0xb8;
	[tilespmem:$0x10200] =	vst v63  }
0xd: {  	s9 =	smul.u32 $0x12000, s9;
	_ =	swait.ge [sflag:s7], $0x10000  }
0xe: {  	s26 =	sadd.s32 $0x84200, s8;
	[sflag:s7] =	ssyncset.done $0x0  }
0xf: {  	s8 =	sadd.s32 s26, s9;
	[sflag:s7] =	ssyncadd.s32 $0xFFFF0000  }
0x10: {  	[hbm4b:s8+s2] =	stream.linear.scatter [tilespmem:s6], [sflag:$0x2], $0x10000, $0x38;
	[tilespmem:$0x10200] =	vst v63  }
0x11: {  	s10 =	sadd.s32 $0x200, s25;
	_ =	swait.ge [sflag:s3], $0x10000  }
0x12: {  	s28 =	sshrl.u32 s10, $0x3;
	[sflag:s3] =	ssyncset.done $0x0  }
0x13: {  	s9 =	sadd.s32 s23, s28;
	[sflag:s3] =	ssyncadd.s32 $0xFFFF0000  }
0x14: {  	[tilespmem:s2], [sflag:$0x2] =	stream.linear.gather [hbm4b:s9+s2], $0x200, $0x38;
	[tilespmem:$0x10200] =	vst v63  }
0x15: {  	_ =	swait.ge [sflag:s3], $0x200  }
0x16: {  	[sflag:s3] =	ssyncset.done $0x0  }
0x17: {  	[sflag:s3] =	ssyncadd.s32 $0xFFFFFE00  }
0x18: {  	[tilespmem:s6], [sflag:$0x1] =	stream.indirect.gather [hbm4b:s5+s6], $0x80, s2, s6, $0xb8;
	[tilespmem:$0x10200] =	vst v63  }
0x19: {  	_ =	swait.ge [sflag:s7], $0x10000  }
0x1a: {  	s10 =	sshll.u32 s10, $0x4;
	[sflag:s7] =	ssyncset.done $0x0  }
0x1b: {  	s10 =	sadd.s32 s26, s10;
	[sflag:s7] =	ssyncadd.s32 $0xFFFF0000  }
0x1c: {  	[hbm4b:s10+s2] =	stream.linear.scatter [tilespmem:s6], [sflag:$0x2], $0x10000, $0x38;
	[tilespmem:$0x10200] =	vst v63  }
0x1d: {  	s12 =	sadd.s32 $0x400, s25;
	_ =	swait.ge [sflag:s3], $0x10000  }
0x1e: {  	s11 =	sshrl.u32 s12, $0x3;
	[sflag:s3] =	ssyncset.done $0x0  }
0x1f: {  	s11 =	sadd.s32 s23, s11;
	[sflag:s3] =	ssyncadd.s32 $0xFFFF0000  }
0x20: {  	[tilespmem:s2], [sflag:$0x2] =	stream.linear.gather [hbm4b:s11+s2], $0x200, $0x38;
	[tilespmem:$0x10200] =	vst v63  }
0x21: {  	_ =	swait.ge [sflag:s3], $0x200  }
0x22: {  	[sflag:s3] =	ssyncset.done $0x0  }
0x23: {  	[sflag:s3] =	ssyncadd.s32 $0xFFFFFE00  }
0x24: {  	[tilespmem:s6], [sflag:$0x1] =	stream.indirect.gather [hbm4b:s5+s6], $0x80, s2, s6, $0xb8;
	[tilespmem:$0x10200] =	vst v63  }
0x25: {  	_ =	swait.ge [sflag:s7], $0x10000  }
0x26: {  	s12 =	sshll.u32 s12, $0x4;
	[sflag:s7] =	ssyncset.done $0x0  }
0x27: {  	s12 =	sadd.s32 s26, s12;
	[sflag:s7] =	ssyncadd.s32 $0xFFFF0000  }
0x28: {  	[hbm4b:s12+s2] =	stream.linear.scatter [tilespmem:s6], [sflag:$0x2], $0x10000, $0x38;
	[tilespmem:$0x10200] =	vst v63  }
0x29: {  	s14 =	sadd.s32 $0x600, s25;
	_ =	swait.ge [sflag:s3], $0x10000  }
0x2a: {  	s13 =	sshrl.u32 s14, $0x3;
	[sflag:s3] =	ssyncset.done $0x0  }
0x2b: {  	s13 =	sadd.s32 s23, s13;
	[sflag:s3] =	ssyncadd.s32 $0xFFFF0000  }
0x2c: {  	[tilespmem:s2], [sflag:$0x2] =	stream.linear.gather [hbm4b:s13+s2], $0x200, $0x38;
	[tilespmem:$0x10200] =	vst v63  }
0x2d: {  	_ =	swait.ge [sflag:s3], $0x200  }
0x2e: {  	[sflag:s3] =	ssyncset.done $0x0  }
0x2f: {  	[sflag:s3] =	ssyncadd.s32 $0xFFFFFE00  }
0x30: {  	[tilespmem:s6], [sflag:$0x1] =	stream.indirect.gather [hbm4b:s5+s6], $0x80, s2, s6, $0xb8;
	[tilespmem:$0x10200] =	vst v63  }
0x31: {  	_ =	swait.ge [sflag:s7], $0x10000  }
0x32: {  	s14 =	sshll.u32 s14, $0x4;
	[sflag:s7] =	ssyncset.done $0x0  }
0x33: {  	s14 =	sadd.s32 s26, s14;
	[sflag:s7] =	ssyncadd.s32 $0xFFFF0000  }
0x34: {  	[hbm4b:s14+s2] =	stream.linear.scatter [tilespmem:s6], [sflag:$0x2], $0x10000, $0x38;
	[tilespmem:$0x10200] =	vst v63  }
0x35: {  	s16 =	sadd.s32 $0x800, s25;
	_ =	swait.ge [sflag:s3], $0x10000  }
0x36: {  	s15 =	sshrl.u32 s16, $0x3;
	[sflag:s3] =	ssyncset.done $0x0  }
0x37: {  	s15 =	sadd.s32 s23, s15;
	[sflag:s3] =	ssyncadd.s32 $0xFFFF0000  }
0x38: {  	[tilespmem:s2], [sflag:$0x2] =	stream.linear.gather [hbm4b:s15+s2], $0x200, $0x38;
	[tilespmem:$0x10200] =	vst v63  }
0x39: {  	_ =	swait.ge [sflag:s3], $0x200  }
0x3a: {  	[sflag:s3] =	ssyncset.done $0x0  }
0x3b: {  	[sflag:s3] =	ssyncadd.s32 $0xFFFFFE00  }
0x3c: {  	[tilespmem:s6], [sflag:$0x1] =	stream.indirect.gather [hbm4b:s5+s6], $0x80, s2, s6, $0xb8;
	[tilespmem:$0x10200] =	vst v63  }
0x3d: {  	_ =	swait.ge [sflag:s7], $0x10000  }
0x3e: {  	s16 =	sshll.u32 s16, $0x4;
	[sflag:s7] =	ssyncset.done $0x0  }
0x3f: {  	s16 =	sadd.s32 s26, s16;
	[sflag:s7] =	ssyncadd.s32 $0xFFFF0000  }
0x40: {  	[hbm4b:s16+s2] =	stream.linear.scatter [tilespmem:s6], [sflag:$0x2], $0x10000, $0x38;
	[tilespmem:$0x10200] =	vst v63  }
0x41: {  	s18 =	sadd.s32 $0xA00, s25;
	_ =	swait.ge [sflag:s3], $0x10000  }
0x42: {  	s17 =	sshrl.u32 s18, $0x3;
	[sflag:s3] =	ssyncset.done $0x0  }
0x43: {  	s17 =	sadd.s32 s23, s17;
	[sflag:s3] =	ssyncadd.s32 $0xFFFF0000  }
0x44: {  	[tilespmem:s2], [sflag:$0x2] =	stream.linear.gather [hbm4b:s17+s2], $0x200, $0x38;
	[tilespmem:$0x10200] =	vst v63  }
0x45: {  	_ =	swait.ge [sflag:s3], $0x200  }
0x46: {  	[sflag:s3] =	ssyncset.done $0x0  }
0x47: {  	[sflag:s3] =	ssyncadd.s32 $0xFFFFFE00  }
0x48: {  	[tilespmem:s6], [sflag:$0x1] =	stream.indirect.gather [hbm4b:s5+s6], $0x80, s2, s6, $0xb8;
	[tilespmem:$0x10200] =	vst v63  }
0x49: {  	_ =	swait.ge [sflag:s7], $0x10000  }
0x4a: {  	s18 =	sshll.u32 s18, $0x4;
	[sflag:s7] =	ssyncset.done $0x0  }
0x4b: {  	s18 =	sadd.s32 s26, s18;
	[sflag:s7] =	ssyncadd.s32 $0xFFFF0000  }
0x4c: {  	[hbm4b:s18+s2] =	stream.linear.scatter [tilespmem:s6], [sflag:$0x2], $0x10000, $0x38;
	[tilespmem:$0x10200] =	vst v63  }
0x4d: {  	s20 =	sadd.s32 $0xC00, s25;
	_ =	swait.ge [sflag:s3], $0x10000  }
0x4e: {  	s19 =	sshrl.u32 s20, $0x3;
	[sflag:s3] =	ssyncset.done $0x0  }
0x4f: {  	s19 =	sadd.s32 s23, s19;
	[sflag:s3] =	ssyncadd.s32 $0xFFFF0000  }
0x50: {  	[tilespmem:s2], [sflag:$0x2] =	stream.linear.gather [hbm4b:s19+s2], $0x200, $0x38;
	[tilespmem:$0x10200] =	vst v63  }
0x51: {  	_ =	swait.ge [sflag:s3], $0x200  }
0x52: {  	[sflag:s3] =	ssyncset.done $0x0  }
0x53: {  	[sflag:s3] =	ssyncadd.s32 $0xFFFFFE00  }
0x54: {  	[tilespmem:s6], [sflag:$0x1] =	stream.indirect.gather [hbm4b:s5+s6], $0x80, s2, s6, $0xb8;
	[tilespmem:$0x10200] =	vst v63  }
0x55: {  	_ =	swait.ge [sflag:s7], $0x10000  }
0x56: {  	s20 =	sshll.u32 s20, $0x4;
	[sflag:s7] =	ssyncset.done $0x0  }
0x57: {  	s20 =	sadd.s32 s26, s20;
	[sflag:s7] =	ssyncadd.s32 $0xFFFF0000  }
0x58: {  	[hbm4b:s20+s2] =	stream.linear.scatter [tilespmem:s6], [sflag:$0x2], $0x10000, $0x38;
	[tilespmem:$0x10200] =	vst v63  }
0x59: {  	s22 =	sadd.s32 $0xE00, s25;
	_ =	swait.ge [sflag:s3], $0x10000  }
0x5a: {  	s21 =	sshrl.u32 s22, $0x3;
	[sflag:s3] =	ssyncset.done $0x0  }
0x5b: {  	s21 =	sadd.s32 s23, s21;
	[sflag:s3] =	ssyncadd.s32 $0xFFFF0000  }
0x5c: {  	[tilespmem:s2], [sflag:$0x2] =	stream.linear.gather [hbm4b:s21+s2], $0x200, $0x38;
	[tilespmem:$0x10200] =	vst v63  }
0x5d: {  	_ =	swait.ge [sflag:s3], $0x200  }
0x5e: {  	[sflag:s3] =	ssyncset.done $0x0  }
0x5f: {  	[sflag:s3] =	ssyncadd.s32 $0xFFFFFE00  }
0x60: {  	[tilespmem:s6], [sflag:$0x1] =	stream.indirect.gather [hbm4b:s5+s6], $0x80, s2, s6, $0xb8;
	[tilespmem:$0x10200] =	vst v63  }
0x61: {  	_ =	swait.ge [sflag:s7], $0x10000  }
0x62: {  	s22 =	sshll.u32 s22, $0x4;
	[sflag:s7] =	ssyncset.done $0x0  }
0x63: {  	s22 =	sadd.s32 s26, s22;
	[sflag:s7] =	ssyncadd.s32 $0xFFFF0000  }
0x64: {  	[hbm4b:s22+s2] =	stream.linear.scatter [tilespmem:s6], [sflag:$0x2], $0x10000, $0x38;
	[tilespmem:$0x10200] =	vst v63  }
0x65: {  	s25 =	sadd.s32 $0x1000, s25;
	_ =	swait.ge [sflag:s3], $0x10000  }
0x66: {  	s28 =	sshrl.u32 s25, $0x3;
	[sflag:s3] =	ssyncset.done $0x0  }
0x67: {  	s24 =	ssub.s32 $0x2, s24;
	s23 =	sadd.s32 s23, s28;
	[sflag:s3] =	ssyncadd.s32 $0xFFFF0000  }
0x68: {  	[tilespmem:s2], [sflag:$0x2] =	stream.linear.gather [hbm4b:s23+s2], $0x200, $0x38;
	[tilespmem:$0x10200] =	vst v63  }
0x69: {  	s29 =	sshrl.u32 s24, $0x1;
	_ =	swait.ge [sflag:s3], $0x200  }
0x6a: {  	s28 =	ssub.s32 s24, s29;
	[sflag:s3] =	ssyncset.done $0x0  }
0x6b: {  	s31 =	smax.u32 s28, $0x1;
	[sflag:s3] =	ssyncadd.s32 $0xFFFFFE00  }
0x6c: {  	[tilespmem:s6], [sflag:$0x1] =	stream.indirect.gather [hbm4b:s5+s6], $0x80, s2, s6, $0xb8;
	[tilespmem:$0x10200] =	vst v63  }
0x6d: {  	p0 =	sne.s32 s31, $0x1;
	_ =	swait.ge [sflag:s7], $0x10000  }
.Ltmp0:
0x6e: {  	s30 =	sshll.u32 s25, $0x4;
	[sflag:s7] =	ssyncset.done $0x0;
	(pc) =	sbr.rel @!p0 .LBB2_2-.Ltmp0, $4  }
0x6f: {  	s24 =	sadd.s32 s26, s30;
	[sflag:s7] =	ssyncadd.s32 $0xFFFF0000  }
0x70: {  	[hbm4b:s24+s2] =	stream.linear.scatter [tilespmem:s6], [sflag:$0x2], $0x10000, $0x38;
	[tilespmem:$0x10200] =	vst v63  }
0x71: {  	_ =	swait.ge [sflag:s3], $0x10000  }
0x72: {  	s25 =	sadd.s32 $0xFFFFFFFF, s31;
	[sflag:s3] =	ssyncset.done $0x0  }
.LBB2_1:
0x73: {  	p0 =	sne.s32 s25, $0x1;
	s25 =	sadd.s32 $0xFFFFFFFF, s25;
	[sflag:s3] =	ssyncadd.s32 $0xFFFF0000  }
0x74: {  	[tilespmem:s2], [sflag:$0x2] =	stream.linear.gather [hbm4b:s4+s2], $0x200, $0x38;
	[tilespmem:$0x10200] =	vst v63  }
0x75: {  	_ =	swait.ge [sflag:s3], $0x200  }
0x76: {  	[sflag:s3] =	ssyncset.done $0x0  }
0x77: {  	[sflag:s3] =	ssyncadd.s32 $0xFFFFFE00  }
0x78: {  	[tilespmem:s6], [sflag:$0x1] =	stream.indirect.gather [hbm4b:s5+s6], $0x80, s2, s6, $0xb8;
	[tilespmem:$0x10200] =	vst v63  }
0x79: {  	_ =	swait.ge [sflag:s7], $0x10000  }
0x7a: {  	[sflag:s7] =	ssyncset.done $0x0  }
0x7b: {  	[sflag:s7] =	ssyncadd.s32 $0xFFFF0000  }
0x7c: {  	[hbm4b:s8+s2] =	stream.linear.scatter [tilespmem:s6], [sflag:$0x2], $0x10000, $0x38;
	[tilespmem:$0x10200] =	vst v63  }
0x7d: {  	_ =	swait.ge [sflag:s3], $0x10000  }
0x7e: {  	[sflag:s3] =	ssyncset.done $0x0  }
0x7f: {  	[sflag:s3] =	ssyncadd.s32 $0xFFFF0000  }
0x80: {  	[tilespmem:s2], [sflag:$0x2] =	stream.linear.gather [hbm4b:s9+s2], $0x200, $0x38;
	[tilespmem:$0x10200] =	vst v63  }
0x81: {  	_ =	swait.ge [sflag:s3], $0x200  }
0x82: {  	[sflag:s3] =	ssyncset.done $0x0  }
0x83: {  	[sflag:s3] =	ssyncadd.s32 $0xFFFFFE00  }
0x84: {  	[tilespmem:s6], [sflag:$0x1] =	stream.indirect.gather [hbm4b:s5+s6], $0x80, s2, s6, $0xb8;
	[tilespmem:$0x10200] =	vst v63  }
0x85: {  	_ =	swait.ge [sflag:s7], $0x10000  }
0x86: {  	[sflag:s7] =	ssyncset.done $0x0  }
0x87: {  	[sflag:s7] =	ssyncadd.s32 $0xFFFF0000  }
0x88: {  	[hbm4b:s10+s2] =	stream.linear.scatter [tilespmem:s6], [sflag:$0x2], $0x10000, $0x38;
	[tilespmem:$0x10200] =	vst v63  }
0x89: {  	_ =	swait.ge [sflag:s3], $0x10000  }
0x8a: {  	[sflag:s3] =	ssyncset.done $0x0  }
0x8b: {  	[sflag:s3] =	ssyncadd.s32 $0xFFFF0000  }
0x8c: {  	[tilespmem:s2], [sflag:$0x2] =	stream.linear.gather [hbm4b:s11+s2], $0x200, $0x38;
	[tilespmem:$0x10200] =	vst v63  }
0x8d: {  	_ =	swait.ge [sflag:s3], $0x200  }
0x8e: {  	[sflag:s3] =	ssyncset.done $0x0  }
0x8f: {  	[sflag:s3] =	ssyncadd.s32 $0xFFFFFE00  }
0x90: {  	[tilespmem:s6], [sflag:$0x1] =	stream.indirect.gather [hbm4b:s5+s6], $0x80, s2, s6, $0xb8;
	[tilespmem:$0x10200] =	vst v63  }
0x91: {  	_ =	swait.ge [sflag:s7], $0x10000  }
0x92: {  	[sflag:s7] =	ssyncset.done $0x0  }
0x93: {  	[sflag:s7] =	ssyncadd.s32 $0xFFFF0000  }
0x94: {  	[hbm4b:s12+s2] =	stream.linear.scatter [tilespmem:s6], [sflag:$0x2], $0x10000, $0x38;
	[tilespmem:$0x10200] =	vst v63  }
0x95: {  	_ =	swait.ge [sflag:s3], $0x10000  }
0x96: {  	[sflag:s3] =	ssyncset.done $0x0  }
0x97: {  	[sflag:s3] =	ssyncadd.s32 $0xFFFF0000  }
0x98: {  	[tilespmem:s2], [sflag:$0x2] =	stream.linear.gather [hbm4b:s13+s2], $0x200, $0x38;
	[tilespmem:$0x10200] =	vst v63  }
0x99: {  	_ =	swait.ge [sflag:s3], $0x200  }
0x9a: {  	[sflag:s3] =	ssyncset.done $0x0  }
0x9b: {  	[sflag:s3] =	ssyncadd.s32 $0xFFFFFE00  }
0x9c: {  	[tilespmem:s6], [sflag:$0x1] =	stream.indirect.gather [hbm4b:s5+s6], $0x80, s2, s6, $0xb8;
	[tilespmem:$0x10200] =	vst v63  }
0x9d: {  	_ =	swait.ge [sflag:s7], $0x10000  }
0x9e: {  	[sflag:s7] =	ssyncset.done $0x0  }
0x9f: {  	[sflag:s7] =	ssyncadd.s32 $0xFFFF0000  }
0xa0: {  	[hbm4b:s14+s2] =	stream.linear.scatter [tilespmem:s6], [sflag:$0x2], $0x10000, $0x38;
	[tilespmem:$0x10200] =	vst v63  }
0xa1: {  	_ =	swait.ge [sflag:s3], $0x10000  }
0xa2: {  	[sflag:s3] =	ssyncset.done $0x0  }
0xa3: {  	[sflag:s3] =	ssyncadd.s32 $0xFFFF0000  }
0xa4: {  	[tilespmem:s2], [sflag:$0x2] =	stream.linear.gather [hbm4b:s15+s2], $0x200, $0x38;
	[tilespmem:$0x10200] =	vst v63  }
0xa5: {  	_ =	swait.ge [sflag:s3], $0x200  }
0xa6: {  	[sflag:s3] =	ssyncset.done $0x0  }
0xa7: {  	[sflag:s3] =	ssyncadd.s32 $0xFFFFFE00  }
0xa8: {  	[tilespmem:s6], [sflag:$0x1] =	stream.indirect.gather [hbm4b:s5+s6], $0x80, s2, s6, $0xb8;
	[tilespmem:$0x10200] =	vst v63  }
0xa9: {  	_ =	swait.ge [sflag:s7], $0x10000  }
0xaa: {  	[sflag:s7] =	ssyncset.done $0x0  }
0xab: {  	[sflag:s7] =	ssyncadd.s32 $0xFFFF0000  }
0xac: {  	[hbm4b:s16+s2] =	stream.linear.scatter [tilespmem:s6], [sflag:$0x2], $0x10000, $0x38;
	[tilespmem:$0x10200] =	vst v63  }
0xad: {  	_ =	swait.ge [sflag:s3], $0x10000  }
0xae: {  	[sflag:s3] =	ssyncset.done $0x0  }
0xaf: {  	[sflag:s3] =	ssyncadd.s32 $0xFFFF0000  }
0xb0: {  	[tilespmem:s2], [sflag:$0x2] =	stream.linear.gather [hbm4b:s17+s2], $0x200, $0x38;
	[tilespmem:$0x10200] =	vst v63  }
0xb1: {  	_ =	swait.ge [sflag:s3], $0x200  }
0xb2: {  	[sflag:s3] =	ssyncset.done $0x0  }
0xb3: {  	[sflag:s3] =	ssyncadd.s32 $0xFFFFFE00  }
0xb4: {  	[tilespmem:s6], [sflag:$0x1] =	stream.indirect.gather [hbm4b:s5+s6], $0x80, s2, s6, $0xb8;
	[tilespmem:$0x10200] =	vst v63  }
0xb5: {  	_ =	swait.ge [sflag:s7], $0x10000  }
0xb6: {  	[sflag:s7] =	ssyncset.done $0x0  }
0xb7: {  	[sflag:s7] =	ssyncadd.s32 $0xFFFF0000  }
0xb8: {  	[hbm4b:s18+s2] =	stream.linear.scatter [tilespmem:s6], [sflag:$0x2], $0x10000, $0x38;
	[tilespmem:$0x10200] =	vst v63  }
0xb9: {  	_ =	swait.ge [sflag:s3], $0x10000  }
0xba: {  	[sflag:s3] =	ssyncset.done $0x0  }
0xbb: {  	[sflag:s3] =	ssyncadd.s32 $0xFFFF0000  }
0xbc: {  	[tilespmem:s2], [sflag:$0x2] =	stream.linear.gather [hbm4b:s19+s2], $0x200, $0x38;
	[tilespmem:$0x10200] =	vst v63  }
0xbd: {  	_ =	swait.ge [sflag:s3], $0x200  }
0xbe: {  	[sflag:s3] =	ssyncset.done $0x0  }
0xbf: {  	[sflag:s3] =	ssyncadd.s32 $0xFFFFFE00  }
0xc0: {  	[tilespmem:s6], [sflag:$0x1] =	stream.indirect.gather [hbm4b:s5+s6], $0x80, s2, s6, $0xb8;
	[tilespmem:$0x10200] =	vst v63  }
0xc1: {  	_ =	swait.ge [sflag:s7], $0x10000  }
0xc2: {  	[sflag:s7] =	ssyncset.done $0x0  }
0xc3: {  	[sflag:s7] =	ssyncadd.s32 $0xFFFF0000  }
0xc4: {  	[hbm4b:s20+s2] =	stream.linear.scatter [tilespmem:s6], [sflag:$0x2], $0x10000, $0x38;
	[tilespmem:$0x10200] =	vst v63  }
0xc5: {  	_ =	swait.ge [sflag:s3], $0x10000  }
0xc6: {  	[sflag:s3] =	ssyncset.done $0x0  }
0xc7: {  	[sflag:s3] =	ssyncadd.s32 $0xFFFF0000  }
0xc8: {  	[tilespmem:s2], [sflag:$0x2] =	stream.linear.gather [hbm4b:s21+s2], $0x200, $0x38;
	[tilespmem:$0x10200] =	vst v63  }
0xc9: {  	_ =	swait.ge [sflag:s3], $0x200  }
0xca: {  	[sflag:s3] =	ssyncset.done $0x0  }
0xcb: {  	[sflag:s3] =	ssyncadd.s32 $0xFFFFFE00  }
0xcc: {  	[tilespmem:s6], [sflag:$0x1] =	stream.indirect.gather [hbm4b:s5+s6], $0x80, s2, s6, $0xb8;
	[tilespmem:$0x10200] =	vst v63  }
0xcd: {  	_ =	swait.ge [sflag:s7], $0x10000  }
0xce: {  	[sflag:s7] =	ssyncset.done $0x0  }
0xcf: {  	[sflag:s7] =	ssyncadd.s32 $0xFFFF0000  }
0xd0: {  	[hbm4b:s22+s2] =	stream.linear.scatter [tilespmem:s6], [sflag:$0x2], $0x10000, $0x38;
	[tilespmem:$0x10200] =	vst v63  }
0xd1: {  	_ =	swait.ge [sflag:s3], $0x10000  }
0xd2: {  	[sflag:s3] =	ssyncset.done $0x0  }
0xd3: {  	[sflag:s3] =	ssyncadd.s32 $0xFFFF0000  }
0xd4: {  	[tilespmem:s2], [sflag:$0x2] =	stream.linear.gather [hbm4b:s23+s2], $0x200, $0x38;
	[tilespmem:$0x10200] =	vst v63  }
0xd5: {  	_ =	swait.ge [sflag:s3], $0x200  }
0xd6: {  	[sflag:s3] =	ssyncset.done $0x0  }
0xd7: {  	[sflag:s3] =	ssyncadd.s32 $0xFFFFFE00  }
0xd8: {  	[tilespmem:s6], [sflag:$0x1] =	stream.indirect.gather [hbm4b:s5+s6], $0x80, s2, s6, $0xb8;
	[tilespmem:$0x10200] =	vst v63  }
0xd9: {  	_ =	swait.ge [sflag:s7], $0x10000  }
.Ltmp1:
0xda: {  	[sflag:s7] =	ssyncset.done $0x0;
	(pc) =	sbr.rel @p0 .LBB2_1-.Ltmp1, $4  }
0xdb: {  	[sflag:s7] =	ssyncadd.s32 $0xFFFF0000  }
0xdc: {  	[hbm4b:s24+s2] =	stream.linear.scatter [tilespmem:s6], [sflag:$0x2], $0x10000, $0x38;
	[tilespmem:$0x10200] =	vst v63  }
0xdd: {  	_ =	swait.ge [sflag:s3], $0x10000  }
0xde: {  	[sflag:s3] =	ssyncset.done $0x0  }
.LBB2_2:
0xdf: {  	[sflag:s3] =	ssyncadd.s32 $0xFFFF0000  }
0xe0: {  	_ =	sfence.sel $0x180000  }
0xe1: {  	[bflag:$0x0] =	sbarrier.arrive $0xFFFF  }
0xe2: {  	p0 =	sne.s32 s0, $0x0;
	_ =	strace $0x9000004A  }
0xe3: {  	s0 =	sadd.s32 @!p0 $0x100000, s1;
	[bflag:$0x2] =	sbarrier.arrive $0xFFFF  }
0xe4: {  	[sflag:s0] =	ssyncadd.tile.s32 @!p0 $0x1;
	_ =	shalt  }
.Lfunc_end2:
_tile_overlayer_lowered:
.L_overlay_start_2:
0xe5: {  	(tag) =	ssettag $0x2  }
0xe6: {  	s0 =	rddreg [dreg:$0x0];
	s2 =	stileid.u32  }
0xe7: {  	s1 =	rddreg [dreg:$0x1];
	p0 =	sne.s32 s2, $0x0  }
0xe8: {  	s3 =	rddreg [dreg:$0x2];
	[bflag:$0x3] =	sbarrier.arrive $0xFFFF;
	s2 =	simm.s32 @!p0 $0x1C02  }
0xe9: {  	[timem:s3], [sflag:s2] =	dma.local @!p0 [hbm:s0], s1  }
0xea: {  	s0 =	simm.s32 @!p0 $0x2  }
0xeb: {  	_ =	swait.ge @!p0 [sflag:s0], s1  }
0xec: {  	s1 =	ssub.s32 @!p0 $0x0, s1;
	[sflag:s0] =	ssyncset.done @!p0 $0x0  }
0xed: {  	[sflag:s0] =	ssyncadd.s32 @!p0 s1  }
0xee: {  	[bflag:$0x3] =	sbarrier.arrive $0xFFFF  }
0xef: {  	_ =	shalt  }

</sc_bundles>
